<compile_context>
chip_gen: v7x
topology: tpu7x:2x2x1
jax: 0.10.2.dev20260603
libtpu: 0.0.44.dev20260713+nightly
codegen_flags: <defaults>
</compile_context>

<pallas_src>
import functools

import jax
import jax.numpy as jnp
from jax import lax
from jax.experimental import pallas as pl
from jax.experimental.pallas import tpu as pltpu
from jax.experimental.pallas import tpu_sc as plsc

N = 10000
E = 320000
D = 128
NC = 2
NS = 16
NW = NC * NS
CHUNK = 128
CPT = 80
TOTC = NW * CPT
EPAD = TOTC * CHUNK
NPAD = 10240
RPT = NPAD // NS
RB = 1024
GRID = NPAD // RB
SLAB = 40
assert CPT % SLAB == 0 and SLAB % 8 == 0

_mesh = plsc.VectorSubcoreMesh(core_axis_name="c", subcore_axis_name="s")



@functools.partial(
    pl.kernel,
    mesh=_mesh,
    out_type=jax.ShapeDtypeStruct((NC, NPAD, D), jnp.float32),
    scratch_types=[
        pltpu.VMEM((CPT, CHUNK), jnp.int32),
        pltpu.VMEM((CHUNK, D), jnp.float32),
        pltpu.VMEM((CHUNK, D), jnp.float32),
        pltpu.VMEM_SHARED((NPAD, D), jnp.float32),
    ],
)
def _deg_kernel(dst_hbm, deg_hbm, idx_v, ones_v, zero_v, acc):
    c = lax.axis_index("c")
    s = lax.axis_index("s")
    wid = c * NS + s

    def fill_ones(i, _):
        for k in range(D // 16):
            ones_v[i, pl.ds(k * 16, 16)] = jnp.full((16,), 1.0, jnp.float32)
        return 0

    lax.fori_loop(0, CHUNK, fill_ones, 0)

    def fill_zero(i, _):
        for k in range(D // 16):
            zero_v[i, pl.ds(k * 16, 16)] = jnp.zeros((16,), jnp.float32)
        return 0

    lax.fori_loop(0, CHUNK, fill_zero, 0)

    def zero_acc(t, _):
        pltpu.sync_copy(zero_v, acc.at[pl.ds(s * RPT + t * CHUNK, CHUNK)])
        return 0

    lax.fori_loop(0, RPT // CHUNK, zero_acc, 0)

    pltpu.sync_copy(dst_hbm.at[wid], idx_v)
    plsc.subcore_barrier()

    def body(j, _):
        pltpu.sync_copy(ones_v, acc.at[idx_v.at[j]], add=True)
        return 0

    lax.fori_loop(0, CPT, body, 0)

    plsc.subcore_barrier()

    def copy_out(t, _):
        pltpu.sync_copy(acc.at[pl.ds(s * RPT + t * CHUNK, CHUNK)],
                        deg_hbm.at[c, pl.ds(s * RPT + t * CHUNK, CHUNK)])
        return 0

    lax.fori_loop(0, RPT // CHUNK, copy_out, 0)


NBUF = 2


@functools.partial(
    pl.kernel,
    mesh=_mesh,
    out_type=jax.ShapeDtypeStruct((NC, NPAD, D), jnp.float32),
    scratch_types=[
        pltpu.VMEM((SLAB, CHUNK), jnp.int32),
        pltpu.VMEM((SLAB, CHUNK), jnp.int32),
        pltpu.VMEM_SHARED((NPAD, D), jnp.float32),
    ]
    + [pltpu.VMEM((CHUNK, D), jnp.float32)] * NBUF
    + [pltpu.SemaphoreType.DMA] * NBUF,
)
def _agg_kernel(h_hbm, src_hbm, dst_hbm, out_hbm, sidx, didx, acc, *bufsem):
    bufs = bufsem[:NBUF]
    gsem = bufsem[NBUF:]
    c = lax.axis_index("c")
    s = lax.axis_index("s")
    wid = c * NS + s

    def zero_buf(r, _):
        for k in range(D // 16):
            bufs[0][r, pl.ds(k * 16, 16)] = jnp.zeros((16,), jnp.float32)
        return 0

    lax.fori_loop(0, CHUNK, zero_buf, 0)

    def zero_acc(t, _):
        pltpu.sync_copy(bufs[0], acc.at[pl.ds(s * RPT + t * CHUNK, CHUNK)])
        return 0

    lax.fori_loop(0, RPT // CHUNK, zero_acc, 0)
    plsc.subcore_barrier()

    for p in range(CPT // SLAB):
        pltpu.sync_copy(src_hbm.at[wid, pl.ds(p * SLAB, SLAB)], sidx)
        pltpu.sync_copy(dst_hbm.at[wid, pl.ds(p * SLAB, SLAB)], didx)

        for b in range(NBUF):
            pltpu.async_copy(h_hbm.at[sidx.at[b]], bufs[b], gsem[b])

        def body(g, _):
            for b in range(NBUF):
                j = g * NBUF + b
                pltpu.make_async_copy(h_hbm.at[sidx.at[j]], bufs[b],
                                      gsem[b]).wait()
                pltpu.sync_copy(bufs[b], acc.at[didx.at[j]], add=True)
                pltpu.async_copy(h_hbm.at[sidx.at[j + NBUF]], bufs[b], gsem[b])
            return 0

        lax.fori_loop(0, SLAB // NBUF - 1, body, 0)

        for b in range(NBUF):
            j = SLAB - NBUF + b
            pltpu.make_async_copy(h_hbm.at[sidx.at[j]], bufs[b], gsem[b]).wait()
            pltpu.sync_copy(bufs[b], acc.at[didx.at[j]], add=True)

    plsc.subcore_barrier()

    def copy_out(t, _):
        pltpu.sync_copy(acc.at[pl.ds(s * RPT + t * CHUNK, CHUNK)],
                        out_hbm.at[c, pl.ds(s * RPT + t * CHUNK, CHUNK)])
        return 0

    lax.fori_loop(0, RPT // CHUNK, copy_out, 0)



def _k1_body(deg_ref, x_ref, w_ref, h_ref, dis_ref):
    i = pl.program_id(0)
    d2 = deg_ref[0, :, 0:1] + deg_ref[1, :, 0:1] + 1.0
    r2 = lax.broadcasted_iota(jnp.int32, (RB, 1), 0) + i * RB
    dis2 = jnp.where(r2 < N, lax.rsqrt(d2), 0.0)
    h = jnp.dot(x_ref[...], w_ref[...], preferred_element_type=jnp.float32,
                precision=lax.Precision.HIGHEST)
    h_ref[...] = h * dis2
    dis_ref[...] = dis2


_k1 = pl.pallas_call(
    _k1_body,
    grid=(GRID,),
    in_specs=[
        pl.BlockSpec((NC, RB, D), lambda i: (0, i, 0)),
        pl.BlockSpec((RB, D), lambda i: (i, 0)),
        pl.BlockSpec((D, D), lambda i: (0, 0)),
    ],
    out_specs=[
        pl.BlockSpec((RB, D), lambda i: (i, 0)),
        pl.BlockSpec((RB, 1), lambda i: (i, 0)),
    ],
    out_shape=[
        jax.ShapeDtypeStruct((NPAD, D), jnp.float32),
        jax.ShapeDtypeStruct((NPAD, 1), jnp.float32),
    ],
)


def _k2_body(part_ref, h1_ref, dis_ref, b1_ref, w2_ref, h2_ref):
    ssum = part_ref[0] + part_ref[1] + h1_ref[...]
    o1 = ssum * dis_ref[...] + b1_ref[...]
    a = jnp.maximum(o1, 0.0)
    h2_ref[...] = jnp.dot(a, w2_ref[...], preferred_element_type=jnp.float32,
                          precision=lax.Precision.HIGHEST) * dis_ref[...]


_k2 = pl.pallas_call(
    _k2_body,
    grid=(GRID,),
    in_specs=[
        pl.BlockSpec((NC, RB, D), lambda i: (0, i, 0)),
        pl.BlockSpec((RB, D), lambda i: (i, 0)),
        pl.BlockSpec((RB, 1), lambda i: (i, 0)),
        pl.BlockSpec((1, D), lambda i: (0, 0)),
        pl.BlockSpec((D, D), lambda i: (0, 0)),
    ],
    out_specs=pl.BlockSpec((RB, D), lambda i: (i, 0)),
    out_shape=jax.ShapeDtypeStruct((NPAD, D), jnp.float32),
)


def _k3_body(part_ref, h2_ref, dis_ref, b2_ref, out_ref):
    ssum = part_ref[0] + part_ref[1] + h2_ref[...]
    o = ssum * dis_ref[...] + b2_ref[...]
    m = jnp.max(o, axis=1, keepdims=True)
    ex = jnp.exp(o - m)
    lse = jnp.log(jnp.sum(ex, axis=1, keepdims=True))
    out_ref[...] = (o - m) - lse


_k3 = pl.pallas_call(
    _k3_body,
    grid=(GRID,),
    in_specs=[
        pl.BlockSpec((NC, RB, D), lambda i: (0, i, 0)),
        pl.BlockSpec((RB, D), lambda i: (i, 0)),
        pl.BlockSpec((RB, 1), lambda i: (i, 0)),
        pl.BlockSpec((1, D), lambda i: (0, 0)),
    ],
    out_specs=pl.BlockSpec((RB, D), lambda i: (i, 0)),
    out_shape=jax.ShapeDtypeStruct((NPAD, D), jnp.float32),
)



def kernel(x, edge_index, W1, b1, W2, b2):
    ei = edge_index.astype(jnp.int32)
    pad = jnp.full((EPAD - E,), N, jnp.int32)
    src2 = jnp.concatenate([ei[0], pad]).reshape(NW, CPT, CHUNK)
    dst2 = jnp.concatenate([ei[1], pad]).reshape(NW, CPT, CHUNK)
    xp = jnp.pad(x, ((0, NPAD - N), (0, 0)))
    b1r = b1.reshape(1, D)
    b2r = b2.reshape(1, D)

    degp = _deg_kernel(dst2)
    h1p, dis = _k1(degp, xp, W1)
    part1 = _agg_kernel(h1p, src2, dst2)
    h2p = _k2(part1, h1p, dis, b1r, W2)
    part2 = _agg_kernel(h2p, src2, dst2)
    outp = _k3(part2, h2p, dis, b2r)
    return outp[:N]

# --- scband reference (transcript-rebuilt; emitter-appended) ---
"""Pipeline reference for scband-drug-gnn-38096359916278 (READ-ONLY COPY).

The authoritative reference and input builder live on the scoring server;
editing this copy changes nothing except your own understanding.
"""

import jax, jax.numpy as jnp
import numpy as np

N_NODES = 10000
N_EDGES = 320000
D_IN = 128
D_HID = 128
D_OUT = 128


def gcn_conv(x, edge_index, W, b):
    n = x.shape[0]
    loop = jnp.arange(n, dtype=edge_index.dtype)
    src = jnp.concatenate([edge_index[0], loop])
    dst = jnp.concatenate([edge_index[1], loop])
    deg = jnp.zeros((n,), dtype=x.dtype).at[dst].add(1.0)
    deg_inv_sqrt = jnp.where(deg > 0, 1.0 / jnp.sqrt(deg), 0.0)
    norm = deg_inv_sqrt[src] * deg_inv_sqrt[dst]
    h = x @ W
    msg = h[src] * norm[:, None]
    out = jnp.zeros((n, h.shape[1]), dtype=x.dtype).at[dst].add(msg)
    return out + b


def setup_inputs(seed: int = 0) -> dict:
    key = jax.random.key(seed)
    k_x, k_e, k_w1, k_w2 = jax.random.split(key, 4)
    x = jax.random.normal(k_x, (N_NODES, D_IN), dtype=jnp.float32)
    edge_index = jax.random.randint(k_e, (2, N_EDGES), 0, N_NODES, dtype=jnp.int64)
    s1 = 1.0 / np.sqrt(D_IN)
    s2 = 1.0 / np.sqrt(D_HID)
    W1 = jax.random.uniform(k_w1, (D_IN, D_HID), dtype=jnp.float32, minval=-s1, maxval=s1)
    b1 = jnp.zeros((D_HID,), dtype=jnp.float32)
    W2 = jax.random.uniform(k_w2, (D_HID, D_OUT), dtype=jnp.float32, minval=-s2, maxval=s2)
    b2 = jnp.zeros((D_OUT,), dtype=jnp.float32)
    return {"x": x, "edge_index": edge_index, "W1": W1, "b1": b1, "W2": W2, "b2": b2}


def reference(x, edge_index, W1, b1, W2, b2):
    h = gcn_conv(x, edge_index, W1, b1)
    h = jax.nn.relu(h)
    # dropout is identity in eval mode (training=False)
    h = gcn_conv(h, edge_index, W2, b2)
    return jax.nn.log_softmax(h, axis=1)

if __name__ == "__main__":
    import jax
    _d = setup_inputs()
    print(jax.jit(kernel)(*tuple(_d.values())))

</pallas_src>

<mosaic_0001>
#map = affine_map<(d0, d1) -> (0, 0)>
#map1 = affine_map<(d0, d1) -> (0, 0, 0)>
module attributes {stable_mosaic.version = 14 : i64} {
  func.func @_agg_kernel(%arg0: i32, %arg1: i32, %arg2: memref<10240x128xf32, #tpu.memory_space<hbm>>, %arg3: memref<32x80x128xi32, #tpu.memory_space<hbm>>, %arg4: memref<32x80x128xi32, #tpu.memory_space<hbm>>, %arg5: memref<2x10240x128xf32, #tpu.memory_space<hbm>>, %arg6: memref<40x128xi32, #tpu.memory_space<vmem>>, %arg7: memref<40x128xi32, #tpu.memory_space<vmem>>, %arg8: memref<10240x128xf32, #tpu.memory_space<vmem_shared>>, %arg9: memref<128x128xf32, #tpu.memory_space<vmem>>, %arg10: memref<128x128xf32, #tpu.memory_space<vmem>>, %arg11: memref<!tpu.dma_semaphore, #tpu.memory_space<semaphore_mem>>, %arg12: memref<!tpu.dma_semaphore, #tpu.memory_space<semaphore_mem>>) attributes {dimension_semantics = [#tpu.dimension_semantics<core_parallel>, #tpu.dimension_semantics<subcore_parallel>], iteration_bounds = array<i64: 2, 16>, scalar_prefetch = 0 : i64, scratch_operands = 7 : i64, tpu.core_type = #tpu.core_type<sc_vector_subcore>, window_params = [{transform_indices = #map}, {transform_indices = #map1}, {transform_indices = #map1}, {transform_indices = #map1}]} {
    %mul3A = arith.constant 16 : i32
    %mul3A_0 = arith.muli %arg0, %mul3A : i32
    %add3A = arith.addi %mul3A_0, %arg1 : i32
    %scan3A = arith.constant 0 : i32
    %scan3A_1 = arith.constant 0 : i32
    %scan3A_2 = arith.constant 128 : i32
    %scan3A_3 = arith.addi %scan3A_1, %scan3A_2 : i32
    %scan3A_4 = arith.constant 1 : i32
    %scan3A_5 = scf.for %scan3A_93 = %scan3A_1 to %scan3A_3 step %scan3A_4 iter_args(%scan3A_94 = %scan3A) -> (i32)  : i32 {
      %broadcast_in_dim3A = arith.constant 0.000000e+00 : f32
      %broadcast_in_dim3A_95 = vector.broadcast %broadcast_in_dim3A : f32 to vector<16xf32>
      %swap3A = arith.index_cast %scan3A_93 : i32 to index
      %swap3A_96 = arith.constant 0 : index
      %swap3A_97 = tpu.vector_load %arg9[%swap3A, %swap3A_96] {strides = array<i32>} : memref<128x128xf32, #tpu.memory_space<vmem>>, vector<1x16xf32>,
      %swap3A_98 = vector.shape_cast %swap3A_97 : vector<1x16xf32> to vector<16xf32>
      %swap3A_99 = vector.shape_cast %broadcast_in_dim3A_95 : vector<16xf32> to vector<1x16xf32>
      tpu.vector_store %arg9[%swap3A, %swap3A_96], %swap3A_99 {strides = array<i32>} : memref<128x128xf32, #tpu.memory_space<vmem>>, vector<1x16xf32>,
      %broadcast_in_dim3A_100 = arith.constant 0.000000e+00 : f32
      %broadcast_in_dim3A_101 = vector.broadcast %broadcast_in_dim3A_100 : f32 to vector<16xf32>
      %swap3A_102 = arith.index_cast %scan3A_93 : i32 to index
      %swap3A_103 = arith.constant 16 : index
      %swap3A_104 = tpu.vector_load %arg9[%swap3A_102, %swap3A_103] {strides = array<i32>} : memref<128x128xf32, #tpu.memory_space<vmem>>, vector<1x16xf32>,
      %swap3A_105 = vector.shape_cast %swap3A_104 : vector<1x16xf32> to vector<16xf32>
      %swap3A_106 = vector.shape_cast %broadcast_in_dim3A_101 : vector<16xf32> to vector<1x16xf32>
      tpu.vector_store %arg9[%swap3A_102, %swap3A_103], %swap3A_106 {strides = array<i32>} : memref<128x128xf32, #tpu.memory_space<vmem>>, vector<1x16xf32>,
      %broadcast_in_dim3A_107 = arith.constant 0.000000e+00 : f32
      %broadcast_in_dim3A_108 = vector.broadcast %broadcast_in_dim3A_107 : f32 to vector<16xf32>
      %swap3A_109 = arith.index_cast %scan3A_93 : i32 to index
      %swap3A_110 = arith.constant 32 : index
      %swap3A_111 = tpu.vector_load %arg9[%swap3A_109, %swap3A_110] {strides = array<i32>} : memref<128x128xf32, #tpu.memory_space<vmem>>, vector<1x16xf32>,
      %swap3A_112 = vector.shape_cast %swap3A_111 : vector<1x16xf32> to vector<16xf32>
      %swap3A_113 = vector.shape_cast %broadcast_in_dim3A_108 : vector<16xf32> to vector<1x16xf32>
      tpu.vector_store %arg9[%swap3A_109, %swap3A_110], %swap3A_113 {strides = array<i32>} : memref<128x128xf32, #tpu.memory_space<vmem>>, vector<1x16xf32>,
      %broadcast_in_dim3A_114 = arith.constant 0.000000e+00 : f32
      %broadcast_in_dim3A_115 = vector.broadcast %broadcast_in_dim3A_114 : f32 to vector<16xf32>
      %swap3A_116 = arith.index_cast %scan3A_93 : i32 to index
      %swap3A_117 = arith.constant 48 : index
      %swap3A_118 = tpu.vector_load %arg9[%swap3A_116, %swap3A_117] {strides = array<i32>} : memref<128x128xf32, #tpu.memory_space<vmem>>, vector<1x16xf32>,
      %swap3A_119 = vector.shape_cast %swap3A_118 : vector<1x16xf32> to vector<16xf32>
      %swap3A_120 = vector.shape_cast %broadcast_in_dim3A_115 : vector<16xf32> to vector<1x16xf32>
      tpu.vector_store %arg9[%swap3A_116, %swap3A_117], %swap3A_120 {strides = array<i32>} : memref<128x128xf32, #tpu.memory_space<vmem>>, vector<1x16xf32>,
      %broadcast_in_dim3A_121 = arith.constant 0.000000e+00 : f32
      %broadcast_in_dim3A_122 = vector.broadcast %broadcast_in_dim3A_121 : f32 to vector<16xf32>
      %swap3A_123 = arith.index_cast %scan3A_93 : i32 to index
      %swap3A_124 = arith.constant 64 : index
      %swap3A_125 = tpu.vector_load %arg9[%swap3A_123, %swap3A_124] {strides = array<i32>} : memref<128x128xf32, #tpu.memory_space<vmem>>, vector<1x16xf32>,
      %swap3A_126 = vector.shape_cast %swap3A_125 : vector<1x16xf32> to vector<16xf32>
      %swap3A_127 = vector.shape_cast %broadcast_in_dim3A_122 : vector<16xf32> to vector<1x16xf32>
      tpu.vector_store %arg9[%swap3A_123, %swap3A_124], %swap3A_127 {strides = array<i32>} : memref<128x128xf32, #tpu.memory_space<vmem>>, vector<1x16xf32>,
      %broadcast_in_dim3A_128 = arith.constant 0.000000e+00 : f32
      %broadcast_in_dim3A_129 = vector.broadcast %broadcast_in_dim3A_128 : f32 to vector<16xf32>
      %swap3A_130 = arith.index_cast %scan3A_93 : i32 to index
      %swap3A_131 = arith.constant 80 : index
      %swap3A_132 = tpu.vector_load %arg9[%swap3A_130, %swap3A_131] {strides = array<i32>} : memref<128x128xf32, #tpu.memory_space<vmem>>, vector<1x16xf32>,
      %swap3A_133 = vector.shape_cast %swap3A_132 : vector<1x16xf32> to vector<16xf32>
      %swap3A_134 = vector.shape_cast %broadcast_in_dim3A_129 : vector<16xf32> to vector<1x16xf32>
      tpu.vector_store %arg9[%swap3A_130, %swap3A_131], %swap3A_134 {strides = array<i32>} : memref<128x128xf32, #tpu.memory_space<vmem>>, vector<1x16xf32>,
      %broadcast_in_dim3A_135 = arith.constant 0.000000e+00 : f32
      %broadcast_in_dim3A_136 = vector.broadcast %broadcast_in_dim3A_135 : f32 to vector<16xf32>
      %swap3A_137 = arith.index_cast %scan3A_93 : i32 to index
      %swap3A_138 = arith.constant 96 : index
      %swap3A_139 = tpu.vector_load %arg9[%swap3A_137, %swap3A_138] {strides = array<i32>} : memref<128x128xf32, #tpu.memory_space<vmem>>, vector<1x16xf32>,
      %swap3A_140 = vector.shape_cast %swap3A_139 : vector<1x16xf32> to vector<16xf32>
      %swap3A_141 = vector.shape_cast %broadcast_in_dim3A_136 : vector<16xf32> to vector<1x16xf32>
      tpu.vector_store %arg9[%swap3A_137, %swap3A_138], %swap3A_141 {strides = array<i32>} : memref<128x128xf32, #tpu.memory_space<vmem>>, vector<1x16xf32>,
      %broadcast_in_dim3A_142 = arith.constant 0.000000e+00 : f32
      %broadcast_in_dim3A_143 = vector.broadcast %broadcast_in_dim3A_142 : f32 to vector<16xf32>
      %swap3A_144 = arith.index_cast %scan3A_93 : i32 to index
      %swap3A_145 = arith.constant 112 : index
      %swap3A_146 = tpu.vector_load %arg9[%swap3A_144, %swap3A_145] {strides = array<i32>} : memref<128x128xf32, #tpu.memory_space<vmem>>, vector<1x16xf32>,
      %swap3A_147 = vector.shape_cast %swap3A_146 : vector<1x16xf32> to vector<16xf32>
      %swap3A_148 = vector.shape_cast %broadcast_in_dim3A_143 : vector<16xf32> to vector<1x16xf32>
      tpu.vector_store %arg9[%swap3A_144, %swap3A_145], %swap3A_148 {strides = array<i32>} : memref<128x128xf32, #tpu.memory_space<vmem>>, vector<1x16xf32>,
      %scan3A_149 = arith.constant 0 : i32
      scf.yield %scan3A_149 : i32
    }
    %scan3A_6 = arith.constant 128 : i32
    %scan3A_7 = arith.constant 0 : i32
    %scan3A_8 = arith.constant 0 : i32
    %scan3A_9 = arith.constant 5 : i32
    %scan3A_10 = arith.addi %scan3A_8, %scan3A_9 : i32
    %scan3A_11 = arith.constant 1 : i32
    %scan3A_12 = scf.for %scan3A_93 = %scan3A_8 to %scan3A_10 step %scan3A_11 iter_args(%scan3A_94 = %scan3A_7) -> (i32)  : i32 {
      %mul3A_95 = arith.constant 640 : i32
      %mul3A_96 = arith.muli %arg1, %mul3A_95 : i32
      %mul3A_97 = arith.constant 128 : i32
      %mul3A_98 = arith.muli %scan3A_93, %mul3A_97 : i32
      %add3A_99 = arith.addi %mul3A_96, %mul3A_98 : i32
      "tpu.region"() ({
        %run_scoped3A_101 = tpu.sem_alloc : memref<!tpu.dma_semaphore, #tpu.memory_space<semaphore_mem>>
        %dma_start3A_102 = arith.constant 0 : i32
        %dma_start3A_103 = tpu.memref_slice %arg8[%add3A_99, %dma_start3A_102] : memref<10240x128xf32, #tpu.memory_space<vmem_shared>> -> memref<128x128xf32, #tpu.memory_space<vmem_shared>>
        %dma_start3A_104 = arith.constant 0 : i32
        %dma_start3A_105 = tpu.memref_slice %arg8[%add3A_99, %dma_start3A_104] : memref<10240x128xf32, #tpu.memory_space<vmem_shared>> -> memref<128x128xf32, #tpu.memory_space<vmem_shared>>
        tpu.enqueue_dma source(%arg9 : memref<128x128xf32, #tpu.memory_space<vmem>>) target(%dma_start3A_105 : memref<128x128xf32, #tpu.memory_space<vmem_shared>>) target_semaphore(%run_scoped3A_101 : memref<!tpu.dma_semaphore, #tpu.memory_space<semaphore_mem>>)
        %dma_wait3A_106 = arith.constant 0 : i32
        %dma_wait3A_107 = tpu.memref_slice %arg8[%add3A_99, %dma_wait3A_106] : memref<10240x128xf32, #tpu.memory_space<vmem_shared>> -> memref<128x128xf32, #tpu.memory_space<vmem_shared>>
        %dma_wait3A_108 = arith.constant 0 : i32
        %dma_wait3A_109 = tpu.memref_slice %arg8[%add3A_99, %dma_wait3A_108] : memref<10240x128xf32, #tpu.memory_space<vmem_shared>> -> memref<128x128xf32, #tpu.memory_space<vmem_shared>>
        tpu.wait_dma2 semaphore(%run_scoped3A_101 : memref<!tpu.dma_semaphore, #tpu.memory_space<semaphore_mem>>) src(%arg9 : memref<128x128xf32, #tpu.memory_space<vmem>>) dst(%dma_wait3A_109 : memref<128x128xf32, #tpu.memory_space<vmem_shared>>)
        tpu.yield
      }) : () -> ()
      %scan3A_100 = arith.constant 0 : i32
      scf.yield %scan3A_100 : i32
    }
    %scan3A_13 = arith.constant 5 : i32
    %barrier3A = arith.constant 0 : index
    tpu.barrier barrier_id(%barrier3A)
    "tpu.region"() ({
      %run_scoped3A_93 = tpu.sem_alloc : memref<!tpu.dma_semaphore, #tpu.memory_space<semaphore_mem>>
      %dma_start3A_94 = arith.constant 0 : i32
      %dma_start3A_95 = arith.constant 0 : i32
      %dma_start3A_96 = tpu.memref_slice %arg3[%add3A, %dma_start3A_94, %dma_start3A_95] : memref<32x80x128xi32, #tpu.memory_space<hbm>> -> memref<1x40x128xi32, #tpu.memory_space<hbm>>
      %dma_start3A_97 = tpu.memref_squeeze %dma_start3A_96 : memref<1x40x128xi32, #tpu.memory_space<hbm>> -> memref<40x128xi32, #tpu.memory_space<hbm>>
      %dma_start3A_98 = arith.constant 0 : i32
      %dma_start3A_99 = arith.constant 0 : i32
      %dma_start3A_100 = tpu.memref_slice %arg3[%add3A, %dma_start3A_98, %dma_start3A_99] : memref<32x80x128xi32, #tpu.memory_space<hbm>> -> memref<1x40x128xi32, #tpu.memory_space<hbm>>
      %dma_start3A_101 = tpu.memref_squeeze %dma_start3A_100 : memref<1x40x128xi32, #tpu.memory_space<hbm>> -> memref<40x128xi32, #tpu.memory_space<hbm>>
      tpu.enqueue_dma source(%dma_start3A_101 : memref<40x128xi32, #tpu.memory_space<hbm>>) target(%arg6 : memref<40x128xi32, #tpu.memory_space<vmem>>) target_semaphore(%run_scoped3A_93 : memref<!tpu.dma_semaphore, #tpu.memory_space<semaphore_mem>>)
      %dma_wait3A_102 = arith.constant 0 : i32
      %dma_wait3A_103 = arith.constant 0 : i32
      %dma_wait3A_104 = tpu.memref_slice %arg3[%add3A, %dma_wait3A_102, %dma_wait3A_103] : memref<32x80x128xi32, #tpu.memory_space<hbm>> -> memref<1x40x128xi32, #tpu.memory_space<hbm>>
      %dma_wait3A_105 = tpu.memref_squeeze %dma_wait3A_104 : memref<1x40x128xi32, #tpu.memory_space<hbm>> -> memref<40x128xi32, #tpu.memory_space<hbm>>
      %dma_wait3A_106 = arith.constant 0 : i32
      %dma_wait3A_107 = arith.constant 0 : i32
      %dma_wait3A_108 = tpu.memref_slice %arg3[%add3A, %dma_wait3A_106, %dma_wait3A_107] : memref<32x80x128xi32, #tpu.memory_space<hbm>> -> memref<1x40x128xi32, #tpu.memory_space<hbm>>
      %dma_wait3A_109 = tpu.memref_squeeze %dma_wait3A_108 : memref<1x40x128xi32, #tpu.memory_space<hbm>> -> memref<40x128xi32, #tpu.memory_space<hbm>>
      tpu.wait_dma2 semaphore(%run_scoped3A_93 : memref<!tpu.dma_semaphore, #tpu.memory_space<semaphore_mem>>) src(%dma_wait3A_109 : memref<40x128xi32, #tpu.memory_space<hbm>>) dst(%arg6 : memref<40x128xi32, #tpu.memory_space<vmem>>)
      tpu.yield
    }) : () -> ()
    "tpu.region"() ({
      %run_scoped3A_93 = tpu.sem_alloc : memref<!tpu.dma_semaphore, #tpu.memory_space<semaphore_mem>>
      %dma_start3A_94 = arith.constant 0 : i32
      %dma_start3A_95 = arith.constant 0 : i32
      %dma_start3A_96 = tpu.memref_slice %arg4[%add3A, %dma_start3A_94, %dma_start3A_95] : memref<32x80x128xi32, #tpu.memory_space<hbm>> -> memref<1x40x128xi32, #tpu.memory_space<hbm>>
      %dma_start3A_97 = tpu.memref_squeeze %dma_start3A_96 : memref<1x40x128xi32, #tpu.memory_space<hbm>> -> memref<40x128xi32, #tpu.memory_space<hbm>>
      %dma_start3A_98 = arith.constant 0 : i32
      %dma_start3A_99 = arith.constant 0 : i32
      %dma_start3A_100 = tpu.memref_slice %arg4[%add3A, %dma_start3A_98, %dma_start3A_99] : memref<32x80x128xi32, #tpu.memory_space<hbm>> -> memref<1x40x128xi32, #tpu.memory_space<hbm>>
      %dma_start3A_101 = tpu.memref_squeeze %dma_start3A_100 : memref<1x40x128xi32, #tpu.memory_space<hbm>> -> memref<40x128xi32, #tpu.memory_space<hbm>>
      tpu.enqueue_dma source(%dma_start3A_101 : memref<40x128xi32, #tpu.memory_space<hbm>>) target(%arg7 : memref<40x128xi32, #tpu.memory_space<vmem>>) target_semaphore(%run_scoped3A_93 : memref<!tpu.dma_semaphore, #tpu.memory_space<semaphore_mem>>)
      %dma_wait3A_102 = arith.constant 0 : i32
      %dma_wait3A_103 = arith.constant 0 : i32
      %dma_wait3A_104 = tpu.memref_slice %arg4[%add3A, %dma_wait3A_102, %dma_wait3A_103] : memref<32x80x128xi32, #tpu.memory_space<hbm>> -> memref<1x40x128xi32, #tpu.memory_space<hbm>>
      %dma_wait3A_105 = tpu.memref_squeeze %dma_wait3A_104 : memref<1x40x128xi32, #tpu.memory_space<hbm>> -> memref<40x128xi32, #tpu.memory_space<hbm>>
      %dma_wait3A_106 = arith.constant 0 : i32
      %dma_wait3A_107 = arith.constant 0 : i32
      %dma_wait3A_108 = tpu.memref_slice %arg4[%add3A, %dma_wait3A_106, %dma_wait3A_107] : memref<32x80x128xi32, #tpu.memory_space<hbm>> -> memref<1x40x128xi32, #tpu.memory_space<hbm>>
      %dma_wait3A_109 = tpu.memref_squeeze %dma_wait3A_108 : memref<1x40x128xi32, #tpu.memory_space<hbm>> -> memref<40x128xi32, #tpu.memory_space<hbm>>
      tpu.wait_dma2 semaphore(%run_scoped3A_93 : memref<!tpu.dma_semaphore, #tpu.memory_space<semaphore_mem>>) src(%dma_wait3A_109 : memref<40x128xi32, #tpu.memory_space<hbm>>) dst(%arg7 : memref<40x128xi32, #tpu.memory_space<vmem>>)
      tpu.yield
    }) : () -> ()
    %dma_start3A = arith.constant 0 : i32
    %dma_start3A_14 = arith.constant 0 : i32
    %dma_start3A_15 = tpu.memref_slice %arg6[%dma_start3A, %dma_start3A_14] : memref<40x128xi32, #tpu.memory_space<vmem>> -> memref<1x128xi32, #tpu.memory_space<vmem>>
    %dma_start3A_16 = tpu.memref_squeeze %dma_start3A_15 : memref<1x128xi32, #tpu.memory_space<vmem>> -> memref<128xi32, #tpu.memory_space<vmem>>
    %dma_start3A_17 = arith.constant 0 : i32
    %dma_start3A_18 = arith.constant 0 : i32
    %dma_start3A_19 = tpu.memref_slice %arg2[%dma_start3A_17, %dma_start3A_18] : memref<10240x128xf32, #tpu.memory_space<hbm>> -> memref<10240x128xf32, #tpu.memory_space<hbm>>
    tpu.enqueue_indirect_dma source(%dma_start3A_19 : memref<10240x128xf32, #tpu.memory_space<hbm>>) target(%arg9 : memref<128x128xf32, #tpu.memory_space<vmem>>) offsets(%dma_start3A_16 : memref<128xi32, #tpu.memory_space<vmem>>) semaphore(%arg11 : memref<!tpu.dma_semaphore, #tpu.memory_space<semaphore_mem>>)
    %dma_start3A_20 = arith.constant 1 : i32
    %dma_start3A_21 = arith.constant 0 : i32
    %dma_start3A_22 = tpu.memref_slice %arg6[%dma_start3A_20, %dma_start3A_21] : memref<40x128xi32, #tpu.memory_space<vmem>> -> memref<1x128xi32, #tpu.memory_space<vmem>>
    %dma_start3A_23 = tpu.memref_squeeze %dma_start3A_22 : memref<1x128xi32, #tpu.memory_space<vmem>> -> memref<128xi32, #tpu.memory_space<vmem>>
    %dma_start3A_24 = arith.constant 0 : i32
    %dma_start3A_25 = arith.constant 0 : i32
    %dma_start3A_26 = tpu.memref_slice %arg2[%dma_start3A_24, %dma_start3A_25] : memref<10240x128xf32, #tpu.memory_space<hbm>> -> memref<10240x128xf32, #tpu.memory_space<hbm>>
    tpu.enqueue_indirect_dma source(%dma_start3A_26 : memref<10240x128xf32, #tpu.memory_space<hbm>>) target(%arg10 : memref<128x128xf32, #tpu.memory_space<vmem>>) offsets(%dma_start3A_23 : memref<128xi32, #tpu.memory_space<vmem>>) semaphore(%arg12 : memref<!tpu.dma_semaphore, #tpu.memory_space<semaphore_mem>>)
    %scan3A_27 = arith.constant 0 : i32
    %scan3A_28 = arith.constant 0 : i32
    %scan3A_29 = arith.constant 19 : i32
    %scan3A_30 = arith.addi %scan3A_28, %scan3A_29 : i32
    %scan3A_31 = arith.constant 1 : i32
    %scan3A_32 = scf.for %scan3A_93 = %scan3A_28 to %scan3A_30 step %scan3A_31 iter_args(%scan3A_94 = %scan3A_27) -> (i32)  : i32 {
      %mul3A_95 = arith.constant 2 : i32
      %mul3A_96 = arith.muli %scan3A_93, %mul3A_95 : i32
      %add3A_97 = arith.constant 0 : i32
      %add3A_98 = arith.addi %mul3A_96, %add3A_97 : i32
      %dma_wait3A_99 = arith.constant 0 : i32
      %dma_wait3A_100 = tpu.memref_slice %arg6[%add3A_98, %dma_wait3A_99] : memref<40x128xi32, #tpu.memory_space<vmem>> -> memref<1x128xi32, #tpu.memory_space<vmem>>
      %dma_wait3A_101 = tpu.memref_squeeze %dma_wait3A_100 : memref<1x128xi32, #tpu.memory_space<vmem>> -> memref<128xi32, #tpu.memory_space<vmem>>
      %dma_wait3A_102 = arith.constant 0 : i32
      %dma_wait3A_103 = arith.constant 0 : i32
      %dma_wait3A_104 = tpu.memref_slice %arg2[%dma_wait3A_102, %dma_wait3A_103] : memref<10240x128xf32, #tpu.memory_space<hbm>> -> memref<10240x128xf32, #tpu.memory_space<hbm>>
      tpu.wait_indirect_dma semaphore(%arg11 : memref<!tpu.dma_semaphore, #tpu.memory_space<semaphore_mem>>) src(%dma_wait3A_104 : memref<10240x128xf32, #tpu.memory_space<hbm>>) dst(%arg9 : memref<128x128xf32, #tpu.memory_space<vmem>>)
      "tpu.region"() ({
        %run_scoped3A_132 = tpu.sem_alloc : memref<!tpu.dma_semaphore, #tpu.memory_space<semaphore_mem>>
        %dma_start3A_133 = arith.constant 0 : i32
        %dma_start3A_134 = tpu.memref_slice %arg7[%add3A_98, %dma_start3A_133] : memref<40x128xi32, #tpu.memory_space<vmem>> -> memref<1x128xi32, #tpu.memory_space<vmem>>
        %dma_start3A_135 = tpu.memref_squeeze %dma_start3A_134 : memref<1x128xi32, #tpu.memory_space<vmem>> -> memref<128xi32, #tpu.memory_space<vmem>>
        %dma_start3A_136 = arith.constant 0 : i32
        %dma_start3A_137 = arith.constant 0 : i32
        %dma_start3A_138 = tpu.memref_slice %arg8[%dma_start3A_136, %dma_start3A_137] : memref<10240x128xf32, #tpu.memory_space<vmem_shared>> -> memref<10240x128xf32, #tpu.memory_space<vmem_shared>>
        tpu.enqueue_indirect_dma source(%arg9 : memref<128x128xf32, #tpu.memory_space<vmem>>) target(%dma_start3A_138 : memref<10240x128xf32, #tpu.memory_space<vmem_shared>>) offsets(%dma_start3A_135 : memref<128xi32, #tpu.memory_space<vmem>>) semaphore(%run_scoped3A_132 : memref<!tpu.dma_semaphore, #tpu.memory_space<semaphore_mem>>) {add = true}
        %dma_wait3A_139 = arith.constant 0 : i32
        %dma_wait3A_140 = tpu.memref_slice %arg7[%add3A_98, %dma_wait3A_139] : memref<40x128xi32, #tpu.memory_space<vmem>> -> memref<1x128xi32, #tpu.memory_space<vmem>>
        %dma_wait3A_141 = tpu.memref_squeeze %dma_wait3A_140 : memref<1x128xi32, #tpu.memory_space<vmem>> -> memref<128xi32, #tpu.memory_space<vmem>>
        %dma_wait3A_142 = arith.constant 0 : i32
        %dma_wait3A_143 = arith.constant 0 : i32
        %dma_wait3A_144 = tpu.memref_slice %arg8[%dma_wait3A_142, %dma_wait3A_143] : memref<10240x128xf32, #tpu.memory_space<vmem_shared>> -> memref<10240x128xf32, #tpu.memory_space<vmem_shared>>
        tpu.wait_indirect_dma semaphore(%run_scoped3A_132 : memref<!tpu.dma_semaphore, #tpu.memory_space<semaphore_mem>>) src(%arg9 : memref<128x128xf32, #tpu.memory_space<vmem>>) dst(%dma_wait3A_144 : memref<10240x128xf32, #tpu.memory_space<vmem_shared>>)
        tpu.yield
      }) : () -> ()
      %add3A_105 = arith.constant 2 : i32
      %add3A_106 = arith.addi %add3A_98, %add3A_105 : i32
      %dma_start3A_107 = arith.constant 0 : i32
      %dma_start3A_108 = tpu.memref_slice %arg6[%add3A_106, %dma_start3A_107] : memref<40x128xi32, #tpu.memory_space<vmem>> -> memref<1x128xi32, #tpu.memory_space<vmem>>
      %dma_start3A_109 = tpu.memref_squeeze %dma_start3A_108 : memref<1x128xi32, #tpu.memory_space<vmem>> -> memref<128xi32, #tpu.memory_space<vmem>>
      %dma_start3A_110 = arith.constant 0 : i32
      %dma_start3A_111 = arith.constant 0 : i32
      %dma_start3A_112 = tpu.memref_slice %arg2[%dma_start3A_110, %dma_start3A_111] : memref<10240x128xf32, #tpu.memory_space<hbm>> -> memref<10240x128xf32, #tpu.memory_space<hbm>>
      tpu.enqueue_indirect_dma source(%dma_start3A_112 : memref<10240x128xf32, #tpu.memory_space<hbm>>) target(%arg9 : memref<128x128xf32, #tpu.memory_space<vmem>>) offsets(%dma_start3A_109 : memref<128xi32, #tpu.memory_space<vmem>>) semaphore(%arg11 : memref<!tpu.dma_semaphore, #tpu.memory_space<semaphore_mem>>)
      %mul3A_113 = arith.constant 2 : i32
      %mul3A_114 = arith.muli %scan3A_93, %mul3A_113 : i32
      %add3A_115 = arith.constant 1 : i32
      %add3A_116 = arith.addi %mul3A_114, %add3A_115 : i32
      %dma_wait3A_117 = arith.constant 0 : i32
      %dma_wait3A_118 = tpu.memref_slice %arg6[%add3A_116, %dma_wait3A_117] : memref<40x128xi32, #tpu.memory_space<vmem>> -> memref<1x128xi32, #tpu.memory_space<vmem>>
      %dma_wait3A_119 = tpu.memref_squeeze %dma_wait3A_118 : memref<1x128xi32, #tpu.memory_space<vmem>> -> memref<128xi32, #tpu.memory_space<vmem>>
      %dma_wait3A_120 = arith.constant 0 : i32
      %dma_wait3A_121 = arith.constant 0 : i32
      %dma_wait3A_122 = tpu.memref_slice %arg2[%dma_wait3A_120, %dma_wait3A_121] : memref<10240x128xf32, #tpu.memory_space<hbm>> -> memref<10240x128xf32, #tpu.memory_space<hbm>>
      tpu.wait_indirect_dma semaphore(%arg12 : memref<!tpu.dma_semaphore, #tpu.memory_space<semaphore_mem>>) src(%dma_wait3A_122 : memref<10240x128xf32, #tpu.memory_space<hbm>>) dst(%arg10 : memref<128x128xf32, #tpu.memory_space<vmem>>)
      "tpu.region"() ({
        %run_scoped3A_132 = tpu.sem_alloc : memref<!tpu.dma_semaphore, #tpu.memory_space<semaphore_mem>>
        %dma_start3A_133 = arith.constant 0 : i32
        %dma_start3A_134 = tpu.memref_slice %arg7[%add3A_116, %dma_start3A_133] : memref<40x128xi32, #tpu.memory_space<vmem>> -> memref<1x128xi32, #tpu.memory_space<vmem>>
        %dma_start3A_135 = tpu.memref_squeeze %dma_start3A_134 : memref<1x128xi32, #tpu.memory_space<vmem>> -> memref<128xi32, #tpu.memory_space<vmem>>
        %dma_start3A_136 = arith.constant 0 : i32
        %dma_start3A_137 = arith.constant 0 : i32
        %dma_start3A_138 = tpu.memref_slice %arg8[%dma_start3A_136, %dma_start3A_137] : memref<10240x128xf32, #tpu.memory_space<vmem_shared>> -> memref<10240x128xf32, #tpu.memory_space<vmem_shared>>
        tpu.enqueue_indirect_dma source(%arg10 : memref<128x128xf32, #tpu.memory_space<vmem>>) target(%dma_start3A_138 : memref<10240x128xf32, #tpu.memory_space<vmem_shared>>) offsets(%dma_start3A_135 : memref<128xi32, #tpu.memory_space<vmem>>) semaphore(%run_scoped3A_132 : memref<!tpu.dma_semaphore, #tpu.memory_space<semaphore_mem>>) {add = true}
        %dma_wait3A_139 = arith.constant 0 : i32
        %dma_wait3A_140 = tpu.memref_slice %arg7[%add3A_116, %dma_wait3A_139] : memref<40x128xi32, #tpu.memory_space<vmem>> -> memref<1x128xi32, #tpu.memory_space<vmem>>
        %dma_wait3A_141 = tpu.memref_squeeze %dma_wait3A_140 : memref<1x128xi32, #tpu.memory_space<vmem>> -> memref<128xi32, #tpu.memory_space<vmem>>
        %dma_wait3A_142 = arith.constant 0 : i32
        %dma_wait3A_143 = arith.constant 0 : i32
        %dma_wait3A_144 = tpu.memref_slice %arg8[%dma_wait3A_142, %dma_wait3A_143] : memref<10240x128xf32, #tpu.memory_space<vmem_shared>> -> memref<10240x128xf32, #tpu.memory_space<vmem_shared>>
        tpu.wait_indirect_dma semaphore(%run_scoped3A_132 : memref<!tpu.dma_semaphore, #tpu.memory_space<semaphore_mem>>) src(%arg10 : memref<128x128xf32, #tpu.memory_space<vmem>>) dst(%dma_wait3A_144 : memref<10240x128xf32, #tpu.memory_space<vmem_shared>>)
        tpu.yield
      }) : () -> ()
      %add3A_123 = arith.constant 2 : i32
      %add3A_124 = arith.addi %add3A_116, %add3A_123 : i32
      %dma_start3A_125 = arith.constant 0 : i32
      %dma_start3A_126 = tpu.memref_slice %arg6[%add3A_124, %dma_start3A_125] : memref<40x128xi32, #tpu.memory_space<vmem>> -> memref<1x128xi32, #tpu.memory_space<vmem>>
      %dma_start3A_127 = tpu.memref_squeeze %dma_start3A_126 : memref<1x128xi32, #tpu.memory_space<vmem>> -> memref<128xi32, #tpu.memory_space<vmem>>
      %dma_start3A_128 = arith.constant 0 : i32
      %dma_start3A_129 = arith.constant 0 : i32
      %dma_start3A_130 = tpu.memref_slice %arg2[%dma_start3A_128, %dma_start3A_129] : memref<10240x128xf32, #tpu.memory_space<hbm>> -> memref<10240x128xf32, #tpu.memory_space<hbm>>
      tpu.enqueue_indirect_dma source(%dma_start3A_130 : memref<10240x128xf32, #tpu.memory_space<hbm>>) target(%arg10 : memref<128x128xf32, #tpu.memory_space<vmem>>) offsets(%dma_start3A_127 : memref<128xi32, #tpu.memory_space<vmem>>) semaphore(%arg12 : memref<!tpu.dma_semaphore, #tpu.memory_space<semaphore_mem>>)
      %scan3A_131 = arith.constant 0 : i32
      scf.yield %scan3A_131 : i32
    }
    %scan3A_33 = arith.constant 19 : i32
    %dma_wait3A = arith.constant 38 : i32
    %dma_wait3A_34 = arith.constant 0 : i32
    %dma_wait3A_35 = tpu.memref_slice %arg6[%dma_wait3A, %dma_wait3A_34] : memref<40x128xi32, #tpu.memory_space<vmem>> -> memref<1x128xi32, #tpu.memory_space<vmem>>
    %dma_wait3A_36 = tpu.memref_squeeze %dma_wait3A_35 : memref<1x128xi32, #tpu.memory_space<vmem>> -> memref<128xi32, #tpu.memory_space<vmem>>
    %dma_wait3A_37 = arith.constant 0 : i32
    %dma_wait3A_38 = arith.constant 0 : i32
    %dma_wait3A_39 = tpu.memref_slice %arg2[%dma_wait3A_37, %dma_wait3A_38] : memref<10240x128xf32, #tpu.memory_space<hbm>> -> memref<10240x128xf32, #tpu.memory_space<hbm>>
    tpu.wait_indirect_dma semaphore(%arg11 : memref<!tpu.dma_semaphore, #tpu.memory_space<semaphore_mem>>) src(%dma_wait3A_39 : memref<10240x128xf32, #tpu.memory_space<hbm>>) dst(%arg9 : memref<128x128xf32, #tpu.memory_space<vmem>>)
    %run_scoped3A = arith.constant 38 : i32
    "tpu.region"() ({
      %run_scoped3A_93 = tpu.sem_alloc : memref<!tpu.dma_semaphore, #tpu.memory_space<semaphore_mem>>
      %dma_start3A_94 = arith.constant 0 : i32
      %dma_start3A_95 = tpu.memref_slice %arg7[%run_scoped3A, %dma_start3A_94] : memref<40x128xi32, #tpu.memory_space<vmem>> -> memref<1x128xi32, #tpu.memory_space<vmem>>
      %dma_start3A_96 = tpu.memref_squeeze %dma_start3A_95 : memref<1x128xi32, #tpu.memory_space<vmem>> -> memref<128xi32, #tpu.memory_space<vmem>>
      %dma_start3A_97 = arith.constant 0 : i32
      %dma_start3A_98 = arith.constant 0 : i32
      %dma_start3A_99 = tpu.memref_slice %arg8[%dma_start3A_97, %dma_start3A_98] : memref<10240x128xf32, #tpu.memory_space<vmem_shared>> -> memref<10240x128xf32, #tpu.memory_space<vmem_shared>>
      tpu.enqueue_indirect_dma source(%arg9 : memref<128x128xf32, #tpu.memory_space<vmem>>) target(%dma_start3A_99 : memref<10240x128xf32, #tpu.memory_space<vmem_shared>>) offsets(%dma_start3A_96 : memref<128xi32, #tpu.memory_space<vmem>>) semaphore(%run_scoped3A_93 : memref<!tpu.dma_semaphore, #tpu.memory_space<semaphore_mem>>) {add = true}
      %dma_wait3A_100 = arith.constant 0 : i32
      %dma_wait3A_101 = tpu.memref_slice %arg7[%run_scoped3A, %dma_wait3A_100] : memref<40x128xi32, #tpu.memory_space<vmem>> -> memref<1x128xi32, #tpu.memory_space<vmem>>
      %dma_wait3A_102 = tpu.memref_squeeze %dma_wait3A_101 : memref<1x128xi32, #tpu.memory_space<vmem>> -> memref<128xi32, #tpu.memory_space<vmem>>
      %dma_wait3A_103 = arith.constant 0 : i32
      %dma_wait3A_104 = arith.constant 0 : i32
      %dma_wait3A_105 = tpu.memref_slice %arg8[%dma_wait3A_103, %dma_wait3A_104] : memref<10240x128xf32, #tpu.memory_space<vmem_shared>> -> memref<10240x128xf32, #tpu.memory_space<vmem_shared>>
      tpu.wait_indirect_dma semaphore(%run_scoped3A_93 : memref<!tpu.dma_semaphore, #tpu.memory_space<semaphore_mem>>) src(%arg9 : memref<128x128xf32, #tpu.memory_space<vmem>>) dst(%dma_wait3A_105 : memref<10240x128xf32, #tpu.memory_space<vmem_shared>>)
      tpu.yield
    }) : () -> ()
    %dma_wait3A_40 = arith.constant 39 : i32
    %dma_wait3A_41 = arith.constant 0 : i32
    %dma_wait3A_42 = tpu.memref_slice %arg6[%dma_wait3A_40, %dma_wait3A_41] : memref<40x128xi32, #tpu.memory_space<vmem>> -> memref<1x128xi32, #tpu.memory_space<vmem>>
    %dma_wait3A_43 = tpu.memref_squeeze %dma_wait3A_42 : memref<1x128xi32, #tpu.memory_space<vmem>> -> memref<128xi32, #tpu.memory_space<vmem>>
    %dma_wait3A_44 = arith.constant 0 : i32
    %dma_wait3A_45 = arith.constant 0 : i32
    %dma_wait3A_46 = tpu.memref_slice %arg2[%dma_wait3A_44, %dma_wait3A_45] : memref<10240x128xf32, #tpu.memory_space<hbm>> -> memref<10240x128xf32, #tpu.memory_space<hbm>>
    tpu.wait_indirect_dma semaphore(%arg12 : memref<!tpu.dma_semaphore, #tpu.memory_space<semaphore_mem>>) src(%dma_wait3A_46 : memref<10240x128xf32, #tpu.memory_space<hbm>>) dst(%arg10 : memref<128x128xf32, #tpu.memory_space<vmem>>)
    %run_scoped3A_47 = arith.constant 39 : i32
    "tpu.region"() ({
      %run_scoped3A_93 = tpu.sem_alloc : memref<!tpu.dma_semaphore, #tpu.memory_space<semaphore_mem>>
      %dma_start3A_94 = arith.constant 0 : i32
      %dma_start3A_95 = tpu.memref_slice %arg7[%run_scoped3A_47, %dma_start3A_94] : memref<40x128xi32, #tpu.memory_space<vmem>> -> memref<1x128xi32, #tpu.memory_space<vmem>>
      %dma_start3A_96 = tpu.memref_squeeze %dma_start3A_95 : memref<1x128xi32, #tpu.memory_space<vmem>> -> memref<128xi32, #tpu.memory_space<vmem>>
      %dma_start3A_97 = arith.constant 0 : i32
      %dma_start3A_98 = arith.constant 0 : i32
      %dma_start3A_99 = tpu.memref_slice %arg8[%dma_start3A_97, %dma_start3A_98] : memref<10240x128xf32, #tpu.memory_space<vmem_shared>> -> memref<10240x128xf32, #tpu.memory_space<vmem_shared>>
      tpu.enqueue_indirect_dma source(%arg10 : memref<128x128xf32, #tpu.memory_space<vmem>>) target(%dma_start3A_99 : memref<10240x128xf32, #tpu.memory_space<vmem_shared>>) offsets(%dma_start3A_96 : memref<128xi32, #tpu.memory_space<vmem>>) semaphore(%run_scoped3A_93 : memref<!tpu.dma_semaphore, #tpu.memory_space<semaphore_mem>>) {add = true}
      %dma_wait3A_100 = arith.constant 0 : i32
      %dma_wait3A_101 = tpu.memref_slice %arg7[%run_scoped3A_47, %dma_wait3A_100] : memref<40x128xi32, #tpu.memory_space<vmem>> -> memref<1x128xi32, #tpu.memory_space<vmem>>
      %dma_wait3A_102 = tpu.memref_squeeze %dma_wait3A_101 : memref<1x128xi32, #tpu.memory_space<vmem>> -> memref<128xi32, #tpu.memory_space<vmem>>
      %dma_wait3A_103 = arith.constant 0 : i32
      %dma_wait3A_104 = arith.constant 0 : i32
      %dma_wait3A_105 = tpu.memref_slice %arg8[%dma_wait3A_103, %dma_wait3A_104] : memref<10240x128xf32, #tpu.memory_space<vmem_shared>> -> memref<10240x128xf32, #tpu.memory_space<vmem_shared>>
      tpu.wait_indirect_dma semaphore(%run_scoped3A_93 : memref<!tpu.dma_semaphore, #tpu.memory_space<semaphore_mem>>) src(%arg10 : memref<128x128xf32, #tpu.memory_space<vmem>>) dst(%dma_wait3A_105 : memref<10240x128xf32, #tpu.memory_space<vmem_shared>>)
      tpu.yield
    }) : () -> ()
    "tpu.region"() ({
      %run_scoped3A_93 = tpu.sem_alloc : memref<!tpu.dma_semaphore, #tpu.memory_space<semaphore_mem>>
      %dma_start3A_94 = arith.constant 40 : i32
      %dma_start3A_95 = arith.constant 0 : i32
      %dma_start3A_96 = tpu.memref_slice %arg3[%add3A, %dma_start3A_94, %dma_start3A_95] : memref<32x80x128xi32, #tpu.memory_space<hbm>> -> memref<1x40x128xi32, #tpu.memory_space<hbm>>
      %dma_start3A_97 = tpu.memref_squeeze %dma_start3A_96 : memref<1x40x128xi32, #tpu.memory_space<hbm>> -> memref<40x128xi32, #tpu.memory_space<hbm>>
      %dma_start3A_98 = arith.constant 40 : i32
      %dma_start3A_99 = arith.constant 0 : i32
      %dma_start3A_100 = tpu.memref_slice %arg3[%add3A, %dma_start3A_98, %dma_start3A_99] : memref<32x80x128xi32, #tpu.memory_space<hbm>> -> memref<1x40x128xi32, #tpu.memory_space<hbm>>
      %dma_start3A_101 = tpu.memref_squeeze %dma_start3A_100 : memref<1x40x128xi32, #tpu.memory_space<hbm>> -> memref<40x128xi32, #tpu.memory_space<hbm>>
      tpu.enqueue_dma source(%dma_start3A_101 : memref<40x128xi32, #tpu.memory_space<hbm>>) target(%arg6 : memref<40x128xi32, #tpu.memory_space<vmem>>) target_semaphore(%run_scoped3A_93 : memref<!tpu.dma_semaphore, #tpu.memory_space<semaphore_mem>>)
      %dma_wait3A_102 = arith.constant 40 : i32
      %dma_wait3A_103 = arith.constant 0 : i32
      %dma_wait3A_104 = tpu.memref_slice %arg3[%add3A, %dma_wait3A_102, %dma_wait3A_103] : memref<32x80x128xi32, #tpu.memory_space<hbm>> -> memref<1x40x128xi32, #tpu.memory_space<hbm>>
      %dma_wait3A_105 = tpu.memref_squeeze %dma_wait3A_104 : memref<1x40x128xi32, #tpu.memory_space<hbm>> -> memref<40x128xi32, #tpu.memory_space<hbm>>
      %dma_wait3A_106 = arith.constant 40 : i32
      %dma_wait3A_107 = arith.constant 0 : i32
      %dma_wait3A_108 = tpu.memref_slice %arg3[%add3A, %dma_wait3A_106, %dma_wait3A_107] : memref<32x80x128xi32, #tpu.memory_space<hbm>> -> memref<1x40x128xi32, #tpu.memory_space<hbm>>
      %dma_wait3A_109 = tpu.memref_squeeze %dma_wait3A_108 : memref<1x40x128xi32, #tpu.memory_space<hbm>> -> memref<40x128xi32, #tpu.memory_space<hbm>>
      tpu.wait_dma2 semaphore(%run_scoped3A_93 : memref<!tpu.dma_semaphore, #tpu.memory_space<semaphore_mem>>) src(%dma_wait3A_109 : memref<40x128xi32, #tpu.memory_space<hbm>>) dst(%arg6 : memref<40x128xi32, #tpu.memory_space<vmem>>)
      tpu.yield
    }) : () -> ()
    "tpu.region"() ({
      %run_scoped3A_93 = tpu.sem_alloc : memref<!tpu.dma_semaphore, #tpu.memory_space<semaphore_mem>>
      %dma_start3A_94 = arith.constant 40 : i32
      %dma_start3A_95 = arith.constant 0 : i32
      %dma_start3A_96 = tpu.memref_slice %arg4[%add3A, %dma_start3A_94, %dma_start3A_95] : memref<32x80x128xi32, #tpu.memory_space<hbm>> -> memref<1x40x128xi32, #tpu.memory_space<hbm>>
      %dma_start3A_97 = tpu.memref_squeeze %dma_start3A_96 : memref<1x40x128xi32, #tpu.memory_space<hbm>> -> memref<40x128xi32, #tpu.memory_space<hbm>>
      %dma_start3A_98 = arith.constant 40 : i32
      %dma_start3A_99 = arith.constant 0 : i32
      %dma_start3A_100 = tpu.memref_slice %arg4[%add3A, %dma_start3A_98, %dma_start3A_99] : memref<32x80x128xi32, #tpu.memory_space<hbm>> -> memref<1x40x128xi32, #tpu.memory_space<hbm>>
      %dma_start3A_101 = tpu.memref_squeeze %dma_start3A_100 : memref<1x40x128xi32, #tpu.memory_space<hbm>> -> memref<40x128xi32, #tpu.memory_space<hbm>>
      tpu.enqueue_dma source(%dma_start3A_101 : memref<40x128xi32, #tpu.memory_space<hbm>>) target(%arg7 : memref<40x128xi32, #tpu.memory_space<vmem>>) target_semaphore(%run_scoped3A_93 : memref<!tpu.dma_semaphore, #tpu.memory_space<semaphore_mem>>)
      %dma_wait3A_102 = arith.constant 40 : i32
      %dma_wait3A_103 = arith.constant 0 : i32
      %dma_wait3A_104 = tpu.memref_slice %arg4[%add3A, %dma_wait3A_102, %dma_wait3A_103] : memref<32x80x128xi32, #tpu.memory_space<hbm>> -> memref<1x40x128xi32, #tpu.memory_space<hbm>>
      %dma_wait3A_105 = tpu.memref_squeeze %dma_wait3A_104 : memref<1x40x128xi32, #tpu.memory_space<hbm>> -> memref<40x128xi32, #tpu.memory_space<hbm>>
      %dma_wait3A_106 = arith.constant 40 : i32
      %dma_wait3A_107 = arith.constant 0 : i32
      %dma_wait3A_108 = tpu.memref_slice %arg4[%add3A, %dma_wait3A_106, %dma_wait3A_107] : memref<32x80x128xi32, #tpu.memory_space<hbm>> -> memref<1x40x128xi32, #tpu.memory_space<hbm>>
      %dma_wait3A_109 = tpu.memref_squeeze %dma_wait3A_108 : memref<1x40x128xi32, #tpu.memory_space<hbm>> -> memref<40x128xi32, #tpu.memory_space<hbm>>
      tpu.wait_dma2 semaphore(%run_scoped3A_93 : memref<!tpu.dma_semaphore, #tpu.memory_space<semaphore_mem>>) src(%dma_wait3A_109 : memref<40x128xi32, #tpu.memory_space<hbm>>) dst(%arg7 : memref<40x128xi32, #tpu.memory_space<vmem>>)
      tpu.yield
    }) : () -> ()
    %dma_start3A_48 = arith.constant 0 : i32
    %dma_start3A_49 = arith.constant 0 : i32
    %dma_start3A_50 = tpu.memref_slice %arg6[%dma_start3A_48, %dma_start3A_49] : memref<40x128xi32, #tpu.memory_space<vmem>> -> memref<1x128xi32, #tpu.memory_space<vmem>>
    %dma_start3A_51 = tpu.memref_squeeze %dma_start3A_50 : memref<1x128xi32, #tpu.memory_space<vmem>> -> memref<128xi32, #tpu.memory_space<vmem>>
    %dma_start3A_52 = arith.constant 0 : i32
    %dma_start3A_53 = arith.constant 0 : i32
    %dma_start3A_54 = tpu.memref_slice %arg2[%dma_start3A_52, %dma_start3A_53] : memref<10240x128xf32, #tpu.memory_space<hbm>> -> memref<10240x128xf32, #tpu.memory_space<hbm>>
    tpu.enqueue_indirect_dma source(%dma_start3A_54 : memref<10240x128xf32, #tpu.memory_space<hbm>>) target(%arg9 : memref<128x128xf32, #tpu.memory_space<vmem>>) offsets(%dma_start3A_51 : memref<128xi32, #tpu.memory_space<vmem>>) semaphore(%arg11 : memref<!tpu.dma_semaphore, #tpu.memory_space<semaphore_mem>>)
    %dma_start3A_55 = arith.constant 1 : i32
    %dma_start3A_56 = arith.constant 0 : i32
    %dma_start3A_57 = tpu.memref_slice %arg6[%dma_start3A_55, %dma_start3A_56] : memref<40x128xi32, #tpu.memory_space<vmem>> -> memref<1x128xi32, #tpu.memory_space<vmem>>
    %dma_start3A_58 = tpu.memref_squeeze %dma_start3A_57 : memref<1x128xi32, #tpu.memory_space<vmem>> -> memref<128xi32, #tpu.memory_space<vmem>>
    %dma_start3A_59 = arith.constant 0 : i32
    %dma_start3A_60 = arith.constant 0 : i32
    %dma_start3A_61 = tpu.memref_slice %arg2[%dma_start3A_59, %dma_start3A_60] : memref<10240x128xf32, #tpu.memory_space<hbm>> -> memref<10240x128xf32, #tpu.memory_space<hbm>>
    tpu.enqueue_indirect_dma source(%dma_start3A_61 : memref<10240x128xf32, #tpu.memory_space<hbm>>) target(%arg10 : memref<128x128xf32, #tpu.memory_space<vmem>>) offsets(%dma_start3A_58 : memref<128xi32, #tpu.memory_space<vmem>>) semaphore(%arg12 : memref<!tpu.dma_semaphore, #tpu.memory_space<semaphore_mem>>)
    %scan3A_62 = arith.constant 0 : i32
    %scan3A_63 = arith.constant 0 : i32
    %scan3A_64 = arith.constant 19 : i32
    %scan3A_65 = arith.addi %scan3A_63, %scan3A_64 : i32
    %scan3A_66 = arith.constant 1 : i32
    %scan3A_67 = scf.for %scan3A_93 = %scan3A_63 to %scan3A_65 step %scan3A_66 iter_args(%scan3A_94 = %scan3A_62) -> (i32)  : i32 {
      %mul3A_95 = arith.constant 2 : i32
      %mul3A_96 = arith.muli %scan3A_93, %mul3A_95 : i32
      %add3A_97 = arith.constant 0 : i32
      %add3A_98 = arith.addi %mul3A_96, %add3A_97 : i32
      %dma_wait3A_99 = arith.constant 0 : i32
      %dma_wait3A_100 = tpu.memref_slice %arg6[%add3A_98, %dma_wait3A_99] : memref<40x128xi32, #tpu.memory_space<vmem>> -> memref<1x128xi32, #tpu.memory_space<vmem>>
      %dma_wait3A_101 = tpu.memref_squeeze %dma_wait3A_100 : memref<1x128xi32, #tpu.memory_space<vmem>> -> memref<128xi32, #tpu.memory_space<vmem>>
      %dma_wait3A_102 = arith.constant 0 : i32
      %dma_wait3A_103 = arith.constant 0 : i32
      %dma_wait3A_104 = tpu.memref_slice %arg2[%dma_wait3A_102, %dma_wait3A_103] : memref<10240x128xf32, #tpu.memory_space<hbm>> -> memref<10240x128xf32, #tpu.memory_space<hbm>>
      tpu.wait_indirect_dma semaphore(%arg11 : memref<!tpu.dma_semaphore, #tpu.memory_space<semaphore_mem>>) src(%dma_wait3A_104 : memref<10240x128xf32, #tpu.memory_space<hbm>>) dst(%arg9 : memref<128x128xf32, #tpu.memory_space<vmem>>)
      "tpu.region"() ({
        %run_scoped3A_132 = tpu.sem_alloc : memref<!tpu.dma_semaphore, #tpu.memory_space<semaphore_mem>>
        %dma_start3A_133 = arith.constant 0 : i32
        %dma_start3A_134 = tpu.memref_slice %arg7[%add3A_98, %dma_start3A_133] : memref<40x128xi32, #tpu.memory_space<vmem>> -> memref<1x128xi32, #tpu.memory_space<vmem>>
        %dma_start3A_135 = tpu.memref_squeeze %dma_start3A_134 : memref<1x128xi32, #tpu.memory_space<vmem>> -> memref<128xi32, #tpu.memory_space<vmem>>
        %dma_start3A_136 = arith.constant 0 : i32
        %dma_start3A_137 = arith.constant 0 : i32
        %dma_start3A_138 = tpu.memref_slice %arg8[%dma_start3A_136, %dma_start3A_137] : memref<10240x128xf32, #tpu.memory_space<vmem_shared>> -> memref<10240x128xf32, #tpu.memory_space<vmem_shared>>
        tpu.enqueue_indirect_dma source(%arg9 : memref<128x128xf32, #tpu.memory_space<vmem>>) target(%dma_start3A_138 : memref<10240x128xf32, #tpu.memory_space<vmem_shared>>) offsets(%dma_start3A_135 : memref<128xi32, #tpu.memory_space<vmem>>) semaphore(%run_scoped3A_132 : memref<!tpu.dma_semaphore, #tpu.memory_space<semaphore_mem>>) {add = true}
        %dma_wait3A_139 = arith.constant 0 : i32
        %dma_wait3A_140 = tpu.memref_slice %arg7[%add3A_98, %dma_wait3A_139] : memref<40x128xi32, #tpu.memory_space<vmem>> -> memref<1x128xi32, #tpu.memory_space<vmem>>
        %dma_wait3A_141 = tpu.memref_squeeze %dma_wait3A_140 : memref<1x128xi32, #tpu.memory_space<vmem>> -> memref<128xi32, #tpu.memory_space<vmem>>
        %dma_wait3A_142 = arith.constant 0 : i32
        %dma_wait3A_143 = arith.constant 0 : i32
        %dma_wait3A_144 = tpu.memref_slice %arg8[%dma_wait3A_142, %dma_wait3A_143] : memref<10240x128xf32, #tpu.memory_space<vmem_shared>> -> memref<10240x128xf32, #tpu.memory_space<vmem_shared>>
        tpu.wait_indirect_dma semaphore(%run_scoped3A_132 : memref<!tpu.dma_semaphore, #tpu.memory_space<semaphore_mem>>) src(%arg9 : memref<128x128xf32, #tpu.memory_space<vmem>>) dst(%dma_wait3A_144 : memref<10240x128xf32, #tpu.memory_space<vmem_shared>>)
        tpu.yield
      }) : () -> ()
      %add3A_105 = arith.constant 2 : i32
      %add3A_106 = arith.addi %add3A_98, %add3A_105 : i32
      %dma_start3A_107 = arith.constant 0 : i32
      %dma_start3A_108 = tpu.memref_slice %arg6[%add3A_106, %dma_start3A_107] : memref<40x128xi32, #tpu.memory_space<vmem>> -> memref<1x128xi32, #tpu.memory_space<vmem>>
      %dma_start3A_109 = tpu.memref_squeeze %dma_start3A_108 : memref<1x128xi32, #tpu.memory_space<vmem>> -> memref<128xi32, #tpu.memory_space<vmem>>
      %dma_start3A_110 = arith.constant 0 : i32
      %dma_start3A_111 = arith.constant 0 : i32
      %dma_start3A_112 = tpu.memref_slice %arg2[%dma_start3A_110, %dma_start3A_111] : memref<10240x128xf32, #tpu.memory_space<hbm>> -> memref<10240x128xf32, #tpu.memory_space<hbm>>
      tpu.enqueue_indirect_dma source(%dma_start3A_112 : memref<10240x128xf32, #tpu.memory_space<hbm>>) target(%arg9 : memref<128x128xf32, #tpu.memory_space<vmem>>) offsets(%dma_start3A_109 : memref<128xi32, #tpu.memory_space<vmem>>) semaphore(%arg11 : memref<!tpu.dma_semaphore, #tpu.memory_space<semaphore_mem>>)
      %mul3A_113 = arith.constant 2 : i32
      %mul3A_114 = arith.muli %scan3A_93, %mul3A_113 : i32
      %add3A_115 = arith.constant 1 : i32
      %add3A_116 = arith.addi %mul3A_114, %add3A_115 : i32
      %dma_wait3A_117 = arith.constant 0 : i32
      %dma_wait3A_118 = tpu.memref_slice %arg6[%add3A_116, %dma_wait3A_117] : memref<40x128xi32, #tpu.memory_space<vmem>> -> memref<1x128xi32, #tpu.memory_space<vmem>>
      %dma_wait3A_119 = tpu.memref_squeeze %dma_wait3A_118 : memref<1x128xi32, #tpu.memory_space<vmem>> -> memref<128xi32, #tpu.memory_space<vmem>>
      %dma_wait3A_120 = arith.constant 0 : i32
      %dma_wait3A_121 = arith.constant 0 : i32
      %dma_wait3A_122 = tpu.memref_slice %arg2[%dma_wait3A_120, %dma_wait3A_121] : memref<10240x128xf32, #tpu.memory_space<hbm>> -> memref<10240x128xf32, #tpu.memory_space<hbm>>
      tpu.wait_indirect_dma semaphore(%arg12 : memref<!tpu.dma_semaphore, #tpu.memory_space<semaphore_mem>>) src(%dma_wait3A_122 : memref<10240x128xf32, #tpu.memory_space<hbm>>) dst(%arg10 : memref<128x128xf32, #tpu.memory_space<vmem>>)
      "tpu.region"() ({
        %run_scoped3A_132 = tpu.sem_alloc : memref<!tpu.dma_semaphore, #tpu.memory_space<semaphore_mem>>
        %dma_start3A_133 = arith.constant 0 : i32
        %dma_start3A_134 = tpu.memref_slice %arg7[%add3A_116, %dma_start3A_133] : memref<40x128xi32, #tpu.memory_space<vmem>> -> memref<1x128xi32, #tpu.memory_space<vmem>>
        %dma_start3A_135 = tpu.memref_squeeze %dma_start3A_134 : memref<1x128xi32, #tpu.memory_space<vmem>> -> memref<128xi32, #tpu.memory_space<vmem>>
        %dma_start3A_136 = arith.constant 0 : i32
        %dma_start3A_137 = arith.constant 0 : i32
        %dma_start3A_138 = tpu.memref_slice %arg8[%dma_start3A_136, %dma_start3A_137] : memref<10240x128xf32, #tpu.memory_space<vmem_shared>> -> memref<10240x128xf32, #tpu.memory_space<vmem_shared>>
        tpu.enqueue_indirect_dma source(%arg10 : memref<128x128xf32, #tpu.memory_space<vmem>>) target(%dma_start3A_138 : memref<10240x128xf32, #tpu.memory_space<vmem_shared>>) offsets(%dma_start3A_135 : memref<128xi32, #tpu.memory_space<vmem>>) semaphore(%run_scoped3A_132 : memref<!tpu.dma_semaphore, #tpu.memory_space<semaphore_mem>>) {add = true}
        %dma_wait3A_139 = arith.constant 0 : i32
        %dma_wait3A_140 = tpu.memref_slice %arg7[%add3A_116, %dma_wait3A_139] : memref<40x128xi32, #tpu.memory_space<vmem>> -> memref<1x128xi32, #tpu.memory_space<vmem>>
        %dma_wait3A_141 = tpu.memref_squeeze %dma_wait3A_140 : memref<1x128xi32, #tpu.memory_space<vmem>> -> memref<128xi32, #tpu.memory_space<vmem>>
        %dma_wait3A_142 = arith.constant 0 : i32
        %dma_wait3A_143 = arith.constant 0 : i32
        %dma_wait3A_144 = tpu.memref_slice %arg8[%dma_wait3A_142, %dma_wait3A_143] : memref<10240x128xf32, #tpu.memory_space<vmem_shared>> -> memref<10240x128xf32, #tpu.memory_space<vmem_shared>>
        tpu.wait_indirect_dma semaphore(%run_scoped3A_132 : memref<!tpu.dma_semaphore, #tpu.memory_space<semaphore_mem>>) src(%arg10 : memref<128x128xf32, #tpu.memory_space<vmem>>) dst(%dma_wait3A_144 : memref<10240x128xf32, #tpu.memory_space<vmem_shared>>)
        tpu.yield
      }) : () -> ()
      %add3A_123 = arith.constant 2 : i32
      %add3A_124 = arith.addi %add3A_116, %add3A_123 : i32
      %dma_start3A_125 = arith.constant 0 : i32
      %dma_start3A_126 = tpu.memref_slice %arg6[%add3A_124, %dma_start3A_125] : memref<40x128xi32, #tpu.memory_space<vmem>> -> memref<1x128xi32, #tpu.memory_space<vmem>>
      %dma_start3A_127 = tpu.memref_squeeze %dma_start3A_126 : memref<1x128xi32, #tpu.memory_space<vmem>> -> memref<128xi32, #tpu.memory_space<vmem>>
      %dma_start3A_128 = arith.constant 0 : i32
      %dma_start3A_129 = arith.constant 0 : i32
      %dma_start3A_130 = tpu.memref_slice %arg2[%dma_start3A_128, %dma_start3A_129] : memref<10240x128xf32, #tpu.memory_space<hbm>> -> memref<10240x128xf32, #tpu.memory_space<hbm>>
      tpu.enqueue_indirect_dma source(%dma_start3A_130 : memref<10240x128xf32, #tpu.memory_space<hbm>>) target(%arg10 : memref<128x128xf32, #tpu.memory_space<vmem>>) offsets(%dma_start3A_127 : memref<128xi32, #tpu.memory_space<vmem>>) semaphore(%arg12 : memref<!tpu.dma_semaphore, #tpu.memory_space<semaphore_mem>>)
      %scan3A_131 = arith.constant 0 : i32
      scf.yield %scan3A_131 : i32
    }
    %scan3A_68 = arith.constant 19 : i32
    %dma_wait3A_69 = arith.constant 38 : i32
    %dma_wait3A_70 = arith.constant 0 : i32
    %dma_wait3A_71 = tpu.memref_slice %arg6[%dma_wait3A_69, %dma_wait3A_70] : memref<40x128xi32, #tpu.memory_space<vmem>> -> memref<1x128xi32, #tpu.memory_space<vmem>>
    %dma_wait3A_72 = tpu.memref_squeeze %dma_wait3A_71 : memref<1x128xi32, #tpu.memory_space<vmem>> -> memref<128xi32, #tpu.memory_space<vmem>>
    %dma_wait3A_73 = arith.constant 0 : i32
    %dma_wait3A_74 = arith.constant 0 : i32
    %dma_wait3A_75 = tpu.memref_slice %arg2[%dma_wait3A_73, %dma_wait3A_74] : memref<10240x128xf32, #tpu.memory_space<hbm>> -> memref<10240x128xf32, #tpu.memory_space<hbm>>
    tpu.wait_indirect_dma semaphore(%arg11 : memref<!tpu.dma_semaphore, #tpu.memory_space<semaphore_mem>>) src(%dma_wait3A_75 : memref<10240x128xf32, #tpu.memory_space<hbm>>) dst(%arg9 : memref<128x128xf32, #tpu.memory_space<vmem>>)
    %run_scoped3A_76 = arith.constant 38 : i32
    "tpu.region"() ({
      %run_scoped3A_93 = tpu.sem_alloc : memref<!tpu.dma_semaphore, #tpu.memory_space<semaphore_mem>>
      %dma_start3A_94 = arith.constant 0 : i32
      %dma_start3A_95 = tpu.memref_slice %arg7[%run_scoped3A_76, %dma_start3A_94] : memref<40x128xi32, #tpu.memory_space<vmem>> -> memref<1x128xi32, #tpu.memory_space<vmem>>
      %dma_start3A_96 = tpu.memref_squeeze %dma_start3A_95 : memref<1x128xi32, #tpu.memory_space<vmem>> -> memref<128xi32, #tpu.memory_space<vmem>>
      %dma_start3A_97 = arith.constant 0 : i32
      %dma_start3A_98 = arith.constant 0 : i32
      %dma_start3A_99 = tpu.memref_slice %arg8[%dma_start3A_97, %dma_start3A_98] : memref<10240x128xf32, #tpu.memory_space<vmem_shared>> -> memref<10240x128xf32, #tpu.memory_space<vmem_shared>>
      tpu.enqueue_indirect_dma source(%arg9 : memref<128x128xf32, #tpu.memory_space<vmem>>) target(%dma_start3A_99 : memref<10240x128xf32, #tpu.memory_space<vmem_shared>>) offsets(%dma_start3A_96 : memref<128xi32, #tpu.memory_space<vmem>>) semaphore(%run_scoped3A_93 : memref<!tpu.dma_semaphore, #tpu.memory_space<semaphore_mem>>) {add = true}
      %dma_wait3A_100 = arith.constant 0 : i32
      %dma_wait3A_101 = tpu.memref_slice %arg7[%run_scoped3A_76, %dma_wait3A_100] : memref<40x128xi32, #tpu.memory_space<vmem>> -> memref<1x128xi32, #tpu.memory_space<vmem>>
      %dma_wait3A_102 = tpu.memref_squeeze %dma_wait3A_101 : memref<1x128xi32, #tpu.memory_space<vmem>> -> memref<128xi32, #tpu.memory_space<vmem>>
      %dma_wait3A_103 = arith.constant 0 : i32
      %dma_wait3A_104 = arith.constant 0 : i32
      %dma_wait3A_105 = tpu.memref_slice %arg8[%dma_wait3A_103, %dma_wait3A_104] : memref<10240x128xf32, #tpu.memory_space<vmem_shared>> -> memref<10240x128xf32, #tpu.memory_space<vmem_shared>>
      tpu.wait_indirect_dma semaphore(%run_scoped3A_93 : memref<!tpu.dma_semaphore, #tpu.memory_space<semaphore_mem>>) src(%arg9 : memref<128x128xf32, #tpu.memory_space<vmem>>) dst(%dma_wait3A_105 : memref<10240x128xf32, #tpu.memory_space<vmem_shared>>)
      tpu.yield
    }) : () -> ()
    %dma_wait3A_77 = arith.constant 39 : i32
    %dma_wait3A_78 = arith.constant 0 : i32
    %dma_wait3A_79 = tpu.memref_slice %arg6[%dma_wait3A_77, %dma_wait3A_78] : memref<40x128xi32, #tpu.memory_space<vmem>> -> memref<1x128xi32, #tpu.memory_space<vmem>>
    %dma_wait3A_80 = tpu.memref_squeeze %dma_wait3A_79 : memref<1x128xi32, #tpu.memory_space<vmem>> -> memref<128xi32, #tpu.memory_space<vmem>>
    %dma_wait3A_81 = arith.constant 0 : i32
    %dma_wait3A_82 = arith.constant 0 : i32
    %dma_wait3A_83 = tpu.memref_slice %arg2[%dma_wait3A_81, %dma_wait3A_82] : memref<10240x128xf32, #tpu.memory_space<hbm>> -> memref<10240x128xf32, #tpu.memory_space<hbm>>
    tpu.wait_indirect_dma semaphore(%arg12 : memref<!tpu.dma_semaphore, #tpu.memory_space<semaphore_mem>>) src(%dma_wait3A_83 : memref<10240x128xf32, #tpu.memory_space<hbm>>) dst(%arg10 : memref<128x128xf32, #tpu.memory_space<vmem>>)
    %run_scoped3A_84 = arith.constant 39 : i32
    "tpu.region"() ({
      %run_scoped3A_93 = tpu.sem_alloc : memref<!tpu.dma_semaphore, #tpu.memory_space<semaphore_mem>>
      %dma_start3A_94 = arith.constant 0 : i32
      %dma_start3A_95 = tpu.memref_slice %arg7[%run_scoped3A_84, %dma_start3A_94] : memref<40x128xi32, #tpu.memory_space<vmem>> -> memref<1x128xi32, #tpu.memory_space<vmem>>
      %dma_start3A_96 = tpu.memref_squeeze %dma_start3A_95 : memref<1x128xi32, #tpu.memory_space<vmem>> -> memref<128xi32, #tpu.memory_space<vmem>>
      %dma_start3A_97 = arith.constant 0 : i32
      %dma_start3A_98 = arith.constant 0 : i32
      %dma_start3A_99 = tpu.memref_slice %arg8[%dma_start3A_97, %dma_start3A_98] : memref<10240x128xf32, #tpu.memory_space<vmem_shared>> -> memref<10240x128xf32, #tpu.memory_space<vmem_shared>>
      tpu.enqueue_indirect_dma source(%arg10 : memref<128x128xf32, #tpu.memory_space<vmem>>) target(%dma_start3A_99 : memref<10240x128xf32, #tpu.memory_space<vmem_shared>>) offsets(%dma_start3A_96 : memref<128xi32, #tpu.memory_space<vmem>>) semaphore(%run_scoped3A_93 : memref<!tpu.dma_semaphore, #tpu.memory_space<semaphore_mem>>) {add = true}
      %dma_wait3A_100 = arith.constant 0 : i32
      %dma_wait3A_101 = tpu.memref_slice %arg7[%run_scoped3A_84, %dma_wait3A_100] : memref<40x128xi32, #tpu.memory_space<vmem>> -> memref<1x128xi32, #tpu.memory_space<vmem>>
      %dma_wait3A_102 = tpu.memref_squeeze %dma_wait3A_101 : memref<1x128xi32, #tpu.memory_space<vmem>> -> memref<128xi32, #tpu.memory_space<vmem>>
      %dma_wait3A_103 = arith.constant 0 : i32
      %dma_wait3A_104 = arith.constant 0 : i32
      %dma_wait3A_105 = tpu.memref_slice %arg8[%dma_wait3A_103, %dma_wait3A_104] : memref<10240x128xf32, #tpu.memory_space<vmem_shared>> -> memref<10240x128xf32, #tpu.memory_space<vmem_shared>>
      tpu.wait_indirect_dma semaphore(%run_scoped3A_93 : memref<!tpu.dma_semaphore, #tpu.memory_space<semaphore_mem>>) src(%arg10 : memref<128x128xf32, #tpu.memory_space<vmem>>) dst(%dma_wait3A_105 : memref<10240x128xf32, #tpu.memory_space<vmem_shared>>)
      tpu.yield
    }) : () -> ()
    %barrier3A_85 = arith.constant 0 : index
    tpu.barrier barrier_id(%barrier3A_85)
    %scan3A_86 = arith.constant 0 : i32
    %scan3A_87 = arith.constant 0 : i32
    %scan3A_88 = arith.constant 5 : i32
    %scan3A_89 = arith.addi %scan3A_87, %scan3A_88 : i32
    %scan3A_90 = arith.constant 1 : i32
    %scan3A_91 = scf.for %scan3A_93 = %scan3A_87 to %scan3A_89 step %scan3A_90 iter_args(%scan3A_94 = %scan3A_86) -> (i32)  : i32 {
      %mul3A_95 = arith.constant 640 : i32
      %mul3A_96 = arith.muli %arg1, %mul3A_95 : i32
      %mul3A_97 = arith.constant 128 : i32
      %mul3A_98 = arith.muli %scan3A_93, %mul3A_97 : i32
      %add3A_99 = arith.addi %mul3A_96, %mul3A_98 : i32
      %mul3A_100 = arith.constant 640 : i32
      %mul3A_101 = arith.muli %arg1, %mul3A_100 : i32
      %mul3A_102 = arith.constant 128 : i32
      %mul3A_103 = arith.muli %scan3A_93, %mul3A_102 : i32
      %add3A_104 = arith.addi %mul3A_101, %mul3A_103 : i32
      "tpu.region"() ({
        %run_scoped3A_106 = tpu.sem_alloc : memref<!tpu.dma_semaphore, #tpu.memory_space<semaphore_mem>>
        %dma_start3A_107 = arith.constant 0 : i32
        %dma_start3A_108 = tpu.memref_slice %arg5[%arg0, %add3A_104, %dma_start3A_107] : memref<2x10240x128xf32, #tpu.memory_space<hbm>> -> memref<1x128x128xf32, #tpu.memory_space<hbm>>
        %dma_start3A_109 = tpu.memref_squeeze %dma_start3A_108 : memref<1x128x128xf32, #tpu.memory_space<hbm>> -> memref<128x128xf32, #tpu.memory_space<hbm>>
        %dma_start3A_110 = arith.constant 0 : i32
        %dma_start3A_111 = tpu.memref_slice %arg8[%add3A_99, %dma_start3A_110] : memref<10240x128xf32, #tpu.memory_space<vmem_shared>> -> memref<128x128xf32, #tpu.memory_space<vmem_shared>>
        tpu.enqueue_dma source(%dma_start3A_111 : memref<128x128xf32, #tpu.memory_space<vmem_shared>>) target(%dma_start3A_109 : memref<128x128xf32, #tpu.memory_space<hbm>>) target_semaphore(%run_scoped3A_106 : memref<!tpu.dma_semaphore, #tpu.memory_space<semaphore_mem>>)
        %dma_wait3A_112 = arith.constant 0 : i32
        %dma_wait3A_113 = tpu.memref_slice %arg5[%arg0, %add3A_104, %dma_wait3A_112] : memref<2x10240x128xf32, #tpu.memory_space<hbm>> -> memref<1x128x128xf32, #tpu.memory_space<hbm>>
        %dma_wait3A_114 = tpu.memref_squeeze %dma_wait3A_113 : memref<1x128x128xf32, #tpu.memory_space<hbm>> -> memref<128x128xf32, #tpu.memory_space<hbm>>
        %dma_wait3A_115 = arith.constant 0 : i32
        %dma_wait3A_116 = tpu.memref_slice %arg8[%add3A_99, %dma_wait3A_115] : memref<10240x128xf32, #tpu.memory_space<vmem_shared>> -> memref<128x128xf32, #tpu.memory_space<vmem_shared>>
        tpu.wait_dma2 semaphore(%run_scoped3A_106 : memref<!tpu.dma_semaphore, #tpu.memory_space<semaphore_mem>>) src(%dma_wait3A_116 : memref<128x128xf32, #tpu.memory_space<vmem_shared>>) dst(%dma_wait3A_114 : memref<128x128xf32, #tpu.memory_space<hbm>>)
        tpu.yield
      }) : () -> ()
      %scan3A_105 = arith.constant 0 : i32
      scf.yield %scan3A_105 : i32
    }
    %scan3A_92 = arith.constant 5 : i32
    return
  }
}

#map = affine_map<(d0, d1) -> (0, 0, 0)>
module attributes {stable_mosaic.version = 14 : i64} {
  func.func @_deg_kernel(%arg0: i32, %arg1: i32, %arg2: memref<32x80x128xi32, #tpu.memory_space<hbm>>, %arg3: memref<2x10240x128xf32, #tpu.memory_space<hbm>>, %arg4: memref<80x128xi32, #tpu.memory_space<vmem>>, %arg5: memref<128x128xf32, #tpu.memory_space<vmem>>, %arg6: memref<128x128xf32, #tpu.memory_space<vmem>>, %arg7: memref<10240x128xf32, #tpu.memory_space<vmem_shared>>) attributes {dimension_semantics = [#tpu.dimension_semantics<core_parallel>, #tpu.dimension_semantics<subcore_parallel>], iteration_bounds = array<i64: 2, 16>, scalar_prefetch = 0 : i64, scratch_operands = 4 : i64, tpu.core_type = #tpu.core_type<sc_vector_subcore>, window_params = [{transform_indices = #map}, {transform_indices = #map}]} {
    %mul3A = arith.constant 16 : i32
    %mul3A_0 = arith.muli %arg0, %mul3A : i32
    %add3A = arith.addi %mul3A_0, %arg1 : i32
    %scan3A = arith.constant 0 : i32
    %scan3A_1 = arith.constant 0 : i32
    %scan3A_2 = arith.constant 128 : i32
    %scan3A_3 = arith.addi %scan3A_1, %scan3A_2 : i32
    %scan3A_4 = arith.constant 1 : i32
    %scan3A_5 = scf.for %scan3A_36 = %scan3A_1 to %scan3A_3 step %scan3A_4 iter_args(%scan3A_37 = %scan3A) -> (i32)  : i32 {
      %broadcast_in_dim3A = arith.constant 1.000000e+00 : f32
      %broadcast_in_dim3A_38 = vector.broadcast %broadcast_in_dim3A : f32 to vector<16xf32>
      %swap3A = arith.index_cast %scan3A_36 : i32 to index
      %swap3A_39 = arith.constant 0 : index
      %swap3A_40 = tpu.vector_load %arg5[%swap3A, %swap3A_39] {strides = array<i32>} : memref<128x128xf32, #tpu.memory_space<vmem>>, vector<1x16xf32>,
      %swap3A_41 = vector.shape_cast %swap3A_40 : vector<1x16xf32> to vector<16xf32>
      %swap3A_42 = vector.shape_cast %broadcast_in_dim3A_38 : vector<16xf32> to vector<1x16xf32>
      tpu.vector_store %arg5[%swap3A, %swap3A_39], %swap3A_42 {strides = array<i32>} : memref<128x128xf32, #tpu.memory_space<vmem>>, vector<1x16xf32>,
      %broadcast_in_dim3A_43 = arith.constant 1.000000e+00 : f32
      %broadcast_in_dim3A_44 = vector.broadcast %broadcast_in_dim3A_43 : f32 to vector<16xf32>
      %swap3A_45 = arith.index_cast %scan3A_36 : i32 to index
      %swap3A_46 = arith.constant 16 : index
      %swap3A_47 = tpu.vector_load %arg5[%swap3A_45, %swap3A_46] {strides = array<i32>} : memref<128x128xf32, #tpu.memory_space<vmem>>, vector<1x16xf32>,
      %swap3A_48 = vector.shape_cast %swap3A_47 : vector<1x16xf32> to vector<16xf32>
      %swap3A_49 = vector.shape_cast %broadcast_in_dim3A_44 : vector<16xf32> to vector<1x16xf32>
      tpu.vector_store %arg5[%swap3A_45, %swap3A_46], %swap3A_49 {strides = array<i32>} : memref<128x128xf32, #tpu.memory_space<vmem>>, vector<1x16xf32>,
      %broadcast_in_dim3A_50 = arith.constant 1.000000e+00 : f32
      %broadcast_in_dim3A_51 = vector.broadcast %broadcast_in_dim3A_50 : f32 to vector<16xf32>
      %swap3A_52 = arith.index_cast %scan3A_36 : i32 to index
      %swap3A_53 = arith.constant 32 : index
      %swap3A_54 = tpu.vector_load %arg5[%swap3A_52, %swap3A_53] {strides = array<i32>} : memref<128x128xf32, #tpu.memory_space<vmem>>, vector<1x16xf32>,
      %swap3A_55 = vector.shape_cast %swap3A_54 : vector<1x16xf32> to vector<16xf32>
      %swap3A_56 = vector.shape_cast %broadcast_in_dim3A_51 : vector<16xf32> to vector<1x16xf32>
      tpu.vector_store %arg5[%swap3A_52, %swap3A_53], %swap3A_56 {strides = array<i32>} : memref<128x128xf32, #tpu.memory_space<vmem>>, vector<1x16xf32>,
      %broadcast_in_dim3A_57 = arith.constant 1.000000e+00 : f32
      %broadcast_in_dim3A_58 = vector.broadcast %broadcast_in_dim3A_57 : f32 to vector<16xf32>
      %swap3A_59 = arith.index_cast %scan3A_36 : i32 to index
      %swap3A_60 = arith.constant 48 : index
      %swap3A_61 = tpu.vector_load %arg5[%swap3A_59, %swap3A_60] {strides = array<i32>} : memref<128x128xf32, #tpu.memory_space<vmem>>, vector<1x16xf32>,
      %swap3A_62 = vector.shape_cast %swap3A_61 : vector<1x16xf32> to vector<16xf32>
      %swap3A_63 = vector.shape_cast %broadcast_in_dim3A_58 : vector<16xf32> to vector<1x16xf32>
      tpu.vector_store %arg5[%swap3A_59, %swap3A_60], %swap3A_63 {strides = array<i32>} : memref<128x128xf32, #tpu.memory_space<vmem>>, vector<1x16xf32>,
      %broadcast_in_dim3A_64 = arith.constant 1.000000e+00 : f32
      %broadcast_in_dim3A_65 = vector.broadcast %broadcast_in_dim3A_64 : f32 to vector<16xf32>
      %swap3A_66 = arith.index_cast %scan3A_36 : i32 to index
      %swap3A_67 = arith.constant 64 : index
      %swap3A_68 = tpu.vector_load %arg5[%swap3A_66, %swap3A_67] {strides = array<i32>} : memref<128x128xf32, #tpu.memory_space<vmem>>, vector<1x16xf32>,
      %swap3A_69 = vector.shape_cast %swap3A_68 : vector<1x16xf32> to vector<16xf32>
      %swap3A_70 = vector.shape_cast %broadcast_in_dim3A_65 : vector<16xf32> to vector<1x16xf32>
      tpu.vector_store %arg5[%swap3A_66, %swap3A_67], %swap3A_70 {strides = array<i32>} : memref<128x128xf32, #tpu.memory_space<vmem>>, vector<1x16xf32>,
      %broadcast_in_dim3A_71 = arith.constant 1.000000e+00 : f32
      %broadcast_in_dim3A_72 = vector.broadcast %broadcast_in_dim3A_71 : f32 to vector<16xf32>
      %swap3A_73 = arith.index_cast %scan3A_36 : i32 to index
      %swap3A_74 = arith.constant 80 : index
      %swap3A_75 = tpu.vector_load %arg5[%swap3A_73, %swap3A_74] {strides = array<i32>} : memref<128x128xf32, #tpu.memory_space<vmem>>, vector<1x16xf32>,
      %swap3A_76 = vector.shape_cast %swap3A_75 : vector<1x16xf32> to vector<16xf32>
      %swap3A_77 = vector.shape_cast %broadcast_in_dim3A_72 : vector<16xf32> to vector<1x16xf32>
      tpu.vector_store %arg5[%swap3A_73, %swap3A_74], %swap3A_77 {strides = array<i32>} : memref<128x128xf32, #tpu.memory_space<vmem>>, vector<1x16xf32>,
      %broadcast_in_dim3A_78 = arith.constant 1.000000e+00 : f32
      %broadcast_in_dim3A_79 = vector.broadcast %broadcast_in_dim3A_78 : f32 to vector<16xf32>
      %swap3A_80 = arith.index_cast %scan3A_36 : i32 to index
      %swap3A_81 = arith.constant 96 : index
      %swap3A_82 = tpu.vector_load %arg5[%swap3A_80, %swap3A_81] {strides = array<i32>} : memref<128x128xf32, #tpu.memory_space<vmem>>, vector<1x16xf32>,
      %swap3A_83 = vector.shape_cast %swap3A_82 : vector<1x16xf32> to vector<16xf32>
      %swap3A_84 = vector.shape_cast %broadcast_in_dim3A_79 : vector<16xf32> to vector<1x16xf32>
      tpu.vector_store %arg5[%swap3A_80, %swap3A_81], %swap3A_84 {strides = array<i32>} : memref<128x128xf32, #tpu.memory_space<vmem>>, vector<1x16xf32>,
      %broadcast_in_dim3A_85 = arith.constant 1.000000e+00 : f32
      %broadcast_in_dim3A_86 = vector.broadcast %broadcast_in_dim3A_85 : f32 to vector<16xf32>
      %swap3A_87 = arith.index_cast %scan3A_36 : i32 to index
      %swap3A_88 = arith.constant 112 : index
      %swap3A_89 = tpu.vector_load %arg5[%swap3A_87, %swap3A_88] {strides = array<i32>} : memref<128x128xf32, #tpu.memory_space<vmem>>, vector<1x16xf32>,
      %swap3A_90 = vector.shape_cast %swap3A_89 : vector<1x16xf32> to vector<16xf32>
      %swap3A_91 = vector.shape_cast %broadcast_in_dim3A_86 : vector<16xf32> to vector<1x16xf32>
      tpu.vector_store %arg5[%swap3A_87, %swap3A_88], %swap3A_91 {strides = array<i32>} : memref<128x128xf32, #tpu.memory_space<vmem>>, vector<1x16xf32>,
      %scan3A_92 = arith.constant 0 : i32
      scf.yield %scan3A_92 : i32
    }
    %scan3A_6 = arith.constant 128 : i32
    %scan3A_7 = arith.constant 0 : i32
    %scan3A_8 = arith.constant 0 : i32
    %scan3A_9 = arith.constant 128 : i32
    %scan3A_10 = arith.addi %scan3A_8, %scan3A_9 : i32
    %scan3A_11 = arith.constant 1 : i32
    %scan3A_12 = scf.for %scan3A_36 = %scan3A_8 to %scan3A_10 step %scan3A_11 iter_args(%scan3A_37 = %scan3A_7) -> (i32)  : i32 {
      %broadcast_in_dim3A = arith.constant 0.000000e+00 : f32
      %broadcast_in_dim3A_38 = vector.broadcast %broadcast_in_dim3A : f32 to vector<16xf32>
      %swap3A = arith.index_cast %scan3A_36 : i32 to index
      %swap3A_39 = arith.constant 0 : index
      %swap3A_40 = tpu.vector_load %arg6[%swap3A, %swap3A_39] {strides = array<i32>} : memref<128x128xf32, #tpu.memory_space<vmem>>, vector<1x16xf32>,
      %swap3A_41 = vector.shape_cast %swap3A_40 : vector<1x16xf32> to vector<16xf32>
      %swap3A_42 = vector.shape_cast %broadcast_in_dim3A_38 : vector<16xf32> to vector<1x16xf32>
      tpu.vector_store %arg6[%swap3A, %swap3A_39], %swap3A_42 {strides = array<i32>} : memref<128x128xf32, #tpu.memory_space<vmem>>, vector<1x16xf32>,
      %broadcast_in_dim3A_43 = arith.constant 0.000000e+00 : f32
      %broadcast_in_dim3A_44 = vector.broadcast %broadcast_in_dim3A_43 : f32 to vector<16xf32>
      %swap3A_45 = arith.index_cast %scan3A_36 : i32 to index
      %swap3A_46 = arith.constant 16 : index
      %swap3A_47 = tpu.vector_load %arg6[%swap3A_45, %swap3A_46] {strides = array<i32>} : memref<128x128xf32, #tpu.memory_space<vmem>>, vector<1x16xf32>,
      %swap3A_48 = vector.shape_cast %swap3A_47 : vector<1x16xf32> to vector<16xf32>
      %swap3A_49 = vector.shape_cast %broadcast_in_dim3A_44 : vector<16xf32> to vector<1x16xf32>
      tpu.vector_store %arg6[%swap3A_45, %swap3A_46], %swap3A_49 {strides = array<i32>} : memref<128x128xf32, #tpu.memory_space<vmem>>, vector<1x16xf32>,
      %broadcast_in_dim3A_50 = arith.constant 0.000000e+00 : f32
      %broadcast_in_dim3A_51 = vector.broadcast %broadcast_in_dim3A_50 : f32 to vector<16xf32>
      %swap3A_52 = arith.index_cast %scan3A_36 : i32 to index
      %swap3A_53 = arith.constant 32 : index
      %swap3A_54 = tpu.vector_load %arg6[%swap3A_52, %swap3A_53] {strides = array<i32>} : memref<128x128xf32, #tpu.memory_space<vmem>>, vector<1x16xf32>,
      %swap3A_55 = vector.shape_cast %swap3A_54 : vector<1x16xf32> to vector<16xf32>
      %swap3A_56 = vector.shape_cast %broadcast_in_dim3A_51 : vector<16xf32> to vector<1x16xf32>
      tpu.vector_store %arg6[%swap3A_52, %swap3A_53], %swap3A_56 {strides = array<i32>} : memref<128x128xf32, #tpu.memory_space<vmem>>, vector<1x16xf32>,
      %broadcast_in_dim3A_57 = arith.constant 0.000000e+00 : f32
      %broadcast_in_dim3A_58 = vector.broadcast %broadcast_in_dim3A_57 : f32 to vector<16xf32>
      %swap3A_59 = arith.index_cast %scan3A_36 : i32 to index
      %swap3A_60 = arith.constant 48 : index
      %swap3A_61 = tpu.vector_load %arg6[%swap3A_59, %swap3A_60] {strides = array<i32>} : memref<128x128xf32, #tpu.memory_space<vmem>>, vector<1x16xf32>,
      %swap3A_62 = vector.shape_cast %swap3A_61 : vector<1x16xf32> to vector<16xf32>
      %swap3A_63 = vector.shape_cast %broadcast_in_dim3A_58 : vector<16xf32> to vector<1x16xf32>
      tpu.vector_store %arg6[%swap3A_59, %swap3A_60], %swap3A_63 {strides = array<i32>} : memref<128x128xf32, #tpu.memory_space<vmem>>, vector<1x16xf32>,
      %broadcast_in_dim3A_64 = arith.constant 0.000000e+00 : f32
      %broadcast_in_dim3A_65 = vector.broadcast %broadcast_in_dim3A_64 : f32 to vector<16xf32>
      %swap3A_66 = arith.index_cast %scan3A_36 : i32 to index
      %swap3A_67 = arith.constant 64 : index
      %swap3A_68 = tpu.vector_load %arg6[%swap3A_66, %swap3A_67] {strides = array<i32>} : memref<128x128xf32, #tpu.memory_space<vmem>>, vector<1x16xf32>,
      %swap3A_69 = vector.shape_cast %swap3A_68 : vector<1x16xf32> to vector<16xf32>
      %swap3A_70 = vector.shape_cast %broadcast_in_dim3A_65 : vector<16xf32> to vector<1x16xf32>
      tpu.vector_store %arg6[%swap3A_66, %swap3A_67], %swap3A_70 {strides = array<i32>} : memref<128x128xf32, #tpu.memory_space<vmem>>, vector<1x16xf32>,
      %broadcast_in_dim3A_71 = arith.constant 0.000000e+00 : f32
      %broadcast_in_dim3A_72 = vector.broadcast %broadcast_in_dim3A_71 : f32 to vector<16xf32>
      %swap3A_73 = arith.index_cast %scan3A_36 : i32 to index
      %swap3A_74 = arith.constant 80 : index
      %swap3A_75 = tpu.vector_load %arg6[%swap3A_73, %swap3A_74] {strides = array<i32>} : memref<128x128xf32, #tpu.memory_space<vmem>>, vector<1x16xf32>,
      %swap3A_76 = vector.shape_cast %swap3A_75 : vector<1x16xf32> to vector<16xf32>
      %swap3A_77 = vector.shape_cast %broadcast_in_dim3A_72 : vector<16xf32> to vector<1x16xf32>
      tpu.vector_store %arg6[%swap3A_73, %swap3A_74], %swap3A_77 {strides = array<i32>} : memref<128x128xf32, #tpu.memory_space<vmem>>, vector<1x16xf32>,
      %broadcast_in_dim3A_78 = arith.constant 0.000000e+00 : f32
      %broadcast_in_dim3A_79 = vector.broadcast %broadcast_in_dim3A_78 : f32 to vector<16xf32>
      %swap3A_80 = arith.index_cast %scan3A_36 : i32 to index
      %swap3A_81 = arith.constant 96 : index
      %swap3A_82 = tpu.vector_load %arg6[%swap3A_80, %swap3A_81] {strides = array<i32>} : memref<128x128xf32, #tpu.memory_space<vmem>>, vector<1x16xf32>,
      %swap3A_83 = vector.shape_cast %swap3A_82 : vector<1x16xf32> to vector<16xf32>
      %swap3A_84 = vector.shape_cast %broadcast_in_dim3A_79 : vector<16xf32> to vector<1x16xf32>
      tpu.vector_store %arg6[%swap3A_80, %swap3A_81], %swap3A_84 {strides = array<i32>} : memref<128x128xf32, #tpu.memory_space<vmem>>, vector<1x16xf32>,
      %broadcast_in_dim3A_85 = arith.constant 0.000000e+00 : f32
      %broadcast_in_dim3A_86 = vector.broadcast %broadcast_in_dim3A_85 : f32 to vector<16xf32>
      %swap3A_87 = arith.index_cast %scan3A_36 : i32 to index
      %swap3A_88 = arith.constant 112 : index
      %swap3A_89 = tpu.vector_load %arg6[%swap3A_87, %swap3A_88] {strides = array<i32>} : memref<128x128xf32, #tpu.memory_space<vmem>>, vector<1x16xf32>,
      %swap3A_90 = vector.shape_cast %swap3A_89 : vector<1x16xf32> to vector<16xf32>
      %swap3A_91 = vector.shape_cast %broadcast_in_dim3A_86 : vector<16xf32> to vector<1x16xf32>
      tpu.vector_store %arg6[%swap3A_87, %swap3A_88], %swap3A_91 {strides = array<i32>} : memref<128x128xf32, #tpu.memory_space<vmem>>, vector<1x16xf32>,
      %scan3A_92 = arith.constant 0 : i32
      scf.yield %scan3A_92 : i32
    }
    %scan3A_13 = arith.constant 128 : i32
    %scan3A_14 = arith.constant 0 : i32
    %scan3A_15 = arith.constant 0 : i32
    %scan3A_16 = arith.constant 5 : i32
    %scan3A_17 = arith.addi %scan3A_15, %scan3A_16 : i32
    %scan3A_18 = arith.constant 1 : i32
    %scan3A_19 = scf.for %scan3A_36 = %scan3A_15 to %scan3A_17 step %scan3A_18 iter_args(%scan3A_37 = %scan3A_14) -> (i32)  : i32 {
      %mul3A_38 = arith.constant 640 : i32
      %mul3A_39 = arith.muli %arg1, %mul3A_38 : i32
      %mul3A_40 = arith.constant 128 : i32
      %mul3A_41 = arith.muli %scan3A_36, %mul3A_40 : i32
      %add3A_42 = arith.addi %mul3A_39, %mul3A_41 : i32
      "tpu.region"() ({
        %run_scoped3A = tpu.sem_alloc : memref<!tpu.dma_semaphore, #tpu.memory_space<semaphore_mem>>
        %dma_start3A = arith.constant 0 : i32
        %dma_start3A_44 = tpu.memref_slice %arg7[%add3A_42, %dma_start3A] : memref<10240x128xf32, #tpu.memory_space<vmem_shared>> -> memref<128x128xf32, #tpu.memory_space<vmem_shared>>
        %dma_start3A_45 = arith.constant 0 : i32
        %dma_start3A_46 = tpu.memref_slice %arg7[%add3A_42, %dma_start3A_45] : memref<10240x128xf32, #tpu.memory_space<vmem_shared>> -> memref<128x128xf32, #tpu.memory_space<vmem_shared>>
        tpu.enqueue_dma source(%arg6 : memref<128x128xf32, #tpu.memory_space<vmem>>) target(%dma_start3A_46 : memref<128x128xf32, #tpu.memory_space<vmem_shared>>) target_semaphore(%run_scoped3A : memref<!tpu.dma_semaphore, #tpu.memory_space<semaphore_mem>>)
        %dma_wait3A = arith.constant 0 : i32
        %dma_wait3A_47 = tpu.memref_slice %arg7[%add3A_42, %dma_wait3A] : memref<10240x128xf32, #tpu.memory_space<vmem_shared>> -> memref<128x128xf32, #tpu.memory_space<vmem_shared>>
        %dma_wait3A_48 = arith.constant 0 : i32
        %dma_wait3A_49 = tpu.memref_slice %arg7[%add3A_42, %dma_wait3A_48] : memref<10240x128xf32, #tpu.memory_space<vmem_shared>> -> memref<128x128xf32, #tpu.memory_space<vmem_shared>>
        tpu.wait_dma2 semaphore(%run_scoped3A : memref<!tpu.dma_semaphore, #tpu.memory_space<semaphore_mem>>) src(%arg6 : memref<128x128xf32, #tpu.memory_space<vmem>>) dst(%dma_wait3A_49 : memref<128x128xf32, #tpu.memory_space<vmem_shared>>)
        tpu.yield
      }) : () -> ()
      %scan3A_43 = arith.constant 0 : i32
      scf.yield %scan3A_43 : i32
    }
    %scan3A_20 = arith.constant 5 : i32
    "tpu.region"() ({
      %run_scoped3A = tpu.sem_alloc : memref<!tpu.dma_semaphore, #tpu.memory_space<semaphore_mem>>
      %dma_start3A = arith.constant 0 : i32
      %dma_start3A_36 = arith.constant 0 : i32
      %dma_start3A_37 = tpu.memref_slice %arg2[%add3A, %dma_start3A, %dma_start3A_36] : memref<32x80x128xi32, #tpu.memory_space<hbm>> -> memref<1x80x128xi32, #tpu.memory_space<hbm>>
      %dma_start3A_38 = tpu.memref_squeeze %dma_start3A_37 : memref<1x80x128xi32, #tpu.memory_space<hbm>> -> memref<80x128xi32, #tpu.memory_space<hbm>>
      %dma_start3A_39 = arith.constant 0 : i32
      %dma_start3A_40 = arith.constant 0 : i32
      %dma_start3A_41 = tpu.memref_slice %arg2[%add3A, %dma_start3A_39, %dma_start3A_40] : memref<32x80x128xi32, #tpu.memory_space<hbm>> -> memref<1x80x128xi32, #tpu.memory_space<hbm>>
      %dma_start3A_42 = tpu.memref_squeeze %dma_start3A_41 : memref<1x80x128xi32, #tpu.memory_space<hbm>> -> memref<80x128xi32, #tpu.memory_space<hbm>>
      tpu.enqueue_dma source(%dma_start3A_42 : memref<80x128xi32, #tpu.memory_space<hbm>>) target(%arg4 : memref<80x128xi32, #tpu.memory_space<vmem>>) target_semaphore(%run_scoped3A : memref<!tpu.dma_semaphore, #tpu.memory_space<semaphore_mem>>)
      %dma_wait3A = arith.constant 0 : i32
      %dma_wait3A_43 = arith.constant 0 : i32
      %dma_wait3A_44 = tpu.memref_slice %arg2[%add3A, %dma_wait3A, %dma_wait3A_43] : memref<32x80x128xi32, #tpu.memory_space<hbm>> -> memref<1x80x128xi32, #tpu.memory_space<hbm>>
      %dma_wait3A_45 = tpu.memref_squeeze %dma_wait3A_44 : memref<1x80x128xi32, #tpu.memory_space<hbm>> -> memref<80x128xi32, #tpu.memory_space<hbm>>
      %dma_wait3A_46 = arith.constant 0 : i32
      %dma_wait3A_47 = arith.constant 0 : i32
      %dma_wait3A_48 = tpu.memref_slice %arg2[%add3A, %dma_wait3A_46, %dma_wait3A_47] : memref<32x80x128xi32, #tpu.memory_space<hbm>> -> memref<1x80x128xi32, #tpu.memory_space<hbm>>
      %dma_wait3A_49 = tpu.memref_squeeze %dma_wait3A_48 : memref<1x80x128xi32, #tpu.memory_space<hbm>> -> memref<80x128xi32, #tpu.memory_space<hbm>>
      tpu.wait_dma2 semaphore(%run_scoped3A : memref<!tpu.dma_semaphore, #tpu.memory_space<semaphore_mem>>) src(%dma_wait3A_49 : memref<80x128xi32, #tpu.memory_space<hbm>>) dst(%arg4 : memref<80x128xi32, #tpu.memory_space<vmem>>)
      tpu.yield
    }) : () -> ()
    %barrier3A = arith.constant 0 : index
    tpu.barrier barrier_id(%barrier3A)
    %scan3A_21 = arith.constant 0 : i32
    %scan3A_22 = arith.constant 0 : i32
    %scan3A_23 = arith.constant 80 : i32
    %scan3A_24 = arith.addi %scan3A_22, %scan3A_23 : i32
    %scan3A_25 = arith.constant 1 : i32
    %scan3A_26 = scf.for %scan3A_36 = %scan3A_22 to %scan3A_24 step %scan3A_25 iter_args(%scan3A_37 = %scan3A_21) -> (i32)  : i32 {
      "tpu.region"() ({
        %run_scoped3A = tpu.sem_alloc : memref<!tpu.dma_semaphore, #tpu.memory_space<semaphore_mem>>
        %dma_start3A = arith.constant 0 : i32
        %dma_start3A_39 = tpu.memref_slice %arg4[%scan3A_36, %dma_start3A] : memref<80x128xi32, #tpu.memory_space<vmem>> -> memref<1x128xi32, #tpu.memory_space<vmem>>
        %dma_start3A_40 = tpu.memref_squeeze %dma_start3A_39 : memref<1x128xi32, #tpu.memory_space<vmem>> -> memref<128xi32, #tpu.memory_space<vmem>>
        %dma_start3A_41 = arith.constant 0 : i32
        %dma_start3A_42 = arith.constant 0 : i32
        %dma_start3A_43 = tpu.memref_slice %arg7[%dma_start3A_41, %dma_start3A_42] : memref<10240x128xf32, #tpu.memory_space<vmem_shared>> -> memref<10240x128xf32, #tpu.memory_space<vmem_shared>>
        tpu.enqueue_indirect_dma source(%arg5 : memref<128x128xf32, #tpu.memory_space<vmem>>) target(%dma_start3A_43 : memref<10240x128xf32, #tpu.memory_space<vmem_shared>>) offsets(%dma_start3A_40 : memref<128xi32, #tpu.memory_space<vmem>>) semaphore(%run_scoped3A : memref<!tpu.dma_semaphore, #tpu.memory_space<semaphore_mem>>) {add = true}
        %dma_wait3A = arith.constant 0 : i32
        %dma_wait3A_44 = tpu.memref_slice %arg4[%scan3A_36, %dma_wait3A] : memref<80x128xi32, #tpu.memory_space<vmem>> -> memref<1x128xi32, #tpu.memory_space<vmem>>
        %dma_wait3A_45 = tpu.memref_squeeze %dma_wait3A_44 : memref<1x128xi32, #tpu.memory_space<vmem>> -> memref<128xi32, #tpu.memory_space<vmem>>
        %dma_wait3A_46 = arith.constant 0 : i32
        %dma_wait3A_47 = arith.constant 0 : i32
        %dma_wait3A_48 = tpu.memref_slice %arg7[%dma_wait3A_46, %dma_wait3A_47] : memref<10240x128xf32, #tpu.memory_space<vmem_shared>> -> memref<10240x128xf32, #tpu.memory_space<vmem_shared>>
        tpu.wait_indirect_dma semaphore(%run_scoped3A : memref<!tpu.dma_semaphore, #tpu.memory_space<semaphore_mem>>) src(%arg5 : memref<128x128xf32, #tpu.memory_space<vmem>>) dst(%dma_wait3A_48 : memref<10240x128xf32, #tpu.memory_space<vmem_shared>>)
        tpu.yield
      }) : () -> ()
      %scan3A_38 = arith.constant 0 : i32
      scf.yield %scan3A_38 : i32
    }
    %scan3A_27 = arith.constant 80 : i32
    %barrier3A_28 = arith.constant 0 : index
    tpu.barrier barrier_id(%barrier3A_28)
    %scan3A_29 = arith.constant 0 : i32
    %scan3A_30 = arith.constant 0 : i32
    %scan3A_31 = arith.constant 5 : i32
    %scan3A_32 = arith.addi %scan3A_30, %scan3A_31 : i32
    %scan3A_33 = arith.constant 1 : i32
    %scan3A_34 = scf.for %scan3A_36 = %scan3A_30 to %scan3A_32 step %scan3A_33 iter_args(%scan3A_37 = %scan3A_29) -> (i32)  : i32 {
      %mul3A_38 = arith.constant 640 : i32
      %mul3A_39 = arith.muli %arg1, %mul3A_38 : i32
      %mul3A_40 = arith.constant 128 : i32
      %mul3A_41 = arith.muli %scan3A_36, %mul3A_40 : i32
      %add3A_42 = arith.addi %mul3A_39, %mul3A_41 : i32
      %mul3A_43 = arith.constant 640 : i32
      %mul3A_44 = arith.muli %arg1, %mul3A_43 : i32
      %mul3A_45 = arith.constant 128 : i32
      %mul3A_46 = arith.muli %scan3A_36, %mul3A_45 : i32
      %add3A_47 = arith.addi %mul3A_44, %mul3A_46 : i32
      "tpu.region"() ({
        %run_scoped3A = tpu.sem_alloc : memref<!tpu.dma_semaphore, #tpu.memory_space<semaphore_mem>>
        %dma_start3A = arith.constant 0 : i32
        %dma_start3A_49 = tpu.memref_slice %arg3[%arg0, %add3A_47, %dma_start3A] : memref<2x10240x128xf32, #tpu.memory_space<hbm>> -> memref<1x128x128xf32, #tpu.memory_space<hbm>>
        %dma_start3A_50 = tpu.memref_squeeze %dma_start3A_49 : memref<1x128x128xf32, #tpu.memory_space<hbm>> -> memref<128x128xf32, #tpu.memory_space<hbm>>
        %dma_start3A_51 = arith.constant 0 : i32
        %dma_start3A_52 = tpu.memref_slice %arg7[%add3A_42, %dma_start3A_51] : memref<10240x128xf32, #tpu.memory_space<vmem_shared>> -> memref<128x128xf32, #tpu.memory_space<vmem_shared>>
        tpu.enqueue_dma source(%dma_start3A_52 : memref<128x128xf32, #tpu.memory_space<vmem_shared>>) target(%dma_start3A_50 : memref<128x128xf32, #tpu.memory_space<hbm>>) target_semaphore(%run_scoped3A : memref<!tpu.dma_semaphore, #tpu.memory_space<semaphore_mem>>)
        %dma_wait3A = arith.constant 0 : i32
        %dma_wait3A_53 = tpu.memref_slice %arg3[%arg0, %add3A_47, %dma_wait3A] : memref<2x10240x128xf32, #tpu.memory_space<hbm>> -> memref<1x128x128xf32, #tpu.memory_space<hbm>>
        %dma_wait3A_54 = tpu.memref_squeeze %dma_wait3A_53 : memref<1x128x128xf32, #tpu.memory_space<hbm>> -> memref<128x128xf32, #tpu.memory_space<hbm>>
        %dma_wait3A_55 = arith.constant 0 : i32
        %dma_wait3A_56 = tpu.memref_slice %arg7[%add3A_42, %dma_wait3A_55] : memref<10240x128xf32, #tpu.memory_space<vmem_shared>> -> memref<128x128xf32, #tpu.memory_space<vmem_shared>>
        tpu.wait_dma2 semaphore(%run_scoped3A : memref<!tpu.dma_semaphore, #tpu.memory_space<semaphore_mem>>) src(%dma_wait3A_56 : memref<128x128xf32, #tpu.memory_space<vmem_shared>>) dst(%dma_wait3A_54 : memref<128x128xf32, #tpu.memory_space<hbm>>)
        tpu.yield
      }) : () -> ()
      %scan3A_48 = arith.constant 0 : i32
      scf.yield %scan3A_48 : i32
    }
    %scan3A_35 = arith.constant 5 : i32
    return
  }
}

#map = affine_map<(d0, d1) -> (0, 0)>
#map1 = affine_map<(d0, d1) -> (0, 0, 0)>
module attributes {stable_mosaic.version = 14 : i64} {
  func.func @_agg_kernel(%arg0: i32, %arg1: i32, %arg2: memref<10240x128xf32, #tpu.memory_space<hbm>>, %arg3: memref<32x80x128xi32, #tpu.memory_space<hbm>>, %arg4: memref<32x80x128xi32, #tpu.memory_space<hbm>>, %arg5: memref<2x10240x128xf32, #tpu.memory_space<hbm>>, %arg6: memref<40x128xi32, #tpu.memory_space<vmem>>, %arg7: memref<40x128xi32, #tpu.memory_space<vmem>>, %arg8: memref<10240x128xf32, #tpu.memory_space<vmem_shared>>, %arg9: memref<128x128xf32, #tpu.memory_space<vmem>>, %arg10: memref<128x128xf32, #tpu.memory_space<vmem>>, %arg11: memref<!tpu.dma_semaphore, #tpu.memory_space<semaphore_mem>>, %arg12: memref<!tpu.dma_semaphore, #tpu.memory_space<semaphore_mem>>) attributes {dimension_semantics = [#tpu.dimension_semantics<core_parallel>, #tpu.dimension_semantics<subcore_parallel>], iteration_bounds = array<i64: 2, 16>, scalar_prefetch = 0 : i64, scratch_operands = 7 : i64, tpu.core_type = #tpu.core_type<sc_vector_subcore>, window_params = [{transform_indices = #map}, {transform_indices = #map1}, {transform_indices = #map1}, {transform_indices = #map1}]} {
    %mul3A = arith.constant 16 : i32
    %mul3A_0 = arith.muli %arg0, %mul3A : i32
    %add3A = arith.addi %mul3A_0, %arg1 : i32
    %scan3A = arith.constant 0 : i32
    %scan3A_1 = arith.constant 0 : i32
    %scan3A_2 = arith.constant 128 : i32
    %scan3A_3 = arith.addi %scan3A_1, %scan3A_2 : i32
    %scan3A_4 = arith.constant 1 : i32
    %scan3A_5 = scf.for %scan3A_93 = %scan3A_1 to %scan3A_3 step %scan3A_4 iter_args(%scan3A_94 = %scan3A) -> (i32)  : i32 {
      %broadcast_in_dim3A = arith.constant 0.000000e+00 : f32
      %broadcast_in_dim3A_95 = vector.broadcast %broadcast_in_dim3A : f32 to vector<16xf32>
      %swap3A = arith.index_cast %scan3A_93 : i32 to index
      %swap3A_96 = arith.constant 0 : index
      %swap3A_97 = tpu.vector_load %arg9[%swap3A, %swap3A_96] {strides = array<i32>} : memref<128x128xf32, #tpu.memory_space<vmem>>, vector<1x16xf32>,
      %swap3A_98 = vector.shape_cast %swap3A_97 : vector<1x16xf32> to vector<16xf32>
      %swap3A_99 = vector.shape_cast %broadcast_in_dim3A_95 : vector<16xf32> to vector<1x16xf32>
      tpu.vector_store %arg9[%swap3A, %swap3A_96], %swap3A_99 {strides = array<i32>} : memref<128x128xf32, #tpu.memory_space<vmem>>, vector<1x16xf32>,
      %broadcast_in_dim3A_100 = arith.constant 0.000000e+00 : f32
      %broadcast_in_dim3A_101 = vector.broadcast %broadcast_in_dim3A_100 : f32 to vector<16xf32>
      %swap3A_102 = arith.index_cast %scan3A_93 : i32 to index
      %swap3A_103 = arith.constant 16 : index
      %swap3A_104 = tpu.vector_load %arg9[%swap3A_102, %swap3A_103] {strides = array<i32>} : memref<128x128xf32, #tpu.memory_space<vmem>>, vector<1x16xf32>,
      %swap3A_105 = vector.shape_cast %swap3A_104 : vector<1x16xf32> to vector<16xf32>
      %swap3A_106 = vector.shape_cast %broadcast_in_dim3A_101 : vector<16xf32> to vector<1x16xf32>
      tpu.vector_store %arg9[%swap3A_102, %swap3A_103], %swap3A_106 {strides = array<i32>} : memref<128x128xf32, #tpu.memory_space<vmem>>, vector<1x16xf32>,
      %broadcast_in_dim3A_107 = arith.constant 0.000000e+00 : f32
      %broadcast_in_dim3A_108 = vector.broadcast %broadcast_in_dim3A_107 : f32 to vector<16xf32>
      %swap3A_109 = arith.index_cast %scan3A_93 : i32 to index
      %swap3A_110 = arith.constant 32 : index
      %swap3A_111 = tpu.vector_load %arg9[%swap3A_109, %swap3A_110] {strides = array<i32>} : memref<128x128xf32, #tpu.memory_space<vmem>>, vector<1x16xf32>,
      %swap3A_112 = vector.shape_cast %swap3A_111 : vector<1x16xf32> to vector<16xf32>
      %swap3A_113 = vector.shape_cast %broadcast_in_dim3A_108 : vector<16xf32> to vector<1x16xf32>
      tpu.vector_store %arg9[%swap3A_109, %swap3A_110], %swap3A_113 {strides = array<i32>} : memref<128x128xf32, #tpu.memory_space<vmem>>, vector<1x16xf32>,
      %broadcast_in_dim3A_114 = arith.constant 0.000000e+00 : f32
      %broadcast_in_dim3A_115 = vector.broadcast %broadcast_in_dim3A_114 : f32 to vector<16xf32>
      %swap3A_116 = arith.index_cast %scan3A_93 : i32 to index
      %swap3A_117 = arith.constant 48 : index
      %swap3A_118 = tpu.vector_load %arg9[%swap3A_116, %swap3A_117] {strides = array<i32>} : memref<128x128xf32, #tpu.memory_space<vmem>>, vector<1x16xf32>,
      %swap3A_119 = vector.shape_cast %swap3A_118 : vector<1x16xf32> to vector<16xf32>
      %swap3A_120 = vector.shape_cast %broadcast_in_dim3A_115 : vector<16xf32> to vector<1x16xf32>
      tpu.vector_store %arg9[%swap3A_116, %swap3A_117], %swap3A_120 {strides = array<i32>} : memref<128x128xf32, #tpu.memory_space<vmem>>, vector<1x16xf32>,
      %broadcast_in_dim3A_121 = arith.constant 0.000000e+00 : f32
      %broadcast_in_dim3A_122 = vector.broadcast %broadcast_in_dim3A_121 : f32 to vector<16xf32>
      %swap3A_123 = arith.index_cast %scan3A_93 : i32 to index
      %swap3A_124 = arith.constant 64 : index
      %swap3A_125 = tpu.vector_load %arg9[%swap3A_123, %swap3A_124] {strides = array<i32>} : memref<128x128xf32, #tpu.memory_space<vmem>>, vector<1x16xf32>,
      %swap3A_126 = vector.shape_cast %swap3A_125 : vector<1x16xf32> to vector<16xf32>
      %swap3A_127 = vector.shape_cast %broadcast_in_dim3A_122 : vector<16xf32> to vector<1x16xf32>
      tpu.vector_store %arg9[%swap3A_123, %swap3A_124], %swap3A_127 {strides = array<i32>} : memref<128x128xf32, #tpu.memory_space<vmem>>, vector<1x16xf32>,
      %broadcast_in_dim3A_128 = arith.constant 0.000000e+00 : f32
      %broadcast_in_dim3A_129 = vector.broadcast %broadcast_in_dim3A_128 : f32 to vector<16xf32>
      %swap3A_130 = arith.index_cast %scan3A_93 : i32 to index
      %swap3A_131 = arith.constant 80 : index
      %swap3A_132 = tpu.vector_load %arg9[%swap3A_130, %swap3A_131] {strides = array<i32>} : memref<128x128xf32, #tpu.memory_space<vmem>>, vector<1x16xf32>,
      %swap3A_133 = vector.shape_cast %swap3A_132 : vector<1x16xf32> to vector<16xf32>
      %swap3A_134 = vector.shape_cast %broadcast_in_dim3A_129 : vector<16xf32> to vector<1x16xf32>
      tpu.vector_store %arg9[%swap3A_130, %swap3A_131], %swap3A_134 {strides = array<i32>} : memref<128x128xf32, #tpu.memory_space<vmem>>, vector<1x16xf32>,
      %broadcast_in_dim3A_135 = arith.constant 0.000000e+00 : f32
      %broadcast_in_dim3A_136 = vector.broadcast %broadcast_in_dim3A_135 : f32 to vector<16xf32>
      %swap3A_137 = arith.index_cast %scan3A_93 : i32 to index
      %swap3A_138 = arith.constant 96 : index
      %swap3A_139 = tpu.vector_load %arg9[%swap3A_137, %swap3A_138] {strides = array<i32>} : memref<128x128xf32, #tpu.memory_space<vmem>>, vector<1x16xf32>,
      %swap3A_140 = vector.shape_cast %swap3A_139 : vector<1x16xf32> to vector<16xf32>
      %swap3A_141 = vector.shape_cast %broadcast_in_dim3A_136 : vector<16xf32> to vector<1x16xf32>
      tpu.vector_store %arg9[%swap3A_137, %swap3A_138], %swap3A_141 {strides = array<i32>} : memref<128x128xf32, #tpu.memory_space<vmem>>, vector<1x16xf32>,
      %broadcast_in_dim3A_142 = arith.constant 0.000000e+00 : f32
      %broadcast_in_dim3A_143 = vector.broadcast %broadcast_in_dim3A_142 : f32 to vector<16xf32>
      %swap3A_144 = arith.index_cast %scan3A_93 : i32 to index
      %swap3A_145 = arith.constant 112 : index
      %swap3A_146 = tpu.vector_load %arg9[%swap3A_144, %swap3A_145] {strides = array<i32>} : memref<128x128xf32, #tpu.memory_space<vmem>>, vector<1x16xf32>,
      %swap3A_147 = vector.shape_cast %swap3A_146 : vector<1x16xf32> to vector<16xf32>
      %swap3A_148 = vector.shape_cast %broadcast_in_dim3A_143 : vector<16xf32> to vector<1x16xf32>
      tpu.vector_store %arg9[%swap3A_144, %swap3A_145], %swap3A_148 {strides = array<i32>} : memref<128x128xf32, #tpu.memory_space<vmem>>, vector<1x16xf32>,
      %scan3A_149 = arith.constant 0 : i32
      scf.yield %scan3A_149 : i32
    }
    %scan3A_6 = arith.constant 128 : i32
    %scan3A_7 = arith.constant 0 : i32
    %scan3A_8 = arith.constant 0 : i32
    %scan3A_9 = arith.constant 5 : i32
    %scan3A_10 = arith.addi %scan3A_8, %scan3A_9 : i32
    %scan3A_11 = arith.constant 1 : i32
    %scan3A_12 = scf.for %scan3A_93 = %scan3A_8 to %scan3A_10 step %scan3A_11 iter_args(%scan3A_94 = %scan3A_7) -> (i32)  : i32 {
      %mul3A_95 = arith.constant 640 : i32
      %mul3A_96 = arith.muli %arg1, %mul3A_95 : i32
      %mul3A_97 = arith.constant 128 : i32
      %mul3A_98 = arith.muli %scan3A_93, %mul3A_97 : i32
      %add3A_99 = arith.addi %mul3A_96, %mul3A_98 : i32
      "tpu.region"() ({
        %run_scoped3A_101 = tpu.sem_alloc : memref<!tpu.dma_semaphore, #tpu.memory_space<semaphore_mem>>
        %dma_start3A_102 = arith.constant 0 : i32
        %dma_start3A_103 = tpu.memref_slice %arg8[%add3A_99, %dma_start3A_102] : memref<10240x128xf32, #tpu.memory_space<vmem_shared>> -> memref<128x128xf32, #tpu.memory_space<vmem_shared>>
        %dma_start3A_104 = arith.constant 0 : i32
        %dma_start3A_105 = tpu.memref_slice %arg8[%add3A_99, %dma_start3A_104] : memref<10240x128xf32, #tpu.memory_space<vmem_shared>> -> memref<128x128xf32, #tpu.memory_space<vmem_shared>>
        tpu.enqueue_dma source(%arg9 : memref<128x128xf32, #tpu.memory_space<vmem>>) target(%dma_start3A_105 : memref<128x128xf32, #tpu.memory_space<vmem_shared>>) target_semaphore(%run_scoped3A_101 : memref<!tpu.dma_semaphore, #tpu.memory_space<semaphore_mem>>)
        %dma_wait3A_106 = arith.constant 0 : i32
        %dma_wait3A_107 = tpu.memref_slice %arg8[%add3A_99, %dma_wait3A_106] : memref<10240x128xf32, #tpu.memory_space<vmem_shared>> -> memref<128x128xf32, #tpu.memory_space<vmem_shared>>
        %dma_wait3A_108 = arith.constant 0 : i32
        %dma_wait3A_109 = tpu.memref_slice %arg8[%add3A_99, %dma_wait3A_108] : memref<10240x128xf32, #tpu.memory_space<vmem_shared>> -> memref<128x128xf32, #tpu.memory_space<vmem_shared>>
        tpu.wait_dma2 semaphore(%run_scoped3A_101 : memref<!tpu.dma_semaphore, #tpu.memory_space<semaphore_mem>>) src(%arg9 : memref<128x128xf32, #tpu.memory_space<vmem>>) dst(%dma_wait3A_109 : memref<128x128xf32, #tpu.memory_space<vmem_shared>>)
        tpu.yield
      }) : () -> ()
      %scan3A_100 = arith.constant 0 : i32
      scf.yield %scan3A_100 : i32
    }
    %scan3A_13 = arith.constant 5 : i32
    %barrier3A = arith.constant 0 : index
    tpu.barrier barrier_id(%barrier3A)
    "tpu.region"() ({
      %run_scoped3A_93 = tpu.sem_alloc : memref<!tpu.dma_semaphore, #tpu.memory_space<semaphore_mem>>
      %dma_start3A_94 = arith.constant 0 : i32
      %dma_start3A_95 = arith.constant 0 : i32
      %dma_start3A_96 = tpu.memref_slice %arg3[%add3A, %dma_start3A_94, %dma_start3A_95] : memref<32x80x128xi32, #tpu.memory_space<hbm>> -> memref<1x40x128xi32, #tpu.memory_space<hbm>>
      %dma_start3A_97 = tpu.memref_squeeze %dma_start3A_96 : memref<1x40x128xi32, #tpu.memory_space<hbm>> -> memref<40x128xi32, #tpu.memory_space<hbm>>
      %dma_start3A_98 = arith.constant 0 : i32
      %dma_start3A_99 = arith.constant 0 : i32
      %dma_start3A_100 = tpu.memref_slice %arg3[%add3A, %dma_start3A_98, %dma_start3A_99] : memref<32x80x128xi32, #tpu.memory_space<hbm>> -> memref<1x40x128xi32, #tpu.memory_space<hbm>>
      %dma_start3A_101 = tpu.memref_squeeze %dma_start3A_100 : memref<1x40x128xi32, #tpu.memory_space<hbm>> -> memref<40x128xi32, #tpu.memory_space<hbm>>
      tpu.enqueue_dma source(%dma_start3A_101 : memref<40x128xi32, #tpu.memory_space<hbm>>) target(%arg6 : memref<40x128xi32, #tpu.memory_space<vmem>>) target_semaphore(%run_scoped3A_93 : memref<!tpu.dma_semaphore, #tpu.memory_space<semaphore_mem>>)
      %dma_wait3A_102 = arith.constant 0 : i32
      %dma_wait3A_103 = arith.constant 0 : i32
      %dma_wait3A_104 = tpu.memref_slice %arg3[%add3A, %dma_wait3A_102, %dma_wait3A_103] : memref<32x80x128xi32, #tpu.memory_space<hbm>> -> memref<1x40x128xi32, #tpu.memory_space<hbm>>
      %dma_wait3A_105 = tpu.memref_squeeze %dma_wait3A_104 : memref<1x40x128xi32, #tpu.memory_space<hbm>> -> memref<40x128xi32, #tpu.memory_space<hbm>>
      %dma_wait3A_106 = arith.constant 0 : i32
      %dma_wait3A_107 = arith.constant 0 : i32
      %dma_wait3A_108 = tpu.memref_slice %arg3[%add3A, %dma_wait3A_106, %dma_wait3A_107] : memref<32x80x128xi32, #tpu.memory_space<hbm>> -> memref<1x40x128xi32, #tpu.memory_space<hbm>>
      %dma_wait3A_109 = tpu.memref_squeeze %dma_wait3A_108 : memref<1x40x128xi32, #tpu.memory_space<hbm>> -> memref<40x128xi32, #tpu.memory_space<hbm>>
      tpu.wait_dma2 semaphore(%run_scoped3A_93 : memref<!tpu.dma_semaphore, #tpu.memory_space<semaphore_mem>>) src(%dma_wait3A_109 : memref<40x128xi32, #tpu.memory_space<hbm>>) dst(%arg6 : memref<40x128xi32, #tpu.memory_space<vmem>>)
      tpu.yield
    }) : () -> ()
    "tpu.region"() ({
      %run_scoped3A_93 = tpu.sem_alloc : memref<!tpu.dma_semaphore, #tpu.memory_space<semaphore_mem>>
      %dma_start3A_94 = arith.constant 0 : i32
      %dma_start3A_95 = arith.constant 0 : i32
      %dma_start3A_96 = tpu.memref_slice %arg4[%add3A, %dma_start3A_94, %dma_start3A_95] : memref<32x80x128xi32, #tpu.memory_space<hbm>> -> memref<1x40x128xi32, #tpu.memory_space<hbm>>
      %dma_start3A_97 = tpu.memref_squeeze %dma_start3A_96 : memref<1x40x128xi32, #tpu.memory_space<hbm>> -> memref<40x128xi32, #tpu.memory_space<hbm>>
      %dma_start3A_98 = arith.constant 0 : i32
      %dma_start3A_99 = arith.constant 0 : i32
      %dma_start3A_100 = tpu.memref_slice %arg4[%add3A, %dma_start3A_98, %dma_start3A_99] : memref<32x80x128xi32, #tpu.memory_space<hbm>> -> memref<1x40x128xi32, #tpu.memory_space<hbm>>
      %dma_start3A_101 = tpu.memref_squeeze %dma_start3A_100 : memref<1x40x128xi32, #tpu.memory_space<hbm>> -> memref<40x128xi32, #tpu.memory_space<hbm>>
      tpu.enqueue_dma source(%dma_start3A_101 : memref<40x128xi32, #tpu.memory_space<hbm>>) target(%arg7 : memref<40x128xi32, #tpu.memory_space<vmem>>) target_semaphore(%run_scoped3A_93 : memref<!tpu.dma_semaphore, #tpu.memory_space<semaphore_mem>>)
      %dma_wait3A_102 = arith.constant 0 : i32
      %dma_wait3A_103 = arith.constant 0 : i32
      %dma_wait3A_104 = tpu.memref_slice %arg4[%add3A, %dma_wait3A_102, %dma_wait3A_103] : memref<32x80x128xi32, #tpu.memory_space<hbm>> -> memref<1x40x128xi32, #tpu.memory_space<hbm>>
      %dma_wait3A_105 = tpu.memref_squeeze %dma_wait3A_104 : memref<1x40x128xi32, #tpu.memory_space<hbm>> -> memref<40x128xi32, #tpu.memory_space<hbm>>
      %dma_wait3A_106 = arith.constant 0 : i32
      %dma_wait3A_107 = arith.constant 0 : i32
      %dma_wait3A_108 = tpu.memref_slice %arg4[%add3A, %dma_wait3A_106, %dma_wait3A_107] : memref<32x80x128xi32, #tpu.memory_space<hbm>> -> memref<1x40x128xi32, #tpu.memory_space<hbm>>
      %dma_wait3A_109 = tpu.memref_squeeze %dma_wait3A_108 : memref<1x40x128xi32, #tpu.memory_space<hbm>> -> memref<40x128xi32, #tpu.memory_space<hbm>>
      tpu.wait_dma2 semaphore(%run_scoped3A_93 : memref<!tpu.dma_semaphore, #tpu.memory_space<semaphore_mem>>) src(%dma_wait3A_109 : memref<40x128xi32, #tpu.memory_space<hbm>>) dst(%arg7 : memref<40x128xi32, #tpu.memory_space<vmem>>)
      tpu.yield
    }) : () -> ()
    %dma_start3A = arith.constant 0 : i32
    %dma_start3A_14 = arith.constant 0 : i32
    %dma_start3A_15 = tpu.memref_slice %arg6[%dma_start3A, %dma_start3A_14] : memref<40x128xi32, #tpu.memory_space<vmem>> -> memref<1x128xi32, #tpu.memory_space<vmem>>
    %dma_start3A_16 = tpu.memref_squeeze %dma_start3A_15 : memref<1x128xi32, #tpu.memory_space<vmem>> -> memref<128xi32, #tpu.memory_space<vmem>>
    %dma_start3A_17 = arith.constant 0 : i32
    %dma_start3A_18 = arith.constant 0 : i32
    %dma_start3A_19 = tpu.memref_slice %arg2[%dma_start3A_17, %dma_start3A_18] : memref<10240x128xf32, #tpu.memory_space<hbm>> -> memref<10240x128xf32, #tpu.memory_space<hbm>>
    tpu.enqueue_indirect_dma source(%dma_start3A_19 : memref<10240x128xf32, #tpu.memory_space<hbm>>) target(%arg9 : memref<128x128xf32, #tpu.memory_space<vmem>>) offsets(%dma_start3A_16 : memref<128xi32, #tpu.memory_space<vmem>>) semaphore(%arg11 : memref<!tpu.dma_semaphore, #tpu.memory_space<semaphore_mem>>)
    %dma_start3A_20 = arith.constant 1 : i32
    %dma_start3A_21 = arith.constant 0 : i32
    %dma_start3A_22 = tpu.memref_slice %arg6[%dma_start3A_20, %dma_start3A_21] : memref<40x128xi32, #tpu.memory_space<vmem>> -> memref<1x128xi32, #tpu.memory_space<vmem>>
    %dma_start3A_23 = tpu.memref_squeeze %dma_start3A_22 : memref<1x128xi32, #tpu.memory_space<vmem>> -> memref<128xi32, #tpu.memory_space<vmem>>
    %dma_start3A_24 = arith.constant 0 : i32
    %dma_start3A_25 = arith.constant 0 : i32
    %dma_start3A_26 = tpu.memref_slice %arg2[%dma_start3A_24, %dma_start3A_25] : memref<10240x128xf32, #tpu.memory_space<hbm>> -> memref<10240x128xf32, #tpu.memory_space<hbm>>
    tpu.enqueue_indirect_dma source(%dma_start3A_26 : memref<10240x128xf32, #tpu.memory_space<hbm>>) target(%arg10 : memref<128x128xf32, #tpu.memory_space<vmem>>) offsets(%dma_start3A_23 : memref<128xi32, #tpu.memory_space<vmem>>) semaphore(%arg12 : memref<!tpu.dma_semaphore, #tpu.memory_space<semaphore_mem>>)
    %scan3A_27 = arith.constant 0 : i32
    %scan3A_28 = arith.constant 0 : i32
    %scan3A_29 = arith.constant 19 : i32
    %scan3A_30 = arith.addi %scan3A_28, %scan3A_29 : i32
    %scan3A_31 = arith.constant 1 : i32
    %scan3A_32 = scf.for %scan3A_93 = %scan3A_28 to %scan3A_30 step %scan3A_31 iter_args(%scan3A_94 = %scan3A_27) -> (i32)  : i32 {
      %mul3A_95 = arith.constant 2 : i32
      %mul3A_96 = arith.muli %scan3A_93, %mul3A_95 : i32
      %add3A_97 = arith.constant 0 : i32
      %add3A_98 = arith.addi %mul3A_96, %add3A_97 : i32
      %dma_wait3A_99 = arith.constant 0 : i32
      %dma_wait3A_100 = tpu.memref_slice %arg6[%add3A_98, %dma_wait3A_99] : memref<40x128xi32, #tpu.memory_space<vmem>> -> memref<1x128xi32, #tpu.memory_space<vmem>>
      %dma_wait3A_101 = tpu.memref_squeeze %dma_wait3A_100 : memref<1x128xi32, #tpu.memory_space<vmem>> -> memref<128xi32, #tpu.memory_space<vmem>>
      %dma_wait3A_102 = arith.constant 0 : i32
      %dma_wait3A_103 = arith.constant 0 : i32
      %dma_wait3A_104 = tpu.memref_slice %arg2[%dma_wait3A_102, %dma_wait3A_103] : memref<10240x128xf32, #tpu.memory_space<hbm>> -> memref<10240x128xf32, #tpu.memory_space<hbm>>
      tpu.wait_indirect_dma semaphore(%arg11 : memref<!tpu.dma_semaphore, #tpu.memory_space<semaphore_mem>>) src(%dma_wait3A_104 : memref<10240x128xf32, #tpu.memory_space<hbm>>) dst(%arg9 : memref<128x128xf32, #tpu.memory_space<vmem>>)
      "tpu.region"() ({
        %run_scoped3A_132 = tpu.sem_alloc : memref<!tpu.dma_semaphore, #tpu.memory_space<semaphore_mem>>
        %dma_start3A_133 = arith.constant 0 : i32
        %dma_start3A_134 = tpu.memref_slice %arg7[%add3A_98, %dma_start3A_133] : memref<40x128xi32, #tpu.memory_space<vmem>> -> memref<1x128xi32, #tpu.memory_space<vmem>>
        %dma_start3A_135 = tpu.memref_squeeze %dma_start3A_134 : memref<1x128xi32, #tpu.memory_space<vmem>> -> memref<128xi32, #tpu.memory_space<vmem>>
        %dma_start3A_136 = arith.constant 0 : i32
        %dma_start3A_137 = arith.constant 0 : i32
        %dma_start3A_138 = tpu.memref_slice %arg8[%dma_start3A_136, %dma_start3A_137] : memref<10240x128xf32, #tpu.memory_space<vmem_shared>> -> memref<10240x128xf32, #tpu.memory_space<vmem_shared>>
        tpu.enqueue_indirect_dma source(%arg9 : memref<128x128xf32, #tpu.memory_space<vmem>>) target(%dma_start3A_138 : memref<10240x128xf32, #tpu.memory_space<vmem_shared>>) offsets(%dma_start3A_135 : memref<128xi32, #tpu.memory_space<vmem>>) semaphore(%run_scoped3A_132 : memref<!tpu.dma_semaphore, #tpu.memory_space<semaphore_mem>>) {add = true}
        %dma_wait3A_139 = arith.constant 0 : i32
        %dma_wait3A_140 = tpu.memref_slice %arg7[%add3A_98, %dma_wait3A_139] : memref<40x128xi32, #tpu.memory_space<vmem>> -> memref<1x128xi32, #tpu.memory_space<vmem>>
        %dma_wait3A_141 = tpu.memref_squeeze %dma_wait3A_140 : memref<1x128xi32, #tpu.memory_space<vmem>> -> memref<128xi32, #tpu.memory_space<vmem>>
        %dma_wait3A_142 = arith.constant 0 : i32
        %dma_wait3A_143 = arith.constant 0 : i32
        %dma_wait3A_144 = tpu.memref_slice %arg8[%dma_wait3A_142, %dma_wait3A_143] : memref<10240x128xf32, #tpu.memory_space<vmem_shared>> -> memref<10240x128xf32, #tpu.memory_space<vmem_shared>>
        tpu.wait_indirect_dma semaphore(%run_scoped3A_132 : memref<!tpu.dma_semaphore, #tpu.memory_space<semaphore_mem>>) src(%arg9 : memref<128x128xf32, #tpu.memory_space<vmem>>) dst(%dma_wait3A_144 : memref<10240x128xf32, #tpu.memory_space<vmem_shared>>)
        tpu.yield
      }) : () -> ()
      %add3A_105 = arith.constant 2 : i32
      %add3A_106 = arith.addi %add3A_98, %add3A_105 : i32
      %dma_start3A_107 = arith.constant 0 : i32
      %dma_start3A_108 = tpu.memref_slice %arg6[%add3A_106, %dma_start3A_107] : memref<40x128xi32, #tpu.memory_space<vmem>> -> memref<1x128xi32, #tpu.memory_space<vmem>>
      %dma_start3A_109 = tpu.memref_squeeze %dma_start3A_108 : memref<1x128xi32, #tpu.memory_space<vmem>> -> memref<128xi32, #tpu.memory_space<vmem>>
      %dma_start3A_110 = arith.constant 0 : i32
      %dma_start3A_111 = arith.constant 0 : i32
      %dma_start3A_112 = tpu.memref_slice %arg2[%dma_start3A_110, %dma_start3A_111] : memref<10240x128xf32, #tpu.memory_space<hbm>> -> memref<10240x128xf32, #tpu.memory_space<hbm>>
      tpu.enqueue_indirect_dma source(%dma_start3A_112 : memref<10240x128xf32, #tpu.memory_space<hbm>>) target(%arg9 : memref<128x128xf32, #tpu.memory_space<vmem>>) offsets(%dma_start3A_109 : memref<128xi32, #tpu.memory_space<vmem>>) semaphore(%arg11 : memref<!tpu.dma_semaphore, #tpu.memory_space<semaphore_mem>>)
      %mul3A_113 = arith.constant 2 : i32
      %mul3A_114 = arith.muli %scan3A_93, %mul3A_113 : i32
      %add3A_115 = arith.constant 1 : i32
      %add3A_116 = arith.addi %mul3A_114, %add3A_115 : i32
      %dma_wait3A_117 = arith.constant 0 : i32
      %dma_wait3A_118 = tpu.memref_slice %arg6[%add3A_116, %dma_wait3A_117] : memref<40x128xi32, #tpu.memory_space<vmem>> -> memref<1x128xi32, #tpu.memory_space<vmem>>
      %dma_wait3A_119 = tpu.memref_squeeze %dma_wait3A_118 : memref<1x128xi32, #tpu.memory_space<vmem>> -> memref<128xi32, #tpu.memory_space<vmem>>
      %dma_wait3A_120 = arith.constant 0 : i32
      %dma_wait3A_121 = arith.constant 0 : i32
      %dma_wait3A_122 = tpu.memref_slice %arg2[%dma_wait3A_120, %dma_wait3A_121] : memref<10240x128xf32, #tpu.memory_space<hbm>> -> memref<10240x128xf32, #tpu.memory_space<hbm>>
      tpu.wait_indirect_dma semaphore(%arg12 : memref<!tpu.dma_semaphore, #tpu.memory_space<semaphore_mem>>) src(%dma_wait3A_122 : memref<10240x128xf32, #tpu.memory_space<hbm>>) dst(%arg10 : memref<128x128xf32, #tpu.memory_space<vmem>>)
      "tpu.region"() ({
        %run_scoped3A_132 = tpu.sem_alloc : memref<!tpu.dma_semaphore, #tpu.memory_space<semaphore_mem>>
        %dma_start3A_133 = arith.constant 0 : i32
        %dma_start3A_134 = tpu.memref_slice %arg7[%add3A_116, %dma_start3A_133] : memref<40x128xi32, #tpu.memory_space<vmem>> -> memref<1x128xi32, #tpu.memory_space<vmem>>
        %dma_start3A_135 = tpu.memref_squeeze %dma_start3A_134 : memref<1x128xi32, #tpu.memory_space<vmem>> -> memref<128xi32, #tpu.memory_space<vmem>>
        %dma_start3A_136 = arith.constant 0 : i32
        %dma_start3A_137 = arith.constant 0 : i32
        %dma_start3A_138 = tpu.memref_slice %arg8[%dma_start3A_136, %dma_start3A_137] : memref<10240x128xf32, #tpu.memory_space<vmem_shared>> -> memref<10240x128xf32, #tpu.memory_space<vmem_shared>>
        tpu.enqueue_indirect_dma source(%arg10 : memref<128x128xf32, #tpu.memory_space<vmem>>) target(%dma_start3A_138 : memref<10240x128xf32, #tpu.memory_space<vmem_shared>>) offsets(%dma_start3A_135 : memref<128xi32, #tpu.memory_space<vmem>>) semaphore(%run_scoped3A_132 : memref<!tpu.dma_semaphore, #tpu.memory_space<semaphore_mem>>) {add = true}
        %dma_wait3A_139 = arith.constant 0 : i32
        %dma_wait3A_140 = tpu.memref_slice %arg7[%add3A_116, %dma_wait3A_139] : memref<40x128xi32, #tpu.memory_space<vmem>> -> memref<1x128xi32, #tpu.memory_space<vmem>>
        %dma_wait3A_141 = tpu.memref_squeeze %dma_wait3A_140 : memref<1x128xi32, #tpu.memory_space<vmem>> -> memref<128xi32, #tpu.memory_space<vmem>>
        %dma_wait3A_142 = arith.constant 0 : i32
        %dma_wait3A_143 = arith.constant 0 : i32
        %dma_wait3A_144 = tpu.memref_slice %arg8[%dma_wait3A_142, %dma_wait3A_143] : memref<10240x128xf32, #tpu.memory_space<vmem_shared>> -> memref<10240x128xf32, #tpu.memory_space<vmem_shared>>
        tpu.wait_indirect_dma semaphore(%run_scoped3A_132 : memref<!tpu.dma_semaphore, #tpu.memory_space<semaphore_mem>>) src(%arg10 : memref<128x128xf32, #tpu.memory_space<vmem>>) dst(%dma_wait3A_144 : memref<10240x128xf32, #tpu.memory_space<vmem_shared>>)
        tpu.yield
      }) : () -> ()
      %add3A_123 = arith.constant 2 : i32
      %add3A_124 = arith.addi %add3A_116, %add3A_123 : i32
      %dma_start3A_125 = arith.constant 0 : i32
      %dma_start3A_126 = tpu.memref_slice %arg6[%add3A_124, %dma_start3A_125] : memref<40x128xi32, #tpu.memory_space<vmem>> -> memref<1x128xi32, #tpu.memory_space<vmem>>
      %dma_start3A_127 = tpu.memref_squeeze %dma_start3A_126 : memref<1x128xi32, #tpu.memory_space<vmem>> -> memref<128xi32, #tpu.memory_space<vmem>>
      %dma_start3A_128 = arith.constant 0 : i32
      %dma_start3A_129 = arith.constant 0 : i32
      %dma_start3A_130 = tpu.memref_slice %arg2[%dma_start3A_128, %dma_start3A_129] : memref<10240x128xf32, #tpu.memory_space<hbm>> -> memref<10240x128xf32, #tpu.memory_space<hbm>>
      tpu.enqueue_indirect_dma source(%dma_start3A_130 : memref<10240x128xf32, #tpu.memory_space<hbm>>) target(%arg10 : memref<128x128xf32, #tpu.memory_space<vmem>>) offsets(%dma_start3A_127 : memref<128xi32, #tpu.memory_space<vmem>>) semaphore(%arg12 : memref<!tpu.dma_semaphore, #tpu.memory_space<semaphore_mem>>)
      %scan3A_131 = arith.constant 0 : i32
      scf.yield %scan3A_131 : i32
    }
    %scan3A_33 = arith.constant 19 : i32
    %dma_wait3A = arith.constant 38 : i32
    %dma_wait3A_34 = arith.constant 0 : i32
    %dma_wait3A_35 = tpu.memref_slice %arg6[%dma_wait3A, %dma_wait3A_34] : memref<40x128xi32, #tpu.memory_space<vmem>> -> memref<1x128xi32, #tpu.memory_space<vmem>>
    %dma_wait3A_36 = tpu.memref_squeeze %dma_wait3A_35 : memref<1x128xi32, #tpu.memory_space<vmem>> -> memref<128xi32, #tpu.memory_space<vmem>>
    %dma_wait3A_37 = arith.constant 0 : i32
    %dma_wait3A_38 = arith.constant 0 : i32
    %dma_wait3A_39 = tpu.memref_slice %arg2[%dma_wait3A_37, %dma_wait3A_38] : memref<10240x128xf32, #tpu.memory_space<hbm>> -> memref<10240x128xf32, #tpu.memory_space<hbm>>
    tpu.wait_indirect_dma semaphore(%arg11 : memref<!tpu.dma_semaphore, #tpu.memory_space<semaphore_mem>>) src(%dma_wait3A_39 : memref<10240x128xf32, #tpu.memory_space<hbm>>) dst(%arg9 : memref<128x128xf32, #tpu.memory_space<vmem>>)
    %run_scoped3A = arith.constant 38 : i32
    "tpu.region"() ({
      %run_scoped3A_93 = tpu.sem_alloc : memref<!tpu.dma_semaphore, #tpu.memory_space<semaphore_mem>>
      %dma_start3A_94 = arith.constant 0 : i32
      %dma_start3A_95 = tpu.memref_slice %arg7[%run_scoped3A, %dma_start3A_94] : memref<40x128xi32, #tpu.memory_space<vmem>> -> memref<1x128xi32, #tpu.memory_space<vmem>>
      %dma_start3A_96 = tpu.memref_squeeze %dma_start3A_95 : memref<1x128xi32, #tpu.memory_space<vmem>> -> memref<128xi32, #tpu.memory_space<vmem>>
      %dma_start3A_97 = arith.constant 0 : i32
      %dma_start3A_98 = arith.constant 0 : i32
      %dma_start3A_99 = tpu.memref_slice %arg8[%dma_start3A_97, %dma_start3A_98] : memref<10240x128xf32, #tpu.memory_space<vmem_shared>> -> memref<10240x128xf32, #tpu.memory_space<vmem_shared>>
      tpu.enqueue_indirect_dma source(%arg9 : memref<128x128xf32, #tpu.memory_space<vmem>>) target(%dma_start3A_99 : memref<10240x128xf32, #tpu.memory_space<vmem_shared>>) offsets(%dma_start3A_96 : memref<128xi32, #tpu.memory_space<vmem>>) semaphore(%run_scoped3A_93 : memref<!tpu.dma_semaphore, #tpu.memory_space<semaphore_mem>>) {add = true}
      %dma_wait3A_100 = arith.constant 0 : i32
      %dma_wait3A_101 = tpu.memref_slice %arg7[%run_scoped3A, %dma_wait3A_100] : memref<40x128xi32, #tpu.memory_space<vmem>> -> memref<1x128xi32, #tpu.memory_space<vmem>>
      %dma_wait3A_102 = tpu.memref_squeeze %dma_wait3A_101 : memref<1x128xi32, #tpu.memory_space<vmem>> -> memref<128xi32, #tpu.memory_space<vmem>>
      %dma_wait3A_103 = arith.constant 0 : i32
      %dma_wait3A_104 = arith.constant 0 : i32
      %dma_wait3A_105 = tpu.memref_slice %arg8[%dma_wait3A_103, %dma_wait3A_104] : memref<10240x128xf32, #tpu.memory_space<vmem_shared>> -> memref<10240x128xf32, #tpu.memory_space<vmem_shared>>
      tpu.wait_indirect_dma semaphore(%run_scoped3A_93 : memref<!tpu.dma_semaphore, #tpu.memory_space<semaphore_mem>>) src(%arg9 : memref<128x128xf32, #tpu.memory_space<vmem>>) dst(%dma_wait3A_105 : memref<10240x128xf32, #tpu.memory_space<vmem_shared>>)
      tpu.yield
    }) : () -> ()
    %dma_wait3A_40 = arith.constant 39 : i32
    %dma_wait3A_41 = arith.constant 0 : i32
    %dma_wait3A_42 = tpu.memref_slice %arg6[%dma_wait3A_40, %dma_wait3A_41] : memref<40x128xi32, #tpu.memory_space<vmem>> -> memref<1x128xi32, #tpu.memory_space<vmem>>
    %dma_wait3A_43 = tpu.memref_squeeze %dma_wait3A_42 : memref<1x128xi32, #tpu.memory_space<vmem>> -> memref<128xi32, #tpu.memory_space<vmem>>
    %dma_wait3A_44 = arith.constant 0 : i32
    %dma_wait3A_45 = arith.constant 0 : i32
    %dma_wait3A_46 = tpu.memref_slice %arg2[%dma_wait3A_44, %dma_wait3A_45] : memref<10240x128xf32, #tpu.memory_space<hbm>> -> memref<10240x128xf32, #tpu.memory_space<hbm>>
    tpu.wait_indirect_dma semaphore(%arg12 : memref<!tpu.dma_semaphore, #tpu.memory_space<semaphore_mem>>) src(%dma_wait3A_46 : memref<10240x128xf32, #tpu.memory_space<hbm>>) dst(%arg10 : memref<128x128xf32, #tpu.memory_space<vmem>>)
    %run_scoped3A_47 = arith.constant 39 : i32
    "tpu.region"() ({
      %run_scoped3A_93 = tpu.sem_alloc : memref<!tpu.dma_semaphore, #tpu.memory_space<semaphore_mem>>
      %dma_start3A_94 = arith.constant 0 : i32
      %dma_start3A_95 = tpu.memref_slice %arg7[%run_scoped3A_47, %dma_start3A_94] : memref<40x128xi32, #tpu.memory_space<vmem>> -> memref<1x128xi32, #tpu.memory_space<vmem>>
      %dma_start3A_96 = tpu.memref_squeeze %dma_start3A_95 : memref<1x128xi32, #tpu.memory_space<vmem>> -> memref<128xi32, #tpu.memory_space<vmem>>
      %dma_start3A_97 = arith.constant 0 : i32
      %dma_start3A_98 = arith.constant 0 : i32
      %dma_start3A_99 = tpu.memref_slice %arg8[%dma_start3A_97, %dma_start3A_98] : memref<10240x128xf32, #tpu.memory_space<vmem_shared>> -> memref<10240x128xf32, #tpu.memory_space<vmem_shared>>
      tpu.enqueue_indirect_dma source(%arg10 : memref<128x128xf32, #tpu.memory_space<vmem>>) target(%dma_start3A_99 : memref<10240x128xf32, #tpu.memory_space<vmem_shared>>) offsets(%dma_start3A_96 : memref<128xi32, #tpu.memory_space<vmem>>) semaphore(%run_scoped3A_93 : memref<!tpu.dma_semaphore, #tpu.memory_space<semaphore_mem>>) {add = true}
      %dma_wait3A_100 = arith.constant 0 : i32
      %dma_wait3A_101 = tpu.memref_slice %arg7[%run_scoped3A_47, %dma_wait3A_100] : memref<40x128xi32, #tpu.memory_space<vmem>> -> memref<1x128xi32, #tpu.memory_space<vmem>>
      %dma_wait3A_102 = tpu.memref_squeeze %dma_wait3A_101 : memref<1x128xi32, #tpu.memory_space<vmem>> -> memref<128xi32, #tpu.memory_space<vmem>>
      %dma_wait3A_103 = arith.constant 0 : i32
      %dma_wait3A_104 = arith.constant 0 : i32
      %dma_wait3A_105 = tpu.memref_slice %arg8[%dma_wait3A_103, %dma_wait3A_104] : memref<10240x128xf32, #tpu.memory_space<vmem_shared>> -> memref<10240x128xf32, #tpu.memory_space<vmem_shared>>
      tpu.wait_indirect_dma semaphore(%run_scoped3A_93 : memref<!tpu.dma_semaphore, #tpu.memory_space<semaphore_mem>>) src(%arg10 : memref<128x128xf32, #tpu.memory_space<vmem>>) dst(%dma_wait3A_105 : memref<10240x128xf32, #tpu.memory_space<vmem_shared>>)
      tpu.yield
    }) : () -> ()
    "tpu.region"() ({
      %run_scoped3A_93 = tpu.sem_alloc : memref<!tpu.dma_semaphore, #tpu.memory_space<semaphore_mem>>
      %dma_start3A_94 = arith.constant 40 : i32
      %dma_start3A_95 = arith.constant 0 : i32
      %dma_start3A_96 = tpu.memref_slice %arg3[%add3A, %dma_start3A_94, %dma_start3A_95] : memref<32x80x128xi32, #tpu.memory_space<hbm>> -> memref<1x40x128xi32, #tpu.memory_space<hbm>>
      %dma_start3A_97 = tpu.memref_squeeze %dma_start3A_96 : memref<1x40x128xi32, #tpu.memory_space<hbm>> -> memref<40x128xi32, #tpu.memory_space<hbm>>
      %dma_start3A_98 = arith.constant 40 : i32
      %dma_start3A_99 = arith.constant 0 : i32
      %dma_start3A_100 = tpu.memref_slice %arg3[%add3A, %dma_start3A_98, %dma_start3A_99] : memref<32x80x128xi32, #tpu.memory_space<hbm>> -> memref<1x40x128xi32, #tpu.memory_space<hbm>>
      %dma_start3A_101 = tpu.memref_squeeze %dma_start3A_100 : memref<1x40x128xi32, #tpu.memory_space<hbm>> -> memref<40x128xi32, #tpu.memory_space<hbm>>
      tpu.enqueue_dma source(%dma_start3A_101 : memref<40x128xi32, #tpu.memory_space<hbm>>) target(%arg6 : memref<40x128xi32, #tpu.memory_space<vmem>>) target_semaphore(%run_scoped3A_93 : memref<!tpu.dma_semaphore, #tpu.memory_space<semaphore_mem>>)
      %dma_wait3A_102 = arith.constant 40 : i32
      %dma_wait3A_103 = arith.constant 0 : i32
      %dma_wait3A_104 = tpu.memref_slice %arg3[%add3A, %dma_wait3A_102, %dma_wait3A_103] : memref<32x80x128xi32, #tpu.memory_space<hbm>> -> memref<1x40x128xi32, #tpu.memory_space<hbm>>
      %dma_wait3A_105 = tpu.memref_squeeze %dma_wait3A_104 : memref<1x40x128xi32, #tpu.memory_space<hbm>> -> memref<40x128xi32, #tpu.memory_space<hbm>>
      %dma_wait3A_106 = arith.constant 40 : i32
      %dma_wait3A_107 = arith.constant 0 : i32
      %dma_wait3A_108 = tpu.memref_slice %arg3[%add3A, %dma_wait3A_106, %dma_wait3A_107] : memref<32x80x128xi32, #tpu.memory_space<hbm>> -> memref<1x40x128xi32, #tpu.memory_space<hbm>>
      %dma_wait3A_109 = tpu.memref_squeeze %dma_wait3A_108 : memref<1x40x128xi32, #tpu.memory_space<hbm>> -> memref<40x128xi32, #tpu.memory_space<hbm>>
      tpu.wait_dma2 semaphore(%run_scoped3A_93 : memref<!tpu.dma_semaphore, #tpu.memory_space<semaphore_mem>>) src(%dma_wait3A_109 : memref<40x128xi32, #tpu.memory_space<hbm>>) dst(%arg6 : memref<40x128xi32, #tpu.memory_space<vmem>>)
      tpu.yield
    }) : () -> ()
    "tpu.region"() ({
      %run_scoped3A_93 = tpu.sem_alloc : memref<!tpu.dma_semaphore, #tpu.memory_space<semaphore_mem>>
      %dma_start3A_94 = arith.constant 40 : i32
      %dma_start3A_95 = arith.constant 0 : i32
      %dma_start3A_96 = tpu.memref_slice %arg4[%add3A, %dma_start3A_94, %dma_start3A_95] : memref<32x80x128xi32, #tpu.memory_space<hbm>> -> memref<1x40x128xi32, #tpu.memory_space<hbm>>
      %dma_start3A_97 = tpu.memref_squeeze %dma_start3A_96 : memref<1x40x128xi32, #tpu.memory_space<hbm>> -> memref<40x128xi32, #tpu.memory_space<hbm>>
      %dma_start3A_98 = arith.constant 40 : i32
      %dma_start3A_99 = arith.constant 0 : i32
      %dma_start3A_100 = tpu.memref_slice %arg4[%add3A, %dma_start3A_98, %dma_start3A_99] : memref<32x80x128xi32, #tpu.memory_space<hbm>> -> memref<1x40x128xi32, #tpu.memory_space<hbm>>
      %dma_start3A_101 = tpu.memref_squeeze %dma_start3A_100 : memref<1x40x128xi32, #tpu.memory_space<hbm>> -> memref<40x128xi32, #tpu.memory_space<hbm>>
      tpu.enqueue_dma source(%dma_start3A_101 : memref<40x128xi32, #tpu.memory_space<hbm>>) target(%arg7 : memref<40x128xi32, #tpu.memory_space<vmem>>) target_semaphore(%run_scoped3A_93 : memref<!tpu.dma_semaphore, #tpu.memory_space<semaphore_mem>>)
      %dma_wait3A_102 = arith.constant 40 : i32
      %dma_wait3A_103 = arith.constant 0 : i32
      %dma_wait3A_104 = tpu.memref_slice %arg4[%add3A, %dma_wait3A_102, %dma_wait3A_103] : memref<32x80x128xi32, #tpu.memory_space<hbm>> -> memref<1x40x128xi32, #tpu.memory_space<hbm>>
      %dma_wait3A_105 = tpu.memref_squeeze %dma_wait3A_104 : memref<1x40x128xi32, #tpu.memory_space<hbm>> -> memref<40x128xi32, #tpu.memory_space<hbm>>
      %dma_wait3A_106 = arith.constant 40 : i32
      %dma_wait3A_107 = arith.constant 0 : i32
      %dma_wait3A_108 = tpu.memref_slice %arg4[%add3A, %dma_wait3A_106, %dma_wait3A_107] : memref<32x80x128xi32, #tpu.memory_space<hbm>> -> memref<1x40x128xi32, #tpu.memory_space<hbm>>
      %dma_wait3A_109 = tpu.memref_squeeze %dma_wait3A_108 : memref<1x40x128xi32, #tpu.memory_space<hbm>> -> memref<40x128xi32, #tpu.memory_space<hbm>>
      tpu.wait_dma2 semaphore(%run_scoped3A_93 : memref<!tpu.dma_semaphore, #tpu.memory_space<semaphore_mem>>) src(%dma_wait3A_109 : memref<40x128xi32, #tpu.memory_space<hbm>>) dst(%arg7 : memref<40x128xi32, #tpu.memory_space<vmem>>)
      tpu.yield
    }) : () -> ()
    %dma_start3A_48 = arith.constant 0 : i32
    %dma_start3A_49 = arith.constant 0 : i32
    %dma_start3A_50 = tpu.memref_slice %arg6[%dma_start3A_48, %dma_start3A_49] : memref<40x128xi32, #tpu.memory_space<vmem>> -> memref<1x128xi32, #tpu.memory_space<vmem>>
    %dma_start3A_51 = tpu.memref_squeeze %dma_start3A_50 : memref<1x128xi32, #tpu.memory_space<vmem>> -> memref<128xi32, #tpu.memory_space<vmem>>
    %dma_start3A_52 = arith.constant 0 : i32
    %dma_start3A_53 = arith.constant 0 : i32
    %dma_start3A_54 = tpu.memref_slice %arg2[%dma_start3A_52, %dma_start3A_53] : memref<10240x128xf32, #tpu.memory_space<hbm>> -> memref<10240x128xf32, #tpu.memory_space<hbm>>
    tpu.enqueue_indirect_dma source(%dma_start3A_54 : memref<10240x128xf32, #tpu.memory_space<hbm>>) target(%arg9 : memref<128x128xf32, #tpu.memory_space<vmem>>) offsets(%dma_start3A_51 : memref<128xi32, #tpu.memory_space<vmem>>) semaphore(%arg11 : memref<!tpu.dma_semaphore, #tpu.memory_space<semaphore_mem>>)
    %dma_start3A_55 = arith.constant 1 : i32
    %dma_start3A_56 = arith.constant 0 : i32
    %dma_start3A_57 = tpu.memref_slice %arg6[%dma_start3A_55, %dma_start3A_56] : memref<40x128xi32, #tpu.memory_space<vmem>> -> memref<1x128xi32, #tpu.memory_space<vmem>>
    %dma_start3A_58 = tpu.memref_squeeze %dma_start3A_57 : memref<1x128xi32, #tpu.memory_space<vmem>> -> memref<128xi32, #tpu.memory_space<vmem>>
    %dma_start3A_59 = arith.constant 0 : i32
    %dma_start3A_60 = arith.constant 0 : i32
    %dma_start3A_61 = tpu.memref_slice %arg2[%dma_start3A_59, %dma_start3A_60] : memref<10240x128xf32, #tpu.memory_space<hbm>> -> memref<10240x128xf32, #tpu.memory_space<hbm>>
    tpu.enqueue_indirect_dma source(%dma_start3A_61 : memref<10240x128xf32, #tpu.memory_space<hbm>>) target(%arg10 : memref<128x128xf32, #tpu.memory_space<vmem>>) offsets(%dma_start3A_58 : memref<128xi32, #tpu.memory_space<vmem>>) semaphore(%arg12 : memref<!tpu.dma_semaphore, #tpu.memory_space<semaphore_mem>>)
    %scan3A_62 = arith.constant 0 : i32
    %scan3A_63 = arith.constant 0 : i32
    %scan3A_64 = arith.constant 19 : i32
    %scan3A_65 = arith.addi %scan3A_63, %scan3A_64 : i32
    %scan3A_66 = arith.constant 1 : i32
    %scan3A_67 = scf.for %scan3A_93 = %scan3A_63 to %scan3A_65 step %scan3A_66 iter_args(%scan3A_94 = %scan3A_62) -> (i32)  : i32 {
      %mul3A_95 = arith.constant 2 : i32
      %mul3A_96 = arith.muli %scan3A_93, %mul3A_95 : i32
      %add3A_97 = arith.constant 0 : i32
      %add3A_98 = arith.addi %mul3A_96, %add3A_97 : i32
      %dma_wait3A_99 = arith.constant 0 : i32
      %dma_wait3A_100 = tpu.memref_slice %arg6[%add3A_98, %dma_wait3A_99] : memref<40x128xi32, #tpu.memory_space<vmem>> -> memref<1x128xi32, #tpu.memory_space<vmem>>
      %dma_wait3A_101 = tpu.memref_squeeze %dma_wait3A_100 : memref<1x128xi32, #tpu.memory_space<vmem>> -> memref<128xi32, #tpu.memory_space<vmem>>
      %dma_wait3A_102 = arith.constant 0 : i32
      %dma_wait3A_103 = arith.constant 0 : i32
      %dma_wait3A_104 = tpu.memref_slice %arg2[%dma_wait3A_102, %dma_wait3A_103] : memref<10240x128xf32, #tpu.memory_space<hbm>> -> memref<10240x128xf32, #tpu.memory_space<hbm>>
      tpu.wait_indirect_dma semaphore(%arg11 : memref<!tpu.dma_semaphore, #tpu.memory_space<semaphore_mem>>) src(%dma_wait3A_104 : memref<10240x128xf32, #tpu.memory_space<hbm>>) dst(%arg9 : memref<128x128xf32, #tpu.memory_space<vmem>>)
      "tpu.region"() ({
        %run_scoped3A_132 = tpu.sem_alloc : memref<!tpu.dma_semaphore, #tpu.memory_space<semaphore_mem>>
        %dma_start3A_133 = arith.constant 0 : i32
        %dma_start3A_134 = tpu.memref_slice %arg7[%add3A_98, %dma_start3A_133] : memref<40x128xi32, #tpu.memory_space<vmem>> -> memref<1x128xi32, #tpu.memory_space<vmem>>
        %dma_start3A_135 = tpu.memref_squeeze %dma_start3A_134 : memref<1x128xi32, #tpu.memory_space<vmem>> -> memref<128xi32, #tpu.memory_space<vmem>>
        %dma_start3A_136 = arith.constant 0 : i32
        %dma_start3A_137 = arith.constant 0 : i32
        %dma_start3A_138 = tpu.memref_slice %arg8[%dma_start3A_136, %dma_start3A_137] : memref<10240x128xf32, #tpu.memory_space<vmem_shared>> -> memref<10240x128xf32, #tpu.memory_space<vmem_shared>>
        tpu.enqueue_indirect_dma source(%arg9 : memref<128x128xf32, #tpu.memory_space<vmem>>) target(%dma_start3A_138 : memref<10240x128xf32, #tpu.memory_space<vmem_shared>>) offsets(%dma_start3A_135 : memref<128xi32, #tpu.memory_space<vmem>>) semaphore(%run_scoped3A_132 : memref<!tpu.dma_semaphore, #tpu.memory_space<semaphore_mem>>) {add = true}
        %dma_wait3A_139 = arith.constant 0 : i32
        %dma_wait3A_140 = tpu.memref_slice %arg7[%add3A_98, %dma_wait3A_139] : memref<40x128xi32, #tpu.memory_space<vmem>> -> memref<1x128xi32, #tpu.memory_space<vmem>>
        %dma_wait3A_141 = tpu.memref_squeeze %dma_wait3A_140 : memref<1x128xi32, #tpu.memory_space<vmem>> -> memref<128xi32, #tpu.memory_space<vmem>>
        %dma_wait3A_142 = arith.constant 0 : i32
        %dma_wait3A_143 = arith.constant 0 : i32
        %dma_wait3A_144 = tpu.memref_slice %arg8[%dma_wait3A_142, %dma_wait3A_143] : memref<10240x128xf32, #tpu.memory_space<vmem_shared>> -> memref<10240x128xf32, #tpu.memory_space<vmem_shared>>
        tpu.wait_indirect_dma semaphore(%run_scoped3A_132 : memref<!tpu.dma_semaphore, #tpu.memory_space<semaphore_mem>>) src(%arg9 : memref<128x128xf32, #tpu.memory_space<vmem>>) dst(%dma_wait3A_144 : memref<10240x128xf32, #tpu.memory_space<vmem_shared>>)
        tpu.yield
      }) : () -> ()
      %add3A_105 = arith.constant 2 : i32
      %add3A_106 = arith.addi %add3A_98, %add3A_105 : i32
      %dma_start3A_107 = arith.constant 0 : i32
      %dma_start3A_108 = tpu.memref_slice %arg6[%add3A_106, %dma_start3A_107] : memref<40x128xi32, #tpu.memory_space<vmem>> -> memref<1x128xi32, #tpu.memory_space<vmem>>
      %dma_start3A_109 = tpu.memref_squeeze %dma_start3A_108 : memref<1x128xi32, #tpu.memory_space<vmem>> -> memref<128xi32, #tpu.memory_space<vmem>>
      %dma_start3A_110 = arith.constant 0 : i32
      %dma_start3A_111 = arith.constant 0 : i32
      %dma_start3A_112 = tpu.memref_slice %arg2[%dma_start3A_110, %dma_start3A_111] : memref<10240x128xf32, #tpu.memory_space<hbm>> -> memref<10240x128xf32, #tpu.memory_space<hbm>>
      tpu.enqueue_indirect_dma source(%dma_start3A_112 : memref<10240x128xf32, #tpu.memory_space<hbm>>) target(%arg9 : memref<128x128xf32, #tpu.memory_space<vmem>>) offsets(%dma_start3A_109 : memref<128xi32, #tpu.memory_space<vmem>>) semaphore(%arg11 : memref<!tpu.dma_semaphore, #tpu.memory_space<semaphore_mem>>)
      %mul3A_113 = arith.constant 2 : i32
      %mul3A_114 = arith.muli %scan3A_93, %mul3A_113 : i32
      %add3A_115 = arith.constant 1 : i32
      %add3A_116 = arith.addi %mul3A_114, %add3A_115 : i32
      %dma_wait3A_117 = arith.constant 0 : i32
      %dma_wait3A_118 = tpu.memref_slice %arg6[%add3A_116, %dma_wait3A_117] : memref<40x128xi32, #tpu.memory_space<vmem>> -> memref<1x128xi32, #tpu.memory_space<vmem>>
      %dma_wait3A_119 = tpu.memref_squeeze %dma_wait3A_118 : memref<1x128xi32, #tpu.memory_space<vmem>> -> memref<128xi32, #tpu.memory_space<vmem>>
      %dma_wait3A_120 = arith.constant 0 : i32
      %dma_wait3A_121 = arith.constant 0 : i32
      %dma_wait3A_122 = tpu.memref_slice %arg2[%dma_wait3A_120, %dma_wait3A_121] : memref<10240x128xf32, #tpu.memory_space<hbm>> -> memref<10240x128xf32, #tpu.memory_space<hbm>>
      tpu.wait_indirect_dma semaphore(%arg12 : memref<!tpu.dma_semaphore, #tpu.memory_space<semaphore_mem>>) src(%dma_wait3A_122 : memref<10240x128xf32, #tpu.memory_space<hbm>>) dst(%arg10 : memref<128x128xf32, #tpu.memory_space<vmem>>)
      "tpu.region"() ({
        %run_scoped3A_132 = tpu.sem_alloc : memref<!tpu.dma_semaphore, #tpu.memory_space<semaphore_mem>>
        %dma_start3A_133 = arith.constant 0 : i32
        %dma_start3A_134 = tpu.memref_slice %arg7[%add3A_116, %dma_start3A_133] : memref<40x128xi32, #tpu.memory_space<vmem>> -> memref<1x128xi32, #tpu.memory_space<vmem>>
        %dma_start3A_135 = tpu.memref_squeeze %dma_start3A_134 : memref<1x128xi32, #tpu.memory_space<vmem>> -> memref<128xi32, #tpu.memory_space<vmem>>
        %dma_start3A_136 = arith.constant 0 : i32
        %dma_start3A_137 = arith.constant 0 : i32
        %dma_start3A_138 = tpu.memref_slice %arg8[%dma_start3A_136, %dma_start3A_137] : memref<10240x128xf32, #tpu.memory_space<vmem_shared>> -> memref<10240x128xf32, #tpu.memory_space<vmem_shared>>
        tpu.enqueue_indirect_dma source(%arg10 : memref<128x128xf32, #tpu.memory_space<vmem>>) target(%dma_start3A_138 : memref<10240x128xf32, #tpu.memory_space<vmem_shared>>) offsets(%dma_start3A_135 : memref<128xi32, #tpu.memory_space<vmem>>) semaphore(%run_scoped3A_132 : memref<!tpu.dma_semaphore, #tpu.memory_space<semaphore_mem>>) {add = true}
        %dma_wait3A_139 = arith.constant 0 : i32
        %dma_wait3A_140 = tpu.memref_slice %arg7[%add3A_116, %dma_wait3A_139] : memref<40x128xi32, #tpu.memory_space<vmem>> -> memref<1x128xi32, #tpu.memory_space<vmem>>
        %dma_wait3A_141 = tpu.memref_squeeze %dma_wait3A_140 : memref<1x128xi32, #tpu.memory_space<vmem>> -> memref<128xi32, #tpu.memory_space<vmem>>
        %dma_wait3A_142 = arith.constant 0 : i32
        %dma_wait3A_143 = arith.constant 0 : i32
        %dma_wait3A_144 = tpu.memref_slice %arg8[%dma_wait3A_142, %dma_wait3A_143] : memref<10240x128xf32, #tpu.memory_space<vmem_shared>> -> memref<10240x128xf32, #tpu.memory_space<vmem_shared>>
        tpu.wait_indirect_dma semaphore(%run_scoped3A_132 : memref<!tpu.dma_semaphore, #tpu.memory_space<semaphore_mem>>) src(%arg10 : memref<128x128xf32, #tpu.memory_space<vmem>>) dst(%dma_wait3A_144 : memref<10240x128xf32, #tpu.memory_space<vmem_shared>>)
        tpu.yield
      }) : () -> ()
      %add3A_123 = arith.constant 2 : i32
      %add3A_124 = arith.addi %add3A_116, %add3A_123 : i32
      %dma_start3A_125 = arith.constant 0 : i32
      %dma_start3A_126 = tpu.memref_slice %arg6[%add3A_124, %dma_start3A_125] : memref<40x128xi32, #tpu.memory_space<vmem>> -> memref<1x128xi32, #tpu.memory_space<vmem>>
      %dma_start3A_127 = tpu.memref_squeeze %dma_start3A_126 : memref<1x128xi32, #tpu.memory_space<vmem>> -> memref<128xi32, #tpu.memory_space<vmem>>
      %dma_start3A_128 = arith.constant 0 : i32
      %dma_start3A_129 = arith.constant 0 : i32
      %dma_start3A_130 = tpu.memref_slice %arg2[%dma_start3A_128, %dma_start3A_129] : memref<10240x128xf32, #tpu.memory_space<hbm>> -> memref<10240x128xf32, #tpu.memory_space<hbm>>
      tpu.enqueue_indirect_dma source(%dma_start3A_130 : memref<10240x128xf32, #tpu.memory_space<hbm>>) target(%arg10 : memref<128x128xf32, #tpu.memory_space<vmem>>) offsets(%dma_start3A_127 : memref<128xi32, #tpu.memory_space<vmem>>) semaphore(%arg12 : memref<!tpu.dma_semaphore, #tpu.memory_space<semaphore_mem>>)
      %scan3A_131 = arith.constant 0 : i32
      scf.yield %scan3A_131 : i32
    }
    %scan3A_68 = arith.constant 19 : i32
    %dma_wait3A_69 = arith.constant 38 : i32
    %dma_wait3A_70 = arith.constant 0 : i32
    %dma_wait3A_71 = tpu.memref_slice %arg6[%dma_wait3A_69, %dma_wait3A_70] : memref<40x128xi32, #tpu.memory_space<vmem>> -> memref<1x128xi32, #tpu.memory_space<vmem>>
    %dma_wait3A_72 = tpu.memref_squeeze %dma_wait3A_71 : memref<1x128xi32, #tpu.memory_space<vmem>> -> memref<128xi32, #tpu.memory_space<vmem>>
    %dma_wait3A_73 = arith.constant 0 : i32
    %dma_wait3A_74 = arith.constant 0 : i32
    %dma_wait3A_75 = tpu.memref_slice %arg2[%dma_wait3A_73, %dma_wait3A_74] : memref<10240x128xf32, #tpu.memory_space<hbm>> -> memref<10240x128xf32, #tpu.memory_space<hbm>>
    tpu.wait_indirect_dma semaphore(%arg11 : memref<!tpu.dma_semaphore, #tpu.memory_space<semaphore_mem>>) src(%dma_wait3A_75 : memref<10240x128xf32, #tpu.memory_space<hbm>>) dst(%arg9 : memref<128x128xf32, #tpu.memory_space<vmem>>)
    %run_scoped3A_76 = arith.constant 38 : i32
    "tpu.region"() ({
      %run_scoped3A_93 = tpu.sem_alloc : memref<!tpu.dma_semaphore, #tpu.memory_space<semaphore_mem>>
      %dma_start3A_94 = arith.constant 0 : i32
      %dma_start3A_95 = tpu.memref_slice %arg7[%run_scoped3A_76, %dma_start3A_94] : memref<40x128xi32, #tpu.memory_space<vmem>> -> memref<1x128xi32, #tpu.memory_space<vmem>>
      %dma_start3A_96 = tpu.memref_squeeze %dma_start3A_95 : memref<1x128xi32, #tpu.memory_space<vmem>> -> memref<128xi32, #tpu.memory_space<vmem>>
      %dma_start3A_97 = arith.constant 0 : i32
      %dma_start3A_98 = arith.constant 0 : i32
      %dma_start3A_99 = tpu.memref_slice %arg8[%dma_start3A_97, %dma_start3A_98] : memref<10240x128xf32, #tpu.memory_space<vmem_shared>> -> memref<10240x128xf32, #tpu.memory_space<vmem_shared>>
      tpu.enqueue_indirect_dma source(%arg9 : memref<128x128xf32, #tpu.memory_space<vmem>>) target(%dma_start3A_99 : memref<10240x128xf32, #tpu.memory_space<vmem_shared>>) offsets(%dma_start3A_96 : memref<128xi32, #tpu.memory_space<vmem>>) semaphore(%run_scoped3A_93 : memref<!tpu.dma_semaphore, #tpu.memory_space<semaphore_mem>>) {add = true}
      %dma_wait3A_100 = arith.constant 0 : i32
      %dma_wait3A_101 = tpu.memref_slice %arg7[%run_scoped3A_76, %dma_wait3A_100] : memref<40x128xi32, #tpu.memory_space<vmem>> -> memref<1x128xi32, #tpu.memory_space<vmem>>
      %dma_wait3A_102 = tpu.memref_squeeze %dma_wait3A_101 : memref<1x128xi32, #tpu.memory_space<vmem>> -> memref<128xi32, #tpu.memory_space<vmem>>
      %dma_wait3A_103 = arith.constant 0 : i32
      %dma_wait3A_104 = arith.constant 0 : i32
      %dma_wait3A_105 = tpu.memref_slice %arg8[%dma_wait3A_103, %dma_wait3A_104] : memref<10240x128xf32, #tpu.memory_space<vmem_shared>> -> memref<10240x128xf32, #tpu.memory_space<vmem_shared>>
      tpu.wait_indirect_dma semaphore(%run_scoped3A_93 : memref<!tpu.dma_semaphore, #tpu.memory_space<semaphore_mem>>) src(%arg9 : memref<128x128xf32, #tpu.memory_space<vmem>>) dst(%dma_wait3A_105 : memref<10240x128xf32, #tpu.memory_space<vmem_shared>>)
      tpu.yield
    }) : () -> ()
    %dma_wait3A_77 = arith.constant 39 : i32
    %dma_wait3A_78 = arith.constant 0 : i32
    %dma_wait3A_79 = tpu.memref_slice %arg6[%dma_wait3A_77, %dma_wait3A_78] : memref<40x128xi32, #tpu.memory_space<vmem>> -> memref<1x128xi32, #tpu.memory_space<vmem>>
    %dma_wait3A_80 = tpu.memref_squeeze %dma_wait3A_79 : memref<1x128xi32, #tpu.memory_space<vmem>> -> memref<128xi32, #tpu.memory_space<vmem>>
    %dma_wait3A_81 = arith.constant 0 : i32
    %dma_wait3A_82 = arith.constant 0 : i32
    %dma_wait3A_83 = tpu.memref_slice %arg2[%dma_wait3A_81, %dma_wait3A_82] : memref<10240x128xf32, #tpu.memory_space<hbm>> -> memref<10240x128xf32, #tpu.memory_space<hbm>>
    tpu.wait_indirect_dma semaphore(%arg12 : memref<!tpu.dma_semaphore, #tpu.memory_space<semaphore_mem>>) src(%dma_wait3A_83 : memref<10240x128xf32, #tpu.memory_space<hbm>>) dst(%arg10 : memref<128x128xf32, #tpu.memory_space<vmem>>)
    %run_scoped3A_84 = arith.constant 39 : i32
    "tpu.region"() ({
      %run_scoped3A_93 = tpu.sem_alloc : memref<!tpu.dma_semaphore, #tpu.memory_space<semaphore_mem>>
      %dma_start3A_94 = arith.constant 0 : i32
      %dma_start3A_95 = tpu.memref_slice %arg7[%run_scoped3A_84, %dma_start3A_94] : memref<40x128xi32, #tpu.memory_space<vmem>> -> memref<1x128xi32, #tpu.memory_space<vmem>>
      %dma_start3A_96 = tpu.memref_squeeze %dma_start3A_95 : memref<1x128xi32, #tpu.memory_space<vmem>> -> memref<128xi32, #tpu.memory_space<vmem>>
      %dma_start3A_97 = arith.constant 0 : i32
      %dma_start3A_98 = arith.constant 0 : i32
      %dma_start3A_99 = tpu.memref_slice %arg8[%dma_start3A_97, %dma_start3A_98] : memref<10240x128xf32, #tpu.memory_space<vmem_shared>> -> memref<10240x128xf32, #tpu.memory_space<vmem_shared>>
      tpu.enqueue_indirect_dma source(%arg10 : memref<128x128xf32, #tpu.memory_space<vmem>>) target(%dma_start3A_99 : memref<10240x128xf32, #tpu.memory_space<vmem_shared>>) offsets(%dma_start3A_96 : memref<128xi32, #tpu.memory_space<vmem>>) semaphore(%run_scoped3A_93 : memref<!tpu.dma_semaphore, #tpu.memory_space<semaphore_mem>>) {add = true}
      %dma_wait3A_100 = arith.constant 0 : i32
      %dma_wait3A_101 = tpu.memref_slice %arg7[%run_scoped3A_84, %dma_wait3A_100] : memref<40x128xi32, #tpu.memory_space<vmem>> -> memref<1x128xi32, #tpu.memory_space<vmem>>
      %dma_wait3A_102 = tpu.memref_squeeze %dma_wait3A_101 : memref<1x128xi32, #tpu.memory_space<vmem>> -> memref<128xi32, #tpu.memory_space<vmem>>
      %dma_wait3A_103 = arith.constant 0 : i32
      %dma_wait3A_104 = arith.constant 0 : i32
      %dma_wait3A_105 = tpu.memref_slice %arg8[%dma_wait3A_103, %dma_wait3A_104] : memref<10240x128xf32, #tpu.memory_space<vmem_shared>> -> memref<10240x128xf32, #tpu.memory_space<vmem_shared>>
      tpu.wait_indirect_dma semaphore(%run_scoped3A_93 : memref<!tpu.dma_semaphore, #tpu.memory_space<semaphore_mem>>) src(%arg10 : memref<128x128xf32, #tpu.memory_space<vmem>>) dst(%dma_wait3A_105 : memref<10240x128xf32, #tpu.memory_space<vmem_shared>>)
      tpu.yield
    }) : () -> ()
    %barrier3A_85 = arith.constant 0 : index
    tpu.barrier barrier_id(%barrier3A_85)
    %scan3A_86 = arith.constant 0 : i32
    %scan3A_87 = arith.constant 0 : i32
    %scan3A_88 = arith.constant 5 : i32
    %scan3A_89 = arith.addi %scan3A_87, %scan3A_88 : i32
    %scan3A_90 = arith.constant 1 : i32
    %scan3A_91 = scf.for %scan3A_93 = %scan3A_87 to %scan3A_89 step %scan3A_90 iter_args(%scan3A_94 = %scan3A_86) -> (i32)  : i32 {
      %mul3A_95 = arith.constant 640 : i32
      %mul3A_96 = arith.muli %arg1, %mul3A_95 : i32
      %mul3A_97 = arith.constant 128 : i32
      %mul3A_98 = arith.muli %scan3A_93, %mul3A_97 : i32
      %add3A_99 = arith.addi %mul3A_96, %mul3A_98 : i32
      %mul3A_100 = arith.constant 640 : i32
      %mul3A_101 = arith.muli %arg1, %mul3A_100 : i32
      %mul3A_102 = arith.constant 128 : i32
      %mul3A_103 = arith.muli %scan3A_93, %mul3A_102 : i32
      %add3A_104 = arith.addi %mul3A_101, %mul3A_103 : i32
      "tpu.region"() ({
        %run_scoped3A_106 = tpu.sem_alloc : memref<!tpu.dma_semaphore, #tpu.memory_space<semaphore_mem>>
        %dma_start3A_107 = arith.constant 0 : i32
        %dma_start3A_108 = tpu.memref_slice %arg5[%arg0, %add3A_104, %dma_start3A_107] : memref<2x10240x128xf32, #tpu.memory_space<hbm>> -> memref<1x128x128xf32, #tpu.memory_space<hbm>>
        %dma_start3A_109 = tpu.memref_squeeze %dma_start3A_108 : memref<1x128x128xf32, #tpu.memory_space<hbm>> -> memref<128x128xf32, #tpu.memory_space<hbm>>
        %dma_start3A_110 = arith.constant 0 : i32
        %dma_start3A_111 = tpu.memref_slice %arg8[%add3A_99, %dma_start3A_110] : memref<10240x128xf32, #tpu.memory_space<vmem_shared>> -> memref<128x128xf32, #tpu.memory_space<vmem_shared>>
        tpu.enqueue_dma source(%dma_start3A_111 : memref<128x128xf32, #tpu.memory_space<vmem_shared>>) target(%dma_start3A_109 : memref<128x128xf32, #tpu.memory_space<hbm>>) target_semaphore(%run_scoped3A_106 : memref<!tpu.dma_semaphore, #tpu.memory_space<semaphore_mem>>)
        %dma_wait3A_112 = arith.constant 0 : i32
        %dma_wait3A_113 = tpu.memref_slice %arg5[%arg0, %add3A_104, %dma_wait3A_112] : memref<2x10240x128xf32, #tpu.memory_space<hbm>> -> memref<1x128x128xf32, #tpu.memory_space<hbm>>
        %dma_wait3A_114 = tpu.memref_squeeze %dma_wait3A_113 : memref<1x128x128xf32, #tpu.memory_space<hbm>> -> memref<128x128xf32, #tpu.memory_space<hbm>>
        %dma_wait3A_115 = arith.constant 0 : i32
        %dma_wait3A_116 = tpu.memref_slice %arg8[%add3A_99, %dma_wait3A_115] : memref<10240x128xf32, #tpu.memory_space<vmem_shared>> -> memref<128x128xf32, #tpu.memory_space<vmem_shared>>
        tpu.wait_dma2 semaphore(%run_scoped3A_106 : memref<!tpu.dma_semaphore, #tpu.memory_space<semaphore_mem>>) src(%dma_wait3A_116 : memref<128x128xf32, #tpu.memory_space<vmem_shared>>) dst(%dma_wait3A_114 : memref<128x128xf32, #tpu.memory_space<hbm>>)
        tpu.yield
      }) : () -> ()
      %scan3A_105 = arith.constant 0 : i32
      scf.yield %scan3A_105 : i32
    }
    %scan3A_92 = arith.constant 5 : i32
    return
  }
}

module attributes {stable_mosaic.version = 14 : i64} {
  func.func @_k1_body(%arg0: i32, %arg1: memref<2x1024x128xf32, #tpu.memory_space<vmem>>, %arg2: memref<1024x128xf32, #tpu.memory_space<vmem>>, %arg3: memref<128x128xf32, #tpu.memory_space<vmem>>, %arg4: memref<1024x128xf32, #tpu.memory_space<vmem>>, %arg5: memref<1024x1xf32, #tpu.memory_space<vmem>>) attributes {dimension_semantics = [#tpu.dimension_semantics<arbitrary>], iteration_bounds = array<i64: 10>, scalar_prefetch = 0 : i64, scratch_operands = 0 : i64, tpu.core_type = #tpu.core_type<tc>, window_params = [{transform_indices = @transform_0, window_bounds = array<i64: 2, 1024, 128>}, {transform_indices = @transform_1, window_bounds = array<i64: 1024, 128>}, {pipeline_mode = #tpu.pipeline_mode<synchronous>, transform_indices = @transform_2, window_bounds = array<i64: 128, 128>}, {transform_indices = @transform_3, window_bounds = array<i64: 1024, 128>}, {transform_indices = @transform_4, window_bounds = array<i64: 1024, 1>}]} {
    %get3A = arith.constant 0 : index
    %get3A_0 = arith.constant 0 : index
    %get3A_1 = arith.constant 0 : index
    %get3A_2 = vector.load %arg1[%get3A, %get3A_0, %get3A_1] : memref<2x1024x128xf32, #tpu.memory_space<vmem>>, vector<1x1024x1xf32>
    %get3A_3 = vector.shape_cast %get3A_2 : vector<1x1024x1xf32> to vector<1024x1xf32>
    %get3A_4 = arith.constant 1 : index
    %get3A_5 = arith.constant 0 : index
    %get3A_6 = arith.constant 0 : index
    %get3A_7 = vector.load %arg1[%get3A_4, %get3A_5, %get3A_6] : memref<2x1024x128xf32, #tpu.memory_space<vmem>>, vector<1x1024x1xf32>
    %get3A_8 = vector.shape_cast %get3A_7 : vector<1x1024x1xf32> to vector<1024x1xf32>
    %add3A = arith.addf %get3A_3, %get3A_8 : vector<1024x1xf32>
    %add3A_9 = arith.constant 1.000000e+00 : f32
    %add3A_10 = vector.broadcast %add3A_9 : f32 to vector<1024x1xf32>
    %add3A_11 = arith.addf %add3A, %add3A_10 : vector<1024x1xf32>
    %iota3A = tpu.iota {dimensions = array<i32: 0>} : vector<1024x1xi32>
    %mul3A = arith.constant 1024 : i32
    %mul3A_12 = arith.muli %arg0, %mul3A : i32
    %add3A_13 = vector.broadcast %mul3A_12 : i32 to vector<1024x1xi32>
    %add3A_14 = arith.addi %iota3A, %add3A_13 : vector<1024x1xi32>
    %lt3A = arith.constant 10000 : i32
    %lt3A_15 = vector.broadcast %lt3A : i32 to vector<1024x1xi32>
    %lt3A_16 = arith.cmpi slt, %add3A_14, %lt3A_15 : vector<1024x1xi32>
    %rsqrt3A = math.rsqrt %add3A_11 : vector<1024x1xf32>
    %jit3A = arith.constant 0.000000e+00 : f32
    %broadcast_in_dim3A = vector.broadcast %jit3A : f32 to vector<1024x1xf32>
    %select_n3A = arith.select %lt3A_16, %rsqrt3A, %broadcast_in_dim3A : vector<1024x1xi1>, vector<1024x1xf32>
    %get3A_17 = arith.constant 0 : index
    %get3A_18 = arith.constant 0 : index
    %get3A_19 = vector.load %arg2[%get3A_17, %get3A_18] : memref<1024x128xf32, #tpu.memory_space<vmem>>, vector<1024x128xf32>
    %get3A_20 = arith.constant 0 : index
    %get3A_21 = arith.constant 0 : index
    %get3A_22 = vector.load %arg3[%get3A_20, %get3A_21] : memref<128x128xf32, #tpu.memory_space<vmem>>, vector<128x128xf32>
    %dot_general3A = arith.constant dense<0.000000e+00> : vector<1024x128xf32>
    %dot_general3A_23 = tpu.matmul %get3A_19, %get3A_22, %dot_general3A {dimension_numbers = #tpu.dot_dimension_numbers<[1], [0], [0], [1], [0, 0, 1, 1], [], []>, precision = #tpu.contract_precision<fp32>, transpose_lhs_hint = false} : vector<1024x128xf32>, vector<128x128xf32>, vector<1024x128xf32> -> vector<1024x128xf32>
    %mul3A_24 = vector.broadcast %select_n3A : vector<1024x1xf32> to vector<1024x128xf32>
    %mul3A_25 = arith.mulf %dot_general3A_23, %mul3A_24 : vector<1024x128xf32>
    %swap3A = arith.constant 0 : index
    %swap3A_26 = arith.constant 0 : index
    %swap3A_27 = vector.load %arg4[%swap3A, %swap3A_26] : memref<1024x128xf32, #tpu.memory_space<vmem>>, vector<1024x128xf32>
    tpu.vector_store %arg4[%swap3A, %swap3A_26], %mul3A_25 {strides = array<i32>} : memref<1024x128xf32, #tpu.memory_space<vmem>>, vector<1024x128xf32>,
    %swap3A_28 = arith.constant 0 : index
    %swap3A_29 = arith.constant 0 : index
    %swap3A_30 = vector.load %arg5[%swap3A_28, %swap3A_29] : memref<1024x1xf32, #tpu.memory_space<vmem>>, vector<1024x1xf32>
    tpu.vector_store %arg5[%swap3A_28, %swap3A_29], %select_n3A {strides = array<i32>} : memref<1024x1xf32, #tpu.memory_space<vmem>>, vector<1024x1xf32>,
    return
  }
  func.func @transform_0(%arg0: i32) -> (i32, i32, i32) {
    %c0_i32 = arith.constant 0 : i32
    %c0_i32_0 = arith.constant 0 : i32
    %c0_i32_1 = arith.constant 0 : i32
    return %c0_i32, %arg0, %c0_i32_0 : i32, i32, i32
  }
  func.func @transform_1(%arg0: i32) -> (i32, i32) {
    %c0_i32 = arith.constant 0 : i32
    %c0_i32_0 = arith.constant 0 : i32
    return %arg0, %c0_i32 : i32, i32
  }
  func.func @transform_2(%arg0: i32) -> (i32, i32) {
    %c0_i32 = arith.constant 0 : i32
    %c0_i32_0 = arith.constant 0 : i32
    %c0_i32_1 = arith.constant 0 : i32
    return %c0_i32, %c0_i32_0 : i32, i32
  }
  func.func @transform_3(%arg0: i32) -> (i32, i32) {
    %c0_i32 = arith.constant 0 : i32
    %c0_i32_0 = arith.constant 0 : i32
    return %arg0, %c0_i32 : i32, i32
  }
  func.func @transform_4(%arg0: i32) -> (i32, i32) {
    %c0_i32 = arith.constant 0 : i32
    %c0_i32_0 = arith.constant 0 : i32
    return %arg0, %c0_i32 : i32, i32
  }
}

module attributes {stable_mosaic.version = 14 : i64} {
  func.func @_k2_body(%arg0: i32, %arg1: memref<2x1024x128xf32, #tpu.memory_space<vmem>>, %arg2: memref<1024x128xf32, #tpu.memory_space<vmem>>, %arg3: memref<1024x1xf32, #tpu.memory_space<vmem>>, %arg4: memref<1x128xf32, #tpu.memory_space<vmem>>, %arg5: memref<128x128xf32, #tpu.memory_space<vmem>>, %arg6: memref<1024x128xf32, #tpu.memory_space<vmem>>) attributes {dimension_semantics = [#tpu.dimension_semantics<arbitrary>], iteration_bounds = array<i64: 10>, scalar_prefetch = 0 : i64, scratch_operands = 0 : i64, tpu.core_type = #tpu.core_type<tc>, window_params = [{transform_indices = @transform_0, window_bounds = array<i64: 2, 1024, 128>}, {transform_indices = @transform_1, window_bounds = array<i64: 1024, 128>}, {transform_indices = @transform_2, window_bounds = array<i64: 1024, 1>}, {pipeline_mode = #tpu.pipeline_mode<synchronous>, transform_indices = @transform_3, window_bounds = array<i64: 1, 128>}, {pipeline_mode = #tpu.pipeline_mode<synchronous>, transform_indices = @transform_4, window_bounds = array<i64: 128, 128>}, {transform_indices = @transform_5, window_bounds = array<i64: 1024, 128>}]} {
    %get3A = arith.constant 0 : index
    %get3A_0 = arith.constant 0 : index
    %get3A_1 = arith.constant 0 : index
    %get3A_2 = vector.load %arg1[%get3A, %get3A_0, %get3A_1] : memref<2x1024x128xf32, #tpu.memory_space<vmem>>, vector<1x1024x128xf32>
    %get3A_3 = vector.shape_cast %get3A_2 : vector<1x1024x128xf32> to vector<1024x128xf32>
    %get3A_4 = arith.constant 1 : index
    %get3A_5 = arith.constant 0 : index
    %get3A_6 = arith.constant 0 : index
    %get3A_7 = vector.load %arg1[%get3A_4, %get3A_5, %get3A_6] : memref<2x1024x128xf32, #tpu.memory_space<vmem>>, vector<1x1024x128xf32>
    %get3A_8 = vector.shape_cast %get3A_7 : vector<1x1024x128xf32> to vector<1024x128xf32>
    %add3A = arith.addf %get3A_3, %get3A_8 : vector<1024x128xf32>
    %get3A_9 = arith.constant 0 : index
    %get3A_10 = arith.constant 0 : index
    %get3A_11 = vector.load %arg2[%get3A_9, %get3A_10] : memref<1024x128xf32, #tpu.memory_space<vmem>>, vector<1024x128xf32>
    %add3A_12 = arith.addf %add3A, %get3A_11 : vector<1024x128xf32>
    %get3A_13 = arith.constant 0 : index
    %get3A_14 = arith.constant 0 : index
    %get3A_15 = vector.load %arg3[%get3A_13, %get3A_14] : memref<1024x1xf32, #tpu.memory_space<vmem>>, vector<1024x1xf32>
    %mul3A = vector.broadcast %get3A_15 : vector<1024x1xf32> to vector<1024x128xf32>
    %mul3A_16 = arith.mulf %add3A_12, %mul3A : vector<1024x128xf32>
    %get3A_17 = arith.constant 0 : index
    %get3A_18 = arith.constant 0 : index
    %get3A_19 = vector.load %arg4[%get3A_17, %get3A_18] : memref<1x128xf32, #tpu.memory_space<vmem>>, vector<1x128xf32>
    %add3A_20 = vector.broadcast %get3A_19 : vector<1x128xf32> to vector<1024x128xf32>
    %add3A_21 = arith.addf %mul3A_16, %add3A_20 : vector<1024x128xf32>
    %max3A = arith.constant 0.000000e+00 : f32
    %max3A_22 = vector.broadcast %max3A : f32 to vector<1024x128xf32>
    %max3A_23 = arith.maximumf %add3A_21, %max3A_22 : vector<1024x128xf32>
    %get3A_24 = arith.constant 0 : index
    %get3A_25 = arith.constant 0 : index
    %get3A_26 = vector.load %arg5[%get3A_24, %get3A_25] : memref<128x128xf32, #tpu.memory_space<vmem>>, vector<128x128xf32>
    %dot_general3A = arith.constant dense<0.000000e+00> : vector<1024x128xf32>
    %dot_general3A_27 = tpu.matmul %max3A_23, %get3A_26, %dot_general3A {dimension_numbers = #tpu.dot_dimension_numbers<[1], [0], [0], [1], [0, 0, 1, 1], [], []>, precision = #tpu.contract_precision<fp32>, transpose_lhs_hint = false} : vector<1024x128xf32>, vector<128x128xf32>, vector<1024x128xf32> -> vector<1024x128xf32>
    %get3A_28 = arith.constant 0 : index
    %get3A_29 = arith.constant 0 : index
    %get3A_30 = vector.load %arg3[%get3A_28, %get3A_29] : memref<1024x1xf32, #tpu.memory_space<vmem>>, vector<1024x1xf32>
    %mul3A_31 = vector.broadcast %get3A_30 : vector<1024x1xf32> to vector<1024x128xf32>
    %mul3A_32 = arith.mulf %dot_general3A_27, %mul3A_31 : vector<1024x128xf32>
    %swap3A = arith.constant 0 : index
    %swap3A_33 = arith.constant 0 : index
    %swap3A_34 = vector.load %arg6[%swap3A, %swap3A_33] : memref<1024x128xf32, #tpu.memory_space<vmem>>, vector<1024x128xf32>
    tpu.vector_store %arg6[%swap3A, %swap3A_33], %mul3A_32 {strides = array<i32>} : memref<1024x128xf32, #tpu.memory_space<vmem>>, vector<1024x128xf32>,
    return
  }
  func.func @transform_0(%arg0: i32) -> (i32, i32, i32) {
    %c0_i32 = arith.constant 0 : i32
    %c0_i32_0 = arith.constant 0 : i32
    %c0_i32_1 = arith.constant 0 : i32
    return %c0_i32, %arg0, %c0_i32_0 : i32, i32, i32
  }
  func.func @transform_1(%arg0: i32) -> (i32, i32) {
    %c0_i32 = arith.constant 0 : i32
    %c0_i32_0 = arith.constant 0 : i32
    return %arg0, %c0_i32 : i32, i32
  }
  func.func @transform_2(%arg0: i32) -> (i32, i32) {
    %c0_i32 = arith.constant 0 : i32
    %c0_i32_0 = arith.constant 0 : i32
    return %arg0, %c0_i32 : i32, i32
  }
  func.func @transform_3(%arg0: i32) -> (i32, i32) {
    %c0_i32 = arith.constant 0 : i32
    %c0_i32_0 = arith.constant 0 : i32
    %c0_i32_1 = arith.constant 0 : i32
    return %c0_i32, %c0_i32_0 : i32, i32
  }
  func.func @transform_4(%arg0: i32) -> (i32, i32) {
    %c0_i32 = arith.constant 0 : i32
    %c0_i32_0 = arith.constant 0 : i32
    %c0_i32_1 = arith.constant 0 : i32
    return %c0_i32, %c0_i32_0 : i32, i32
  }
  func.func @transform_5(%arg0: i32) -> (i32, i32) {
    %c0_i32 = arith.constant 0 : i32
    %c0_i32_0 = arith.constant 0 : i32
    return %arg0, %c0_i32 : i32, i32
  }
}

module attributes {stable_mosaic.version = 14 : i64} {
  func.func @_k3_body(%arg0: i32, %arg1: memref<2x1024x128xf32, #tpu.memory_space<vmem>>, %arg2: memref<1024x128xf32, #tpu.memory_space<vmem>>, %arg3: memref<1024x1xf32, #tpu.memory_space<vmem>>, %arg4: memref<1x128xf32, #tpu.memory_space<vmem>>, %arg5: memref<1024x128xf32, #tpu.memory_space<vmem>>) attributes {dimension_semantics = [#tpu.dimension_semantics<arbitrary>], iteration_bounds = array<i64: 10>, scalar_prefetch = 0 : i64, scratch_operands = 0 : i64, tpu.core_type = #tpu.core_type<tc>, window_params = [{transform_indices = @transform_0, window_bounds = array<i64: 2, 1024, 128>}, {transform_indices = @transform_1, window_bounds = array<i64: 1024, 128>}, {transform_indices = @transform_2, window_bounds = array<i64: 1024, 1>}, {pipeline_mode = #tpu.pipeline_mode<synchronous>, transform_indices = @transform_3, window_bounds = array<i64: 1, 128>}, {transform_indices = @transform_4, window_bounds = array<i64: 1024, 128>}]} {
    %get3A = arith.constant 0 : index
    %get3A_0 = arith.constant 0 : index
    %get3A_1 = arith.constant 0 : index
    %get3A_2 = vector.load %arg1[%get3A, %get3A_0, %get3A_1] : memref<2x1024x128xf32, #tpu.memory_space<vmem>>, vector<1x1024x128xf32>
    %get3A_3 = vector.shape_cast %get3A_2 : vector<1x1024x128xf32> to vector<1024x128xf32>
    %get3A_4 = arith.constant 1 : index
    %get3A_5 = arith.constant 0 : index
    %get3A_6 = arith.constant 0 : index
    %get3A_7 = vector.load %arg1[%get3A_4, %get3A_5, %get3A_6] : memref<2x1024x128xf32, #tpu.memory_space<vmem>>, vector<1x1024x128xf32>
    %get3A_8 = vector.shape_cast %get3A_7 : vector<1x1024x128xf32> to vector<1024x128xf32>
    %add3A = arith.addf %get3A_3, %get3A_8 : vector<1024x128xf32>
    %get3A_9 = arith.constant 0 : index
    %get3A_10 = arith.constant 0 : index
    %get3A_11 = vector.load %arg2[%get3A_9, %get3A_10] : memref<1024x128xf32, #tpu.memory_space<vmem>>, vector<1024x128xf32>
    %add3A_12 = arith.addf %add3A, %get3A_11 : vector<1024x128xf32>
    %get3A_13 = arith.constant 0 : index
    %get3A_14 = arith.constant 0 : index
    %get3A_15 = vector.load %arg3[%get3A_13, %get3A_14] : memref<1024x1xf32, #tpu.memory_space<vmem>>, vector<1024x1xf32>
    %mul3A = vector.broadcast %get3A_15 : vector<1024x1xf32> to vector<1024x128xf32>
    %mul3A_16 = arith.mulf %add3A_12, %mul3A : vector<1024x128xf32>
    %get3A_17 = arith.constant 0 : index
    %get3A_18 = arith.constant 0 : index
    %get3A_19 = vector.load %arg4[%get3A_17, %get3A_18] : memref<1x128xf32, #tpu.memory_space<vmem>>, vector<1x128xf32>
    %add3A_20 = vector.broadcast %get3A_19 : vector<1x128xf32> to vector<1024x128xf32>
    %add3A_21 = arith.addf %mul3A_16, %add3A_20 : vector<1024x128xf32>
    %reduce_max3A = arith.constant dense<0xFF800000> : vector<1024xf32>
    %reduce_max3A_22 = vector.multi_reduction <maximumf>, %add3A_21, %reduce_max3A [1] : vector<1024x128xf32> to vector<1024xf32>
    %broadcast_in_dim3A = vector.shape_cast %reduce_max3A_22 : vector<1024xf32> to vector<1024x1xf32>
    %sub3A = vector.broadcast %broadcast_in_dim3A : vector<1024x1xf32> to vector<1024x128xf32>
    %sub3A_23 = arith.subf %add3A_21, %sub3A : vector<1024x128xf32>
    %exp3A = math.exp %sub3A_23 : vector<1024x128xf32>
    %reduce_sum3A = arith.constant dense<0.000000e+00> : vector<1024xf32>
    %reduce_sum3A_24 = vector.multi_reduction <add>, %exp3A, %reduce_sum3A [1] : vector<1024x128xf32> to vector<1024xf32>
    %broadcast_in_dim3A_25 = vector.shape_cast %reduce_sum3A_24 : vector<1024xf32> to vector<1024x1xf32>
    %log3A = math.log %broadcast_in_dim3A_25 : vector<1024x1xf32>
    %sub3A_26 = vector.broadcast %broadcast_in_dim3A : vector<1024x1xf32> to vector<1024x128xf32>
    %sub3A_27 = arith.subf %add3A_21, %sub3A_26 : vector<1024x128xf32>
    %sub3A_28 = vector.broadcast %log3A : vector<1024x1xf32> to vector<1024x128xf32>
    %sub3A_29 = arith.subf %sub3A_27, %sub3A_28 : vector<1024x128xf32>
    %swap3A = arith.constant 0 : index
    %swap3A_30 = arith.constant 0 : index
    %swap3A_31 = vector.load %arg5[%swap3A, %swap3A_30] : memref<1024x128xf32, #tpu.memory_space<vmem>>, vector<1024x128xf32>
    tpu.vector_store %arg5[%swap3A, %swap3A_30], %sub3A_29 {strides = array<i32>} : memref<1024x128xf32, #tpu.memory_space<vmem>>, vector<1024x128xf32>,
    return
  }
  func.func @transform_0(%arg0: i32) -> (i32, i32, i32) {
    %c0_i32 = arith.constant 0 : i32
    %c0_i32_0 = arith.constant 0 : i32
    %c0_i32_1 = arith.constant 0 : i32
    return %c0_i32, %arg0, %c0_i32_0 : i32, i32, i32
  }
  func.func @transform_1(%arg0: i32) -> (i32, i32) {
    %c0_i32 = arith.constant 0 : i32
    %c0_i32_0 = arith.constant 0 : i32
    return %arg0, %c0_i32 : i32, i32
  }
  func.func @transform_2(%arg0: i32) -> (i32, i32) {
    %c0_i32 = arith.constant 0 : i32
    %c0_i32_0 = arith.constant 0 : i32
    return %arg0, %c0_i32 : i32, i32
  }
  func.func @transform_3(%arg0: i32) -> (i32, i32) {
    %c0_i32 = arith.constant 0 : i32
    %c0_i32_0 = arith.constant 0 : i32
    %c0_i32_1 = arith.constant 0 : i32
    return %c0_i32, %c0_i32_0 : i32, i32
  }
  func.func @transform_4(%arg0: i32) -> (i32, i32) {
    %c0_i32 = arith.constant 0 : i32
    %c0_i32_0 = arith.constant 0 : i32
    return %arg0, %c0_i32 : i32, i32
  }
}

</mosaic_0001>

<sc_bundles>
// kernel: kernel.11.cloned.1.call-start
scs
__scs_entry_jumppad:
0x0: {  	(pc) =	sbr.rel $0x88, $3  }
0x1: {  	(tag) =	ssettag $0x0;
	lr =	simm.s32 $0x1  }
0x2: {  	[smem:$0x3F9B] =	sst lr;
	_ =	strace $0xD0000000  }
0x3: {  	_ = 	snop  }
0x4: {  	_ = 	snop  }
0x5: {  	_ = 	snop  }
0x6: {  	_ = 	snop  }
0x7: {  	_ = 	snop  }
__scs_overlays_trampoline_lowered:
0x8: {  	[smem:$0x3FAA] =	sst s0  }
0x9: {  	[smem:$0x3FAB] =	sst s1  }
0xa: {  	[smem:$0x3FAC] =	sst s2  }
0xb: {  	[smem:$0x3FAD] =	sst s3  }
0xc: {  	[smem:$0x3FAE] =	sst s4  }
0xd: {  	[smem:$0x3FAF] =	sst s5  }
0xe: {  	[smem:$0x3FB0] =	sst s6  }
0xf: {  	[smem:$0x3FB1] =	sst s7  }
0x10: {  	[smem:$0x3FB2] =	sst s8  }
0x11: {  	[smem:$0x3FB3] =	sst s9;
	s0 =	simm.s32 @!p0 $0x0  }
0x12: {  	s1 =	sld [smem:$0x3F99];
	s0 =	simm.s32 @p0 $0x1  }
0x13: {  	[smem:$0x3FB4] =	sst s0;
	s0 =	simm.s32 @!p1 $0x0  }
0x14: {  	s2 =	sld [smem:$0x3F98];
	s0 =	simm.s32 @p1 $0x1  }
0x15: {  	[smem:$0x3FB5] =	sst s0;
	s0 =	simm.s32 @!p2 $0x0  }
0x16: {  	s3 =	sld [smem:$0x3FDB];
	s0 =	simm.s32 @p2 $0x1  }
0x17: {  	s4 =	simm.s32 $0x1BF5;
	[smem:$0x3FB7] =	sst s0  }
0x18: {  	s0 =	sld [smem:$0x3F9A];
	_ =	swait.ge [sflag:s4], $0x0  }
0x19: {  	s7 =	sld [smem:$0x3F9B]  }
0x1a: {  	s8 =	sadd.s32 $0xFFFFE003, lr  }
0x1b: {  	s9 =	sadd.s32 $0xFFFFFEF7, lr;
	s5 =	simm.s32 $0xFFFFFFFF;
	p2 =	slt.u32 s8, $0xFFFFF086  }
0x1c: {  	p1 =	slt.u32 s9, $0xF7A;
	s5 =	simm.s32 @!p2 $0x0  }
0x1d: {  	s5 =	simm.s32 @p1 $0x1;
	p0 =	seq.s32 s7, s2  }
0x1e: {  	s7 =	smul.u32 @!p0 $0xF7A, s2;
	p2 =	seq.s32 @!p0 s5, $0x0  }
0x1f: {  	s9 =	smul.u32 $0xF7A, s1;
	s8 =	simm.s32 @!p0 $0x1BF5;
	p2 =	por !p2, p0  }
0x20: {  	[sflag:s8] =	ssyncset.s32 @!p0 $0xFFFFF086;
	s6 =	sadd.s32 @!p0 s3, s7;
	s7 =	simm.s32 @!p0 $0x108  }
0x21: {  	s3 =	sadd.s32 s3, s9;
	s6 =	sadd.s32 @!p0 $0x88, s6;
	s7 =	simm.s32 @p2 $0x1082  }
0x22: {  	[simem:s7], [sflag:s8] =	dma.local @!p0 [hbm:s6], $0xF7A  }
0x23: {  	s9 =	sor.u32 $0xD0000000, s2;
	s6 =	simm.s32 $0x108;
	_ =	swait.ge @!p0 [sflag:s8], $0x0  }
0x24: {  	s3 =	sadd.s32 $0x88, s3;
	s6 =	simm.s32 @!p1 $0x1082;
	[sflag:s4] =	ssyncset.s32 $0xFFFFF086  }
0x25: {  	[simem:s6], [sflag:s4] =	dma.local [hbm:s3], $0xF7A  }
0x26: {  	[smem:$0x3F9B] =	sst s1;
	(tag) =	ssettag s2;
	_ =	strace s9  }
0x27: {  	s1 =	sld [smem:$0x3FAB]  }
0x28: {  	s2 =	sld [smem:$0x3FAC]  }
0x29: {  	s4 =	sld [smem:$0x3FAE]  }
0x2a: {  	p0 =	seq.s32 s5, $0x0;
	s5 =	sld [smem:$0x3FAF]  }
0x2b: {  	s6 =	sld [smem:$0x3FB0]  }
0x2c: {  	s7 =	sld [smem:$0x3FB1]  }
0x2d: {  	s3 =	simm.s32 $0x108;
	s8 =	sld [smem:$0x3FB2]  }
0x2e: {  	s3 =	simm.s32 @!p0 $0x1082;
	s9 =	sld [smem:$0x3FB3]  }
0x2f: {  	lr =	sadd.s32 s0, s3;
	s0 =	sld [smem:$0x3FAA]  }
0x30: {  	s3 =	sld [smem:$0x3FAD]  }
0x31: {  	[smem:$0x3FB6] =	sst s10  }
0x32: {  	s10 =	sld [smem:$0x3FB4];
	_ =	sdelay $0x3  }
0x33: {  	p0 =	seq.s32 s10, $0x1;
	s10 =	sld [smem:$0x3FB6];
	_ =	sdelay $0x3  }
0x34: {  	[smem:$0x3FB6] =	sst s10  }
0x35: {  	s10 =	sld [smem:$0x3FB5];
	_ =	sdelay $0x3  }
0x36: {  	p1 =	seq.s32 s10, $0x1;
	s10 =	sld [smem:$0x3FB6];
	_ =	sdelay $0x3  }
0x37: {  	[smem:$0x3FB6] =	sst s10  }
0x38: {  	s10 =	sld [smem:$0x3FB7]  }
0x39: {  	_ = 	snop;
	(pc) =	sbr.ind lr, $3  }
0x3a: {  	_ = 	snop  }
0x3b: {  	_ = 	snop  }
0x3c: {  	p2 =	seq.s32 s10, $0x1;
	s10 =	sld [smem:$0x3FB6]  }
0x3d: {  	_ =	shalt  }
0x3e: {  	_ =	shalt  }
0x3f: {  	_ =	shalt  }
0x40: {  	_ =	shalt  }
0x41: {  	_ =	shalt  }
0x42: {  	_ =	shalt  }
0x43: {  	_ =	shalt  }
0x44: {  	_ =	shalt  }
0x45: {  	_ =	shalt  }
0x46: {  	_ =	shalt  }
0x47: {  	_ =	shalt  }
0x48: {  	_ =	shalt  }
0x49: {  	_ =	shalt  }
0x4a: {  	_ =	shalt  }
0x4b: {  	_ =	shalt  }
0x4c: {  	_ =	shalt  }
0x4d: {  	_ =	shalt  }
0x4e: {  	_ =	shalt  }
0x4f: {  	_ =	shalt  }
0x50: {  	_ =	shalt  }
0x51: {  	_ =	shalt  }
0x52: {  	_ =	shalt  }
0x53: {  	_ =	shalt  }
0x54: {  	_ =	shalt  }
0x55: {  	_ =	shalt  }
0x56: {  	_ =	shalt  }
0x57: {  	_ =	shalt  }
0x58: {  	_ =	shalt  }
0x59: {  	_ =	shalt  }
0x5a: {  	_ =	shalt  }
0x5b: {  	_ =	shalt  }
0x5c: {  	_ =	shalt  }
0x5d: {  	_ =	shalt  }
0x5e: {  	_ =	shalt  }
0x5f: {  	_ =	shalt  }
0x60: {  	_ =	shalt  }
0x61: {  	_ =	shalt  }
0x62: {  	_ =	shalt  }
0x63: {  	_ =	shalt  }
0x64: {  	_ =	shalt  }
0x65: {  	_ =	shalt  }
0x66: {  	_ =	shalt  }
0x67: {  	_ =	shalt  }
0x68: {  	_ =	shalt  }
0x69: {  	_ =	shalt  }
0x6a: {  	_ =	shalt  }
0x6b: {  	_ =	shalt  }
0x6c: {  	_ =	shalt  }
0x6d: {  	_ =	shalt  }
0x6e: {  	_ =	shalt  }
0x6f: {  	_ =	shalt  }
0x70: {  	_ =	shalt  }
0x71: {  	_ =	shalt  }
0x72: {  	_ =	shalt  }
0x73: {  	_ =	shalt  }
0x74: {  	_ =	shalt  }
0x75: {  	_ =	shalt  }
0x76: {  	_ =	shalt  }
0x77: {  	_ =	shalt  }
0x78: {  	_ =	shalt  }
0x79: {  	_ =	shalt  }
0x7a: {  	_ =	shalt  }
0x7b: {  	_ =	shalt  }
0x7c: {  	_ =	shalt  }
0x7d: {  	_ =	shalt  }
0x7e: {  	_ =	shalt  }
0x7f: {  	_ =	shalt  }
0x80: {  	_ =	shalt  }
0x81: {  	_ =	shalt  }
0x82: {  	_ =	shalt  }
0x83: {  	_ =	shalt  }
0x84: {  	_ =	shalt  }
0x85: {  	_ =	shalt  }
0x86: {  	_ =	shalt  }
0x87: {  	_ =	shalt  }
.Lfunc_end0:
.L_simem_size_0:
called_computation.1_lowered:
.L_overlay_start_0:
0x88: {  	s2 =	sld [smem:$0x3FD9]  }
0x89: {  	s3 =	sld [smem:$0x3FFE];
	_ =	sdelay $0x1  }
0x8a: {  	s1 =	srdreg.scid  }
0x8b: {  	s0 =	sand.u32 $0x1, s1  }
0x8c: {  	s17 =	sshll.u32 s0, $0xA;
	s2 =	sadd.s32 s3, s2  }
0x8d: {  	s2 =	sadd.s32 s2, s17  }
0x8e: {  	[smem:$0x3FC2] =	sst s2  }
0x8f: {  	_ = 	snop  }
0x90: {  	s2 =	sld [smem:$0x3FD0];
	(tm) =	ssettm $0x1  }
0x91: {  	s18 =	sld [smem:$0x3FFB];
	_ =	sdelay $0x3  }
0x92: {  	_ =	strace s18  }
0x93: {  	s3 =	sld [smem:$0x3FFC];
	_ =	sdelay $0x3  }
0x94: {  	_ =	strace s3  }
0x95: {  	s3 =	sld [smem:$0x3FFD];
	_ =	sdelay $0x3  }
0x96: {  	_ =	strace s3  }
0x97: {  	_ =	strace $0x8FFFFFFF  }
0x98: {  	s19 =	sld [smem:$0x3FDB];
	_ =	sdelay $0x1  }
0x99: {  	s4 =	simm.s32 $_scs_section_size  }
0x9a: {  	s5 =	simm.s32 $_size__tile_overlayer_lowered;
	s6 =	simm.s32 $_tile_overlayer_lowered  }
0x9b: {  	s22 =	simm.s32 $0x1BFF;
	s21 =	sshll.u32 s6, $0x1;
	s3 =	sadd.s32 s4, s19  }
0x9c: {  	s7 =	simm.s32 $0x0;
	s20 =	sshll.u32 s5, $0x1;
	s5 =	sadd.s32 s21, s3  }
0x9d: {  	[timem:s7], [sflag:s22] =	dma.local [hbm:s5], s20  }
0x9e: {  	_ =	swait.ge [sflag:s22], s20  }
0x9f: {  	s4 =	ssub.s32 $0x0, s20;
	[sflag:s22] =	ssyncset.done $0x0  }
0xa0: {  	[sflag:s22] =	ssyncadd.s32 s4;
	_ =	sdelay $0x1  }
0xa1: {  	s23 =	simm.s32 $0x1B8B  }
0xa2: {  	_ =	swait.ge [sflag:s23], $0x1  }
0xa3: {  	[sflag:s23] =	ssyncset.done $0x0  }
0xa4: {  	s25 =	simm.s32 $0x1B8E;
	s24 =	sld [smem:$0x3FFE];
	[sflag:s23] =	ssyncadd.s32 $0xFFFFFFFF  }
0xa5: {  	s26 =	simm.s32 $execute0_lowered;
	[smem:$0x3FD2] =	sst s25  }
0xa6: {  	s5 =	sshll.u32 s26, $0x1;
	_ =	strace $0x80000049;
	[dreg:$0x1] =	wrdreg $0xFFFFFFFF  }
0xa7: {  	s28 =	simm.s32 $_size_execute0_lowered;
	s3 =	sadd.s32 s3, s5;
	[dreg:$0x0] =	wrdreg $0x0  }
0xa8: {  	s5 =	sshll.u32 s28, $0x1;
	[dreg:$0x2] =	wrdreg s3  }
0xa9: {  	[dreg:$0x3] =	wrdreg s5  }
0xaa: {  	[dreg:$0x4] =	wrdreg $0xC0  }
0xab: {  	_ =	task [dreg:s7], $0x5FFFF  }
0xac: {  	[dreg:$0x1] =	wrdreg $0xFFFFFFFF  }
0xad: {  	[dreg:$0x0] =	wrdreg $0x60  }
0xae: {  	[dreg:$0x2] =	wrdreg s24  }
0xaf: {  	[dreg:$0x3] =	wrdreg s2  }
0xb0: {  	[dreg:$0x4] =	wrdreg $0x28000  }
0xb1: {  	[dreg:$0x5] =	wrdreg $0x9  }
0xb2: {  	_ =	task.clear_ibuf [dreg:s7], $0x6FFFF;
	_ =	strace $0x90000049  }
0xb3: {  	s29 =	simm.s32 $0x9;
	_ =	strace $0x8000004B  }
0xb4: {  	_ =	swait.ge [sflag:s29], $0x1  }
0xb5: {  	[sflag:s29] =	ssyncadd.s32 $0xFFFFFFFF  }
0xb6: {  	_ =	strace $0x9000004B  }
0xb7: {  	_ =	sfence  }
0xb8: {  	s30 =	sld [smem:$0x0];
	_ =	sdelay $0x2  }
0xb9: {  	s31 =	sshll.u32 s1, $0xD;
	s1 =	sshrl.u32 s1, $0x2  }
0xba: {  	s3 =	sand.u32 $0x4000, s31;
	s1 =	sadd.s32 s1, s30  }
0xbb: {  	s0 =	sor.u32 s3, s0;
	s1 =	sshll.u32 s1, $0x11  }
0xbc: {  	s0 =	sor.u32 s1, s0  }
0xbd: {  	s0 =	sadd.s32 $0x8F2B, s0  }
0xbe: {  	[sflag:s0] =	ssyncadd.remote.s32 $0x1  }
0xbf: {  	_ =	sfence.sel $0xFFFF  }
0xc0: {  	[dreg:$0x0] =	wrdreg $0xFFFFFFFF;
	(pc) =	sbr.abs _section_cstart, $3  }
0xc1: {  	[dreg:$0x1] =	wrdreg $0xFFFFFFFF  }
0xc2: {  	_ =	task.clear_ibuf [dreg:s7], $0x2FFFF;
	_ =	strace $0x9FFFFFFF  }
0xc3: {  	(tm) =	ssettm $0x7FFFFFFF  }
tec
execute0_lowered:
.L_overlay_start_1:
0x0: {  	(tag) =	ssettag $0x1  }
0x1: {  	s0 =	rddreg [dreg:$0x0]  }
0x2: {  	s3 =	rddreg [dreg:$0x1]  }
0x3: {  	s1 =	rddreg [dreg:$0x2];
	s2 =	simm.s32 $0x0  }
0x4: {  	s4 =	srdreg.scid;
	s11 =	stileid.u32;
	s28 =	simm.s32 $0x80  }
0x5: {  	s29 =	simm.s32 $0x1A800;
	s30 =	simm.s32 $0x1;
	s31 =	simm.s32 $0x2  }
0x6: {  	[smem:$0x7FF] =	sst s2;
	s5 =	sand.u32 $0x1, s4;
	s4 =	sadd.s32 $0x1E00, s0  }
0x7: {  	s7 =	smul.u32 $0x50000, s11;
	s8 =	sadd.s32 $0x51E00, s0;
	s0 =	sadd.s32 $0x5BE00, s0  }
0x8: {  	s26 =	smul.u32 $0x14000, s11;
	_ =	strace $0x8000004A;
	s6 =	sshll.u32 s5, $0x4  }
0x9: {  	s9 =	ssub.s32 $0x2, s5;
	s18 =	smul.u32 $0x140000, s5;
	s6 =	sor.u32 s11, s6  }
0xa: {  	s10 =	sshrl.u32 s9, $0x1;
	s25 =	sshrl.u32 s7, $0x2;
	s17 =	sadd.s32 $0x4000, s26  }
0xb: {  	s19 =	sadd.s32 $0x8000, s26;
	s7 =	sadd.s32 $0x10000, s26;
	s6 =	smul.u32 $0x2800, s6  }
0xc: {  	s12 =	ssub.s32 s9, s10;
	s5 =	sadd.s32 s25, s1;
	s15 =	sadd.s32 s18, s26  }
0xd: {  	s20 =	sadd.s32 s18, s17;
	s21 =	sadd.s32 s18, s19;
	s23 =	sadd.s32 s19, s1  }
0xe: {  	s24 =	sadd.s32 s18, s7;
	s16 =	sshrl.u32 s15, $0x3;
	s11 =	smax.u32 s12, $0x1  }
0xf: {  	s12 =	sadd.s32 $0x4000, s5;
	s15 =	sadd.s32 $0x10000, s5;
	s6 =	sshrl.u32 s6, $0x3  }
0x10: {  	s19 =	sshrl.u32 s24, $0x3;
	s23 =	sshrl.u32 s23, $0x3;
	s13 =	sadd.s32 s8, s6  }
0x11: {  	s10 =	sadd.s32 s0, s16;
	s14 =	sadd.s32 s3, s6;
	[dreg:$0x4] =	wrdreg s13  }
0x12: {  	s19 =	sadd.s32 s0, s19;
	s6 =	sadd.s32 $0x280, s6;
	[dreg:$0x5] =	wrdreg s14  }
0x13: {  	s8 =	sadd.s32 s8, s6;
	s9 =	sadd.s32 s3, s6;
	s13 =	sadd.s32 $0x8000, s5  }
0x14: {  	s14 =	sadd.s32 $0xC000, s5;
	s6 =	sshrl.u32 s20, $0x3;
	s3 =	sadd.s32 s17, s1  }
0x15: {  	s20 =	sadd.s32 $0xC000, s26;
	s26 =	sadd.s32 s7, s1;
	[dreg:$0x6] =	wrdreg s8  }
0x16: {  	s16 =	sadd.s32 s0, s6;
	s6 =	sshrl.u32 s21, $0x3;
	s22 =	sadd.s32 s18, s20  }
0x17: {  	s25 =	sadd.s32 s20, s1;
	s20 =	simm.s32 $0x16800;
	s21 =	simm.s32 $0x3  }
0x18: {  	s17 =	sadd.s32 s0, s6;
	s6 =	sshrl.u32 s22, $0x3;
	s22 =	sshrl.u32 s3, $0x3  }
0x19: {  	s24 =	sshrl.u32 s25, $0x3;
	s25 =	sshrl.u32 s26, $0x3;
	s26 =	simm.s32 $0x1400  }
0x1a: {  	v0 =	vimm.f32 $0.0e+00;
	s3 =	simm.s32 $0x2780;
	s18 =	sadd.s32 s0, s6;
	s0 =	simm.s32 $0x2700  }
.LBB2_1:
0x1b: {  	s6 =	simm.s32 $0x0;
	s7 =	simm.s32 $0x200  }
.LBB2_2:
0x1c: {  	p0 =	sne.s32 s7, $0xFE00;
	[tilespmem:s6+$0x16870] =	vst v0  }
0x1d: {  	[tilespmem:s6+$0x16800] =	vst v0  }
0x1e: {  	[tilespmem:s6+$0x16810] =	vst v0  }
.Ltmp0:
0x1f: {  	[tilespmem:s6+$0x16820] =	vst v0;
	(pc) =	sbr.rel @p0 .LBB2_2-.Ltmp0, $4  }
0x20: {  	[tilespmem:s6+$0x16830] =	vst v0  }
0x21: {  	[tilespmem:s6+$0x16840] =	vst v0  }
0x22: {  	[tilespmem:s6+$0x16850] =	vst v0  }
0x23: {  	[tilespmem:s6+$0x16860] =	vst v0;
	s6 =	sshra.s32 s7, $0x2;
	s7 =	sadd.s32 $0x200, s7  }
0x24: {  	[tilespmem:s6+$0x16870] =	vst v0  }
0x25: {  	[tilespmem:s6+$0x16800] =	vst v0  }
0x26: {  	[tilespmem:s6+$0x16810] =	vst v0  }
0x27: {  	[tilespmem:s6+$0x16820] =	vst v0  }
0x28: {  	[tilespmem:s6+$0x16830] =	vst v0  }
0x29: {  	[tilespmem:s6+$0x16840] =	vst v0  }
0x2a: {  	[tilespmem:s6+$0x16850] =	vst v0  }
0x2b: {  	[tilespmem:s6+$0x16860] =	vst v0  }
0x2c: {  	[spmem:s5] =	stream.linear.scatter [tilespmem:s20], [sflag:$0x3], $0x4000, $0x38;
	[tilespmem:$0x1E800] =	vst v63  }
0x2d: {  	_ =	swait.ge [sflag:s21], $0x4000  }
0x2e: {  	[sflag:s21] =	ssyncset.done $0x0  }
0x2f: {  	[sflag:s21] =	ssyncadd.s32 $0xFFFFC000  }
0x30: {  	[spmem:s12] =	stream.linear.scatter [tilespmem:s20], [sflag:$0x3], $0x4000, $0x38;
	[tilespmem:$0x1E800] =	vst v63  }
0x31: {  	_ =	swait.ge [sflag:s21], $0x4000  }
0x32: {  	[sflag:s21] =	ssyncset.done $0x0  }
0x33: {  	[sflag:s21] =	ssyncadd.s32 $0xFFFFC000  }
0x34: {  	[spmem:s13] =	stream.linear.scatter [tilespmem:s20], [sflag:$0x3], $0x4000, $0x38;
	[tilespmem:$0x1E800] =	vst v63  }
0x35: {  	_ =	swait.ge [sflag:s21], $0x4000  }
0x36: {  	[sflag:s21] =	ssyncset.done $0x0  }
0x37: {  	[sflag:s21] =	ssyncadd.s32 $0xFFFFC000  }
0x38: {  	[spmem:s14] =	stream.linear.scatter [tilespmem:s20], [sflag:$0x3], $0x4000, $0x38;
	[tilespmem:$0x1E800] =	vst v63  }
0x39: {  	_ =	swait.ge [sflag:s21], $0x4000  }
0x3a: {  	[sflag:s21] =	ssyncset.done $0x0  }
0x3b: {  	[sflag:s21] =	ssyncadd.s32 $0xFFFFC000  }
0x3c: {  	[spmem:s15] =	stream.linear.scatter [tilespmem:s20], [sflag:$0x3], $0x4000, $0x38;
	[tilespmem:$0x1E800] =	vst v63  }
0x3d: {  	_ =	swait.ge [sflag:s21], $0x4000  }
0x3e: {  	[sflag:s21] =	ssyncset.done $0x0  }
0x3f: {  	[sflag:s21] =	ssyncadd.s32 $0xFFFFC000  }
0x40: {  	[bflag:$0x0] =	sbarrier.arrive $0xFFFF  }
0x41: {  	s6 =	simm.s32 $0x0;
	s7 =	rddreg [dreg:$0x4]  }
0x42: {  	[tilespmem:s6], [sflag:$0x3] =	stream.linear.gather [hbm4b:s7+s6], $0x1400, $0x38;
	[tilespmem:$0x1E800] =	vst v63  }
0x43: {  	_ =	swait.ge [sflag:s21], $0x1400  }
0x44: {  	[sflag:s21] =	ssyncset.done $0x0  }
0x45: {  	s8 =	rddreg [dreg:$0x5];
	[sflag:s21] =	ssyncadd.s32 $0xFFFFEC00  }
0x46: {  	[tilespmem:s26], [sflag:$0x3] =	stream.linear.gather [hbm4b:s8+s6], $0x1400, $0x38;
	[tilespmem:$0x1E800] =	vst v63  }
0x47: {  	_ =	swait.ge [sflag:s21], $0x1400  }
0x48: {  	[sflag:s21] =	ssyncset.done $0x0  }
0x49: {  	[sflag:s21] =	ssyncadd.s32 $0xFFFFEC00  }
0x4a: {  	[tilespmem:s20], [sflag:$0x1] =	stream.indirect.gather [hbm4b:s4+s28], $0x80, s6, s28, $0xb8;
	[tilespmem:$0x1E800] =	vst v63  }
0x4b: {  	_ = 	snop  }
0x4c: {  	[tilespmem:s29], [sflag:$0x2] =	stream.indirect.gather [hbm4b:s4+s28], $0x80, s28, s28, $0xb8;
	[tilespmem:$0x1E800] =	vst v63  }
0x4d: {  	_ =	swait.ge [sflag:s30], $0x4000  }
0x4e: {  	[sflag:s30] =	ssyncset.done $0x0  }
0x4f: {  	s8 =	simm.s32 $0x1400;
	[sflag:s30] =	ssyncadd.s32 $0xFFFFC000  }
0x50: {  	[spmem:s1] =	stream.indirect.scatter.add.f32 [tilespmem:s20], [sflag:$0x3], $0x80, s8, s28, $0xb8;
	[tilespmem:$0x1E800] =	vst v63  }
0x51: {  	_ =	swait.ge [sflag:s21], $0x4000  }
0x52: {  	[sflag:s21] =	ssyncset.done $0x0  }
0x53: {  	s7 =	simm.s32 $0x100;
	[sflag:s21] =	ssyncadd.s32 $0xFFFFC000  }
0x54: {  	[tilespmem:s20], [sflag:$0x1] =	stream.indirect.gather [hbm4b:s4+s28], $0x80, s7, s28, $0xb8;
	[tilespmem:$0x1E800] =	vst v63  }
0x55: {  	_ =	swait.ge [sflag:s31], $0x4000  }
0x56: {  	[sflag:s31] =	ssyncset.done $0x0  }
0x57: {  	s8 =	simm.s32 $0x1480;
	[sflag:s31] =	ssyncadd.s32 $0xFFFFC000  }
0x58: {  	[spmem:s1] =	stream.indirect.scatter.add.f32 [tilespmem:s29], [sflag:$0x3], $0x80, s8, s28, $0xb8;
	[tilespmem:$0x1E800] =	vst v63  }
0x59: {  	_ =	swait.ge [sflag:s21], $0x4000  }
0x5a: {  	[sflag:s21] =	ssyncset.done $0x0  }
0x5b: {  	s6 =	simm.s32 $0x400;
	s7 =	simm.s32 $0x180;
	[sflag:s21] =	ssyncadd.s32 $0xFFFFC000  }
.LBB2_4:
0x5c: {  	[tilespmem:s29], [sflag:$0x2] =	stream.indirect.gather [hbm4b:s4+s28], $0x80, s7, s28, $0xb8;
	[tilespmem:$0x1E800] =	vst v63  }
0x5d: {  	s7 =	smov.u32 s6  }
0x5e: {  	p0 =	sne.s32 s6, $0x4800;
	s6 =	sadd.s32 $0x400, s6;
	_ =	swait.ge [sflag:s30], $0x4000  }
0x5f: {  	s7 =	sshra.s32 s7, $0x2;
	[sflag:s30] =	ssyncset.done $0x0  }
0x60: {  	s8 =	sadd.s32 $0x1400, s7;
	[sflag:s30] =	ssyncadd.s32 $0xFFFFC000  }
0x61: {  	[spmem:s1] =	stream.indirect.scatter.add.f32 [tilespmem:s20], [sflag:$0x3], $0x80, s8, s28, $0xb8;
	[tilespmem:$0x1E800] =	vst v63  }
0x62: {  	_ =	swait.ge [sflag:s21], $0x4000  }
0x63: {  	[sflag:s21] =	ssyncset.done $0x0  }
0x64: {  	s8 =	sadd.s32 $0x100, s7;
	[sflag:s21] =	ssyncadd.s32 $0xFFFFC000  }
0x65: {  	[tilespmem:s20], [sflag:$0x1] =	stream.indirect.gather [hbm4b:s4+s28], $0x80, s8, s28, $0xb8;
	[tilespmem:$0x1E800] =	vst v63  }
0x66: {  	_ =	swait.ge [sflag:s31], $0x4000  }
0x67: {  	[sflag:s31] =	ssyncset.done $0x0  }
.Ltmp1:
0x68: {  	s8 =	sadd.s32 $0x1480, s7;
	[sflag:s31] =	ssyncadd.s32 $0xFFFFC000;
	(pc) =	sbr.rel @p0 .LBB2_4-.Ltmp1, $4  }
0x69: {  	[spmem:s1] =	stream.indirect.scatter.add.f32 [tilespmem:s29], [sflag:$0x3], $0x80, s8, s28, $0xb8;
	[tilespmem:$0x1E800] =	vst v63  }
0x6a: {  	_ =	swait.ge [sflag:s21], $0x4000  }
0x6b: {  	[sflag:s21] =	ssyncset.done $0x0  }
0x6c: {  	s7 =	sadd.s32 $0x180, s7;
	[sflag:s21] =	ssyncadd.s32 $0xFFFFC000  }
0x6d: {  	[tilespmem:s29], [sflag:$0x2] =	stream.indirect.gather [hbm4b:s4+s28], $0x80, s7, s28, $0xb8;
	[tilespmem:$0x1E800] =	vst v63  }
0x6e: {  	_ =	swait.ge [sflag:s30], $0x4000  }
0x6f: {  	[sflag:s30] =	ssyncset.done $0x0  }
0x70: {  	[sflag:s30] =	ssyncadd.s32 $0xFFFFC000  }
0x71: {  	[spmem:s1] =	stream.indirect.scatter.add.f32 [tilespmem:s20], [sflag:$0x3], $0x80, s0, s28, $0xb8;
	[tilespmem:$0x1E800] =	vst v63  }
0x72: {  	_ =	swait.ge [sflag:s21], $0x4000  }
0x73: {  	[sflag:s21] =	ssyncset.done $0x0  }
0x74: {  	[sflag:s21] =	ssyncadd.s32 $0xFFFFC000  }
0x75: {  	_ =	swait.ge [sflag:s31], $0x4000  }
0x76: {  	[sflag:s31] =	ssyncset.done $0x0  }
0x77: {  	[sflag:s31] =	ssyncadd.s32 $0xFFFFC000  }
0x78: {  	[spmem:s1] =	stream.indirect.scatter.add.f32 [tilespmem:s29], [sflag:$0x3], $0x80, s3, s28, $0xb8;
	[tilespmem:$0x1E800] =	vst v63  }
0x79: {  	_ =	swait.ge [sflag:s21], $0x4000  }
0x7a: {  	[sflag:s21] =	ssyncset.done $0x0  }
0x7b: {  	s6 =	simm.s32 $0x0;
	s8 =	rddreg [dreg:$0x6];
	[sflag:s21] =	ssyncadd.s32 $0xFFFFC000  }
0x7c: {  	[tilespmem:s6], [sflag:$0x3] =	stream.linear.gather [hbm4b:s8+s6], $0x1400, $0x38;
	[tilespmem:$0x1E800] =	vst v63  }
0x7d: {  	_ =	swait.ge [sflag:s21], $0x1400  }
0x7e: {  	[sflag:s21] =	ssyncset.done $0x0  }
0x7f: {  	[sflag:s21] =	ssyncadd.s32 $0xFFFFEC00  }
0x80: {  	[tilespmem:s26], [sflag:$0x3] =	stream.linear.gather [hbm4b:s9+s6], $0x1400, $0x38;
	[tilespmem:$0x1E800] =	vst v63  }
0x81: {  	_ =	swait.ge [sflag:s21], $0x1400  }
0x82: {  	[sflag:s21] =	ssyncset.done $0x0  }
0x83: {  	[sflag:s21] =	ssyncadd.s32 $0xFFFFEC00  }
0x84: {  	[tilespmem:s20], [sflag:$0x1] =	stream.indirect.gather [hbm4b:s4+s28], $0x80, s6, s28, $0xb8;
	[tilespmem:$0x1E800] =	vst v63  }
0x85: {  	_ = 	snop  }
0x86: {  	[tilespmem:s29], [sflag:$0x2] =	stream.indirect.gather [hbm4b:s4+s28], $0x80, s28, s28, $0xb8;
	[tilespmem:$0x1E800] =	vst v63  }
0x87: {  	_ =	swait.ge [sflag:s30], $0x4000  }
0x88: {  	[sflag:s30] =	ssyncset.done $0x0  }
0x89: {  	s8 =	simm.s32 $0x1400;
	[sflag:s30] =	ssyncadd.s32 $0xFFFFC000  }
0x8a: {  	[spmem:s1] =	stream.indirect.scatter.add.f32 [tilespmem:s20], [sflag:$0x3], $0x80, s8, s28, $0xb8;
	[tilespmem:$0x1E800] =	vst v63  }
0x8b: {  	_ =	swait.ge [sflag:s21], $0x4000  }
0x8c: {  	[sflag:s21] =	ssyncset.done $0x0  }
0x8d: {  	s7 =	simm.s32 $0x100;
	[sflag:s21] =	ssyncadd.s32 $0xFFFFC000  }
0x8e: {  	[tilespmem:s20], [sflag:$0x1] =	stream.indirect.gather [hbm4b:s4+s28], $0x80, s7, s28, $0xb8;
	[tilespmem:$0x1E800] =	vst v63  }
0x8f: {  	_ =	swait.ge [sflag:s31], $0x4000  }
0x90: {  	[sflag:s31] =	ssyncset.done $0x0  }
0x91: {  	s8 =	simm.s32 $0x1480;
	[sflag:s31] =	ssyncadd.s32 $0xFFFFC000  }
0x92: {  	[spmem:s1] =	stream.indirect.scatter.add.f32 [tilespmem:s29], [sflag:$0x3], $0x80, s8, s28, $0xb8;
	[tilespmem:$0x1E800] =	vst v63  }
0x93: {  	_ =	swait.ge [sflag:s21], $0x4000  }
0x94: {  	[sflag:s21] =	ssyncset.done $0x0  }
0x95: {  	s6 =	simm.s32 $0x400;
	s7 =	simm.s32 $0x180;
	[sflag:s21] =	ssyncadd.s32 $0xFFFFC000  }
.LBB2_6:
0x96: {  	[tilespmem:s29], [sflag:$0x2] =	stream.indirect.gather [hbm4b:s4+s28], $0x80, s7, s28, $0xb8;
	[tilespmem:$0x1E800] =	vst v63  }
0x97: {  	s7 =	smov.u32 s6  }
0x98: {  	p0 =	sne.s32 s6, $0x4800;
	s6 =	sadd.s32 $0x400, s6;
	_ =	swait.ge [sflag:s30], $0x4000  }
0x99: {  	s7 =	sshra.s32 s7, $0x2;
	[sflag:s30] =	ssyncset.done $0x0  }
0x9a: {  	s8 =	sadd.s32 $0x1400, s7;
	[sflag:s30] =	ssyncadd.s32 $0xFFFFC000  }
0x9b: {  	[spmem:s1] =	stream.indirect.scatter.add.f32 [tilespmem:s20], [sflag:$0x3], $0x80, s8, s28, $0xb8;
	[tilespmem:$0x1E800] =	vst v63  }
0x9c: {  	_ =	swait.ge [sflag:s21], $0x4000  }
0x9d: {  	[sflag:s21] =	ssyncset.done $0x0  }
0x9e: {  	s8 =	sadd.s32 $0x100, s7;
	[sflag:s21] =	ssyncadd.s32 $0xFFFFC000  }
0x9f: {  	[tilespmem:s20], [sflag:$0x1] =	stream.indirect.gather [hbm4b:s4+s28], $0x80, s8, s28, $0xb8;
	[tilespmem:$0x1E800] =	vst v63  }
0xa0: {  	_ =	swait.ge [sflag:s31], $0x4000  }
0xa1: {  	[sflag:s31] =	ssyncset.done $0x0  }
.Ltmp2:
0xa2: {  	s8 =	sadd.s32 $0x1480, s7;
	[sflag:s31] =	ssyncadd.s32 $0xFFFFC000;
	(pc) =	sbr.rel @p0 .LBB2_6-.Ltmp2, $4  }
0xa3: {  	[spmem:s1] =	stream.indirect.scatter.add.f32 [tilespmem:s29], [sflag:$0x3], $0x80, s8, s28, $0xb8;
	[tilespmem:$0x1E800] =	vst v63  }
0xa4: {  	_ =	swait.ge [sflag:s21], $0x4000  }
0xa5: {  	[sflag:s21] =	ssyncset.done $0x0  }
0xa6: {  	s7 =	sadd.s32 $0x180, s7;
	[sflag:s21] =	ssyncadd.s32 $0xFFFFC000  }
0xa7: {  	[tilespmem:s29], [sflag:$0x2] =	stream.indirect.gather [hbm4b:s4+s28], $0x80, s7, s28, $0xb8;
	[tilespmem:$0x1E800] =	vst v63  }
0xa8: {  	_ =	swait.ge [sflag:s30], $0x4000  }
0xa9: {  	[sflag:s30] =	ssyncset.done $0x0  }
0xaa: {  	[sflag:s30] =	ssyncadd.s32 $0xFFFFC000  }
0xab: {  	[spmem:s1] =	stream.indirect.scatter.add.f32 [tilespmem:s20], [sflag:$0x3], $0x80, s0, s28, $0xb8;
	[tilespmem:$0x1E800] =	vst v63  }
0xac: {  	_ =	swait.ge [sflag:s21], $0x4000  }
0xad: {  	[sflag:s21] =	ssyncset.done $0x0  }
0xae: {  	[sflag:s21] =	ssyncadd.s32 $0xFFFFC000  }
0xaf: {  	_ =	swait.ge [sflag:s31], $0x4000  }
0xb0: {  	[sflag:s31] =	ssyncset.done $0x0  }
0xb1: {  	[sflag:s31] =	ssyncadd.s32 $0xFFFFC000  }
0xb2: {  	[spmem:s1] =	stream.indirect.scatter.add.f32 [tilespmem:s29], [sflag:$0x3], $0x80, s3, s28, $0xb8;
	[tilespmem:$0x1E800] =	vst v63  }
0xb3: {  	_ =	swait.ge [sflag:s21], $0x4000  }
0xb4: {  	s6 =	stileid.u32;
	[sflag:s21] =	ssyncset.done $0x0  }
0xb5: {  	s6 =	sshll.u32 s6, $0x6;
	[sflag:s21] =	ssyncadd.s32 $0xFFFFC000  }
0xb6: {  	s8 =	sshrl.u32 s5, $0x3;
	s6 =	sor.u32 $0x1C03, s6;
	[bflag:$0x0] =	sbarrier.arrive $0xFFFF  }
0xb7: {  	[hbm:s10], [sflag:s6] =	dma.local [spmem:s8], $0x800  }
0xb8: {  	_ =	swait.ge [sflag:s21], $0x800  }
0xb9: {  	[sflag:s21] =	ssyncset.done $0x0  }
0xba: {  	[sflag:s21] =	ssyncadd.s32 $0xFFFFF800  }
0xbb: {  	[hbm:s16], [sflag:s6] =	dma.local [spmem:s22], $0x800  }
0xbc: {  	_ =	swait.ge [sflag:s21], $0x800  }
0xbd: {  	[sflag:s21] =	ssyncset.done $0x0  }
0xbe: {  	[sflag:s21] =	ssyncadd.s32 $0xFFFFF800  }
0xbf: {  	[hbm:s17], [sflag:s6] =	dma.local [spmem:s23], $0x800  }
0xc0: {  	_ =	swait.ge [sflag:s21], $0x800  }
0xc1: {  	[sflag:s21] =	ssyncset.done $0x0  }
0xc2: {  	[sflag:s21] =	ssyncadd.s32 $0xFFFFF800  }
0xc3: {  	[hbm:s18], [sflag:s6] =	dma.local [spmem:s24], $0x800  }
0xc4: {  	s2 =	sadd.s32 $0x1, s2;
	_ =	swait.ge [sflag:s21], $0x800  }
0xc5: {  	p0 =	sne.s32 s2, s11;
	[sflag:s21] =	ssyncset.done $0x0  }
.Ltmp3:
0xc6: {  	[sflag:s21] =	ssyncadd.s32 $0xFFFFF800;
	(pc) =	sbr.rel @p0 .LBB2_1-.Ltmp3, $4  }
0xc7: {  	[hbm:s19], [sflag:s6] =	dma.local [spmem:s25], $0x800  }
0xc8: {  	_ =	swait.ge [sflag:s21], $0x800  }
0xc9: {  	[sflag:s21] =	ssyncset.done $0x0  }
0xca: {  	[sflag:s21] =	ssyncadd.s32 $0xFFFFF800  }
0xcb: {  	_ =	sfence.sel $0x180000  }
0xcc: {  	[bflag:$0x0] =	sbarrier.arrive $0xFFFF  }
0xcd: {  	_ =	strace $0x9000004A  }
0xce: {  	s0 =	stileid.u32;
	[bflag:$0x2] =	sbarrier.arrive $0xFFFF  }
0xcf: {  	p0 =	sne.s32 s0, $0x0;
	s0 =	rddreg [dreg:$0x3]  }
0xd0: {  	s0 =	sadd.s32 @!p0 $0x100000, s0  }
0xd1: {  	[sflag:s0] =	ssyncadd.tile.s32 @!p0 $0x1;
	_ =	shalt  }
.Lfunc_end2:
_tile_overlayer_lowered:
.L_overlay_start_2:
0xd2: {  	(tag) =	ssettag $0x2  }
0xd3: {  	s0 =	rddreg [dreg:$0x0];
	s2 =	stileid.u32  }
0xd4: {  	s1 =	rddreg [dreg:$0x1];
	p0 =	sne.s32 s2, $0x0  }
0xd5: {  	s3 =	rddreg [dreg:$0x2];
	[bflag:$0x3] =	sbarrier.arrive $0xFFFF;
	s2 =	simm.s32 @!p0 $0x1C03  }
0xd6: {  	[timem:s3], [sflag:s2] =	dma.local @!p0 [hbm:s0], s1  }
0xd7: {  	s0 =	simm.s32 @!p0 $0x3  }
0xd8: {  	_ =	swait.ge @!p0 [sflag:s0], s1  }
0xd9: {  	s1 =	ssub.s32 @!p0 $0x0, s1;
	[sflag:s0] =	ssyncset.done @!p0 $0x0  }
0xda: {  	[sflag:s0] =	ssyncadd.s32 @!p0 s1  }
0xdb: {  	[bflag:$0x3] =	sbarrier.arrive $0xFFFF  }
0xdc: {  	_ =	shalt  }

// kernel: kernel.14.cloned.1.call-start
scs
__scs_entry_jumppad:
0x0: {  	(pc) =	sbr.rel $0x88, $3  }
0x1: {  	(tag) =	ssettag $0x0;
	lr =	simm.s32 $0x1  }
0x2: {  	[smem:$0x3F9B] =	sst lr;
	_ =	strace $0xD0000000  }
0x3: {  	_ = 	snop  }
0x4: {  	_ = 	snop  }
0x5: {  	_ = 	snop  }
0x6: {  	_ = 	snop  }
0x7: {  	_ = 	snop  }
__scs_overlays_trampoline_lowered:
0x8: {  	[smem:$0x3FAA] =	sst s0  }
0x9: {  	[smem:$0x3FAB] =	sst s1  }
0xa: {  	[smem:$0x3FAC] =	sst s2  }
0xb: {  	[smem:$0x3FAD] =	sst s3  }
0xc: {  	[smem:$0x3FAE] =	sst s4  }
0xd: {  	[smem:$0x3FAF] =	sst s5  }
0xe: {  	[smem:$0x3FB0] =	sst s6  }
0xf: {  	[smem:$0x3FB1] =	sst s7  }
0x10: {  	[smem:$0x3FB2] =	sst s8  }
0x11: {  	[smem:$0x3FB3] =	sst s9;
	s0 =	simm.s32 @!p0 $0x0  }
0x12: {  	s1 =	sld [smem:$0x3F99];
	s0 =	simm.s32 @p0 $0x1  }
0x13: {  	[smem:$0x3FB4] =	sst s0;
	s0 =	simm.s32 @!p1 $0x0  }
0x14: {  	s2 =	sld [smem:$0x3F98];
	s0 =	simm.s32 @p1 $0x1  }
0x15: {  	[smem:$0x3FB5] =	sst s0;
	s0 =	simm.s32 @!p2 $0x0  }
0x16: {  	s3 =	sld [smem:$0x3FDB];
	s0 =	simm.s32 @p2 $0x1  }
0x17: {  	s4 =	simm.s32 $0x1BF5;
	[smem:$0x3FB7] =	sst s0  }
0x18: {  	s0 =	sld [smem:$0x3F9A];
	_ =	swait.ge [sflag:s4], $0x0  }
0x19: {  	s7 =	sld [smem:$0x3F9B]  }
0x1a: {  	s8 =	sadd.s32 $0xFFFFE003, lr  }
0x1b: {  	s9 =	sadd.s32 $0xFFFFFEF7, lr;
	s5 =	simm.s32 $0xFFFFFFFF;
	p2 =	slt.u32 s8, $0xFFFFF086  }
0x1c: {  	p1 =	slt.u32 s9, $0xF7A;
	s5 =	simm.s32 @!p2 $0x0  }
0x1d: {  	s5 =	simm.s32 @p1 $0x1;
	p0 =	seq.s32 s7, s2  }
0x1e: {  	s7 =	smul.u32 @!p0 $0xF7A, s2;
	p2 =	seq.s32 @!p0 s5, $0x0  }
0x1f: {  	s9 =	smul.u32 $0xF7A, s1;
	s8 =	simm.s32 @!p0 $0x1BF5;
	p2 =	por !p2, p0  }
0x20: {  	[sflag:s8] =	ssyncset.s32 @!p0 $0xFFFFF086;
	s6 =	sadd.s32 @!p0 s3, s7;
	s7 =	simm.s32 @!p0 $0x108  }
0x21: {  	s3 =	sadd.s32 s3, s9;
	s6 =	sadd.s32 @!p0 $0x88, s6;
	s7 =	simm.s32 @p2 $0x1082  }
0x22: {  	[simem:s7], [sflag:s8] =	dma.local @!p0 [hbm:s6], $0xF7A  }
0x23: {  	s9 =	sor.u32 $0xD0000000, s2;
	s6 =	simm.s32 $0x108;
	_ =	swait.ge @!p0 [sflag:s8], $0x0  }
0x24: {  	s3 =	sadd.s32 $0x88, s3;
	s6 =	simm.s32 @!p1 $0x1082;
	[sflag:s4] =	ssyncset.s32 $0xFFFFF086  }
0x25: {  	[simem:s6], [sflag:s4] =	dma.local [hbm:s3], $0xF7A  }
0x26: {  	[smem:$0x3F9B] =	sst s1;
	(tag) =	ssettag s2;
	_ =	strace s9  }
0x27: {  	s1 =	sld [smem:$0x3FAB]  }
0x28: {  	s2 =	sld [smem:$0x3FAC]  }
0x29: {  	s4 =	sld [smem:$0x3FAE]  }
0x2a: {  	p0 =	seq.s32 s5, $0x0;
	s5 =	sld [smem:$0x3FAF]  }
0x2b: {  	s6 =	sld [smem:$0x3FB0]  }
0x2c: {  	s7 =	sld [smem:$0x3FB1]  }
0x2d: {  	s3 =	simm.s32 $0x108;
	s8 =	sld [smem:$0x3FB2]  }
0x2e: {  	s3 =	simm.s32 @!p0 $0x1082;
	s9 =	sld [smem:$0x3FB3]  }
0x2f: {  	lr =	sadd.s32 s0, s3;
	s0 =	sld [smem:$0x3FAA]  }
0x30: {  	s3 =	sld [smem:$0x3FAD]  }
0x31: {  	[smem:$0x3FB6] =	sst s10  }
0x32: {  	s10 =	sld [smem:$0x3FB4];
	_ =	sdelay $0x3  }
0x33: {  	p0 =	seq.s32 s10, $0x1;
	s10 =	sld [smem:$0x3FB6];
	_ =	sdelay $0x3  }
0x34: {  	[smem:$0x3FB6] =	sst s10  }
0x35: {  	s10 =	sld [smem:$0x3FB5];
	_ =	sdelay $0x3  }
0x36: {  	p1 =	seq.s32 s10, $0x1;
	s10 =	sld [smem:$0x3FB6];
	_ =	sdelay $0x3  }
0x37: {  	[smem:$0x3FB6] =	sst s10  }
0x38: {  	s10 =	sld [smem:$0x3FB7]  }
0x39: {  	_ = 	snop;
	(pc) =	sbr.ind lr, $3  }
0x3a: {  	_ = 	snop  }
0x3b: {  	_ = 	snop  }
0x3c: {  	p2 =	seq.s32 s10, $0x1;
	s10 =	sld [smem:$0x3FB6]  }
0x3d: {  	_ =	shalt  }
0x3e: {  	_ =	shalt  }
0x3f: {  	_ =	shalt  }
0x40: {  	_ =	shalt  }
0x41: {  	_ =	shalt  }
0x42: {  	_ =	shalt  }
0x43: {  	_ =	shalt  }
0x44: {  	_ =	shalt  }
0x45: {  	_ =	shalt  }
0x46: {  	_ =	shalt  }
0x47: {  	_ =	shalt  }
0x48: {  	_ =	shalt  }
0x49: {  	_ =	shalt  }
0x4a: {  	_ =	shalt  }
0x4b: {  	_ =	shalt  }
0x4c: {  	_ =	shalt  }
0x4d: {  	_ =	shalt  }
0x4e: {  	_ =	shalt  }
0x4f: {  	_ =	shalt  }
0x50: {  	_ =	shalt  }
0x51: {  	_ =	shalt  }
0x52: {  	_ =	shalt  }
0x53: {  	_ =	shalt  }
0x54: {  	_ =	shalt  }
0x55: {  	_ =	shalt  }
0x56: {  	_ =	shalt  }
0x57: {  	_ =	shalt  }
0x58: {  	_ =	shalt  }
0x59: {  	_ =	shalt  }
0x5a: {  	_ =	shalt  }
0x5b: {  	_ =	shalt  }
0x5c: {  	_ =	shalt  }
0x5d: {  	_ =	shalt  }
0x5e: {  	_ =	shalt  }
0x5f: {  	_ =	shalt  }
0x60: {  	_ =	shalt  }
0x61: {  	_ =	shalt  }
0x62: {  	_ =	shalt  }
0x63: {  	_ =	shalt  }
0x64: {  	_ =	shalt  }
0x65: {  	_ =	shalt  }
0x66: {  	_ =	shalt  }
0x67: {  	_ =	shalt  }
0x68: {  	_ =	shalt  }
0x69: {  	_ =	shalt  }
0x6a: {  	_ =	shalt  }
0x6b: {  	_ =	shalt  }
0x6c: {  	_ =	shalt  }
0x6d: {  	_ =	shalt  }
0x6e: {  	_ =	shalt  }
0x6f: {  	_ =	shalt  }
0x70: {  	_ =	shalt  }
0x71: {  	_ =	shalt  }
0x72: {  	_ =	shalt  }
0x73: {  	_ =	shalt  }
0x74: {  	_ =	shalt  }
0x75: {  	_ =	shalt  }
0x76: {  	_ =	shalt  }
0x77: {  	_ =	shalt  }
0x78: {  	_ =	shalt  }
0x79: {  	_ =	shalt  }
0x7a: {  	_ =	shalt  }
0x7b: {  	_ =	shalt  }
0x7c: {  	_ =	shalt  }
0x7d: {  	_ =	shalt  }
0x7e: {  	_ =	shalt  }
0x7f: {  	_ =	shalt  }
0x80: {  	_ =	shalt  }
0x81: {  	_ =	shalt  }
0x82: {  	_ =	shalt  }
0x83: {  	_ =	shalt  }
0x84: {  	_ =	shalt  }
0x85: {  	_ =	shalt  }
0x86: {  	_ =	shalt  }
0x87: {  	_ =	shalt  }
.Lfunc_end0:
.L_simem_size_0:
called_computation.2_lowered:
.L_overlay_start_0:
0x88: {  	s2 =	sld [smem:$0x3FD9]  }
0x89: {  	s3 =	sld [smem:$0x3FFE];
	_ =	sdelay $0x1  }
0x8a: {  	s1 =	srdreg.scid  }
0x8b: {  	s0 =	sand.u32 $0x1, s1  }
0x8c: {  	s17 =	sshll.u32 s0, $0xA;
	s2 =	sadd.s32 s3, s2  }
0x8d: {  	s2 =	sadd.s32 s2, s17  }
0x8e: {  	[smem:$0x3FC2] =	sst s2  }
0x8f: {  	_ = 	snop  }
0x90: {  	s2 =	sld [smem:$0x3FD0];
	(tm) =	ssettm $0x1  }
0x91: {  	s18 =	sld [smem:$0x3FFB];
	_ =	sdelay $0x3  }
0x92: {  	_ =	strace s18  }
0x93: {  	s3 =	sld [smem:$0x3FFC];
	_ =	sdelay $0x3  }
0x94: {  	_ =	strace s3  }
0x95: {  	s3 =	sld [smem:$0x3FFD];
	_ =	sdelay $0x3  }
0x96: {  	_ =	strace s3  }
0x97: {  	_ =	strace $0x8FFFFFFF  }
0x98: {  	s19 =	sld [smem:$0x3FDB];
	_ =	sdelay $0x1  }
0x99: {  	s4 =	simm.s32 $_scs_section_size  }
0x9a: {  	s5 =	simm.s32 $_size__tile_overlayer_lowered;
	s6 =	simm.s32 $_tile_overlayer_lowered  }
0x9b: {  	s22 =	simm.s32 $0x1BFF;
	s21 =	sshll.u32 s6, $0x1;
	s3 =	sadd.s32 s4, s19  }
0x9c: {  	s7 =	simm.s32 $0x0;
	s20 =	sshll.u32 s5, $0x1;
	s5 =	sadd.s32 s21, s3  }
0x9d: {  	[timem:s7], [sflag:s22] =	dma.local [hbm:s5], s20  }
0x9e: {  	_ =	swait.ge [sflag:s22], s20  }
0x9f: {  	s4 =	ssub.s32 $0x0, s20;
	[sflag:s22] =	ssyncset.done $0x0  }
0xa0: {  	[sflag:s22] =	ssyncadd.s32 s4;
	_ =	sdelay $0x1  }
0xa1: {  	s23 =	simm.s32 $0x1B8B  }
0xa2: {  	_ =	swait.ge [sflag:s23], $0x1  }
0xa3: {  	[sflag:s23] =	ssyncset.done $0x0  }
0xa4: {  	s25 =	simm.s32 $0x1B8E;
	s24 =	sld [smem:$0x3FFE];
	[sflag:s23] =	ssyncadd.s32 $0xFFFFFFFF  }
0xa5: {  	s26 =	simm.s32 $execute0_lowered;
	[smem:$0x3FD2] =	sst s25  }
0xa6: {  	s5 =	sshll.u32 s26, $0x1;
	_ =	strace $0x8000004C;
	[dreg:$0x1] =	wrdreg $0xFFFFFFFF  }
0xa7: {  	s28 =	simm.s32 $_size_execute0_lowered;
	s3 =	sadd.s32 s3, s5;
	[dreg:$0x0] =	wrdreg $0x0  }
0xa8: {  	s5 =	sshll.u32 s28, $0x1;
	[dreg:$0x2] =	wrdreg s3  }
0xa9: {  	[dreg:$0x3] =	wrdreg s5  }
0xaa: {  	[dreg:$0x4] =	wrdreg $0xC0  }
0xab: {  	_ =	task [dreg:s7], $0x5FFFF  }
0xac: {  	[dreg:$0x1] =	wrdreg $0xFFFFFFFF  }
0xad: {  	[dreg:$0x0] =	wrdreg $0x60  }
0xae: {  	[dreg:$0x2] =	wrdreg s24  }
0xaf: {  	[dreg:$0x3] =	wrdreg s2  }
0xb0: {  	[dreg:$0x4] =	wrdreg $0x28000  }
0xb1: {  	[dreg:$0x5] =	wrdreg $0x9  }
0xb2: {  	_ =	task.clear_ibuf [dreg:s7], $0x6FFFF;
	_ =	strace $0x9000004C  }
0xb3: {  	s29 =	simm.s32 $0x9;
	_ =	strace $0x8000004E  }
0xb4: {  	_ =	swait.ge [sflag:s29], $0x1  }
0xb5: {  	[sflag:s29] =	ssyncadd.s32 $0xFFFFFFFF  }
0xb6: {  	_ =	strace $0x9000004E  }
0xb7: {  	_ =	sfence  }
0xb8: {  	s30 =	sld [smem:$0x0];
	_ =	sdelay $0x2  }
0xb9: {  	s31 =	sshll.u32 s1, $0xD;
	s1 =	sshrl.u32 s1, $0x2  }
0xba: {  	s3 =	sand.u32 $0x4000, s31;
	s1 =	sadd.s32 s1, s30  }
0xbb: {  	s0 =	sor.u32 s3, s0;
	s1 =	sshll.u32 s1, $0x11  }
0xbc: {  	s0 =	sor.u32 s1, s0  }
0xbd: {  	s0 =	sadd.s32 $0x8F2B, s0  }
0xbe: {  	[sflag:s0] =	ssyncadd.remote.s32 $0x1  }
0xbf: {  	_ =	sfence.sel $0xFFFF  }
0xc0: {  	[dreg:$0x0] =	wrdreg $0xFFFFFFFF;
	(pc) =	sbr.abs _section_cstart, $3  }
0xc1: {  	[dreg:$0x1] =	wrdreg $0xFFFFFFFF  }
0xc2: {  	_ =	task.clear_ibuf [dreg:s7], $0x2FFFF;
	_ =	strace $0x9FFFFFFF  }
0xc3: {  	(tm) =	ssettm $0x7FFFFFFF  }
tec
execute0_lowered:
.L_overlay_start_1:
0x0: {  	(tag) =	ssettag $0x1  }
0x1: {  	s0 =	rddreg [dreg:$0x0]  }
0x2: {  	s3 =	rddreg [dreg:$0x1]  }
0x3: {  	s1 =	rddreg [dreg:$0x2];
	s2 =	simm.s32 $0x0  }
0x4: {  	s4 =	srdreg.scid;
	s11 =	stileid.u32;
	s28 =	simm.s32 $0x80  }
0x5: {  	s29 =	simm.s32 $0x1A800;
	s30 =	simm.s32 $0x1;
	s31 =	simm.s32 $0x2  }
0x6: {  	[smem:$0x7FF] =	sst s2;
	s5 =	sand.u32 $0x1, s4;
	s4 =	sadd.s32 $0x1E00, s0  }
0x7: {  	s7 =	smul.u32 $0x50000, s11;
	s8 =	sadd.s32 $0x51E00, s0;
	s0 =	sadd.s32 $0x5BE00, s0  }
0x8: {  	s26 =	smul.u32 $0x14000, s11;
	_ =	strace $0x8000004D;
	s6 =	sshll.u32 s5, $0x4  }
0x9: {  	s9 =	ssub.s32 $0x2, s5;
	s18 =	smul.u32 $0x140000, s5;
	s6 =	sor.u32 s11, s6  }
0xa: {  	s10 =	sshrl.u32 s9, $0x1;
	s25 =	sshrl.u32 s7, $0x2;
	s17 =	sadd.s32 $0x4000, s26  }
0xb: {  	s19 =	sadd.s32 $0x8000, s26;
	s7 =	sadd.s32 $0x10000, s26;
	s6 =	smul.u32 $0x2800, s6  }
0xc: {  	s12 =	ssub.s32 s9, s10;
	s5 =	sadd.s32 s25, s1;
	s15 =	sadd.s32 s18, s26  }
0xd: {  	s20 =	sadd.s32 s18, s17;
	s21 =	sadd.s32 s18, s19;
	s23 =	sadd.s32 s19, s1  }
0xe: {  	s24 =	sadd.s32 s18, s7;
	s16 =	sshrl.u32 s15, $0x3;
	s11 =	smax.u32 s12, $0x1  }
0xf: {  	s12 =	sadd.s32 $0x4000, s5;
	s15 =	sadd.s32 $0x10000, s5;
	s6 =	sshrl.u32 s6, $0x3  }
0x10: {  	s19 =	sshrl.u32 s24, $0x3;
	s23 =	sshrl.u32 s23, $0x3;
	s13 =	sadd.s32 s8, s6  }
0x11: {  	s10 =	sadd.s32 s0, s16;
	s14 =	sadd.s32 s3, s6;
	[dreg:$0x4] =	wrdreg s13  }
0x12: {  	s19 =	sadd.s32 s0, s19;
	s6 =	sadd.s32 $0x280, s6;
	[dreg:$0x5] =	wrdreg s14  }
0x13: {  	s8 =	sadd.s32 s8, s6;
	s9 =	sadd.s32 s3, s6;
	s13 =	sadd.s32 $0x8000, s5  }
0x14: {  	s14 =	sadd.s32 $0xC000, s5;
	s6 =	sshrl.u32 s20, $0x3;
	s3 =	sadd.s32 s17, s1  }
0x15: {  	s20 =	sadd.s32 $0xC000, s26;
	s26 =	sadd.s32 s7, s1;
	[dreg:$0x6] =	wrdreg s8  }
0x16: {  	s16 =	sadd.s32 s0, s6;
	s6 =	sshrl.u32 s21, $0x3;
	s22 =	sadd.s32 s18, s20  }
0x17: {  	s25 =	sadd.s32 s20, s1;
	s20 =	simm.s32 $0x16800;
	s21 =	simm.s32 $0x3  }
0x18: {  	s17 =	sadd.s32 s0, s6;
	s6 =	sshrl.u32 s22, $0x3;
	s22 =	sshrl.u32 s3, $0x3  }
0x19: {  	s24 =	sshrl.u32 s25, $0x3;
	s25 =	sshrl.u32 s26, $0x3;
	s26 =	simm.s32 $0x1400  }
0x1a: {  	v0 =	vimm.f32 $0.0e+00;
	s3 =	simm.s32 $0x2780;
	s18 =	sadd.s32 s0, s6;
	s0 =	simm.s32 $0x2700  }
.LBB2_1:
0x1b: {  	s6 =	simm.s32 $0x0;
	s7 =	simm.s32 $0x200  }
.LBB2_2:
0x1c: {  	p0 =	sne.s32 s7, $0xFE00;
	[tilespmem:s6+$0x16870] =	vst v0  }
0x1d: {  	[tilespmem:s6+$0x16800] =	vst v0  }
0x1e: {  	[tilespmem:s6+$0x16810] =	vst v0  }
.Ltmp0:
0x1f: {  	[tilespmem:s6+$0x16820] =	vst v0;
	(pc) =	sbr.rel @p0 .LBB2_2-.Ltmp0, $4  }
0x20: {  	[tilespmem:s6+$0x16830] =	vst v0  }
0x21: {  	[tilespmem:s6+$0x16840] =	vst v0  }
0x22: {  	[tilespmem:s6+$0x16850] =	vst v0  }
0x23: {  	[tilespmem:s6+$0x16860] =	vst v0;
	s6 =	sshra.s32 s7, $0x2;
	s7 =	sadd.s32 $0x200, s7  }
0x24: {  	[tilespmem:s6+$0x16870] =	vst v0  }
0x25: {  	[tilespmem:s6+$0x16800] =	vst v0  }
0x26: {  	[tilespmem:s6+$0x16810] =	vst v0  }
0x27: {  	[tilespmem:s6+$0x16820] =	vst v0  }
0x28: {  	[tilespmem:s6+$0x16830] =	vst v0  }
0x29: {  	[tilespmem:s6+$0x16840] =	vst v0  }
0x2a: {  	[tilespmem:s6+$0x16850] =	vst v0  }
0x2b: {  	[tilespmem:s6+$0x16860] =	vst v0  }
0x2c: {  	[spmem:s5] =	stream.linear.scatter [tilespmem:s20], [sflag:$0x3], $0x4000, $0x38;
	[tilespmem:$0x1E800] =	vst v63  }
0x2d: {  	_ =	swait.ge [sflag:s21], $0x4000  }
0x2e: {  	[sflag:s21] =	ssyncset.done $0x0  }
0x2f: {  	[sflag:s21] =	ssyncadd.s32 $0xFFFFC000  }
0x30: {  	[spmem:s12] =	stream.linear.scatter [tilespmem:s20], [sflag:$0x3], $0x4000, $0x38;
	[tilespmem:$0x1E800] =	vst v63  }
0x31: {  	_ =	swait.ge [sflag:s21], $0x4000  }
0x32: {  	[sflag:s21] =	ssyncset.done $0x0  }
0x33: {  	[sflag:s21] =	ssyncadd.s32 $0xFFFFC000  }
0x34: {  	[spmem:s13] =	stream.linear.scatter [tilespmem:s20], [sflag:$0x3], $0x4000, $0x38;
	[tilespmem:$0x1E800] =	vst v63  }
0x35: {  	_ =	swait.ge [sflag:s21], $0x4000  }
0x36: {  	[sflag:s21] =	ssyncset.done $0x0  }
0x37: {  	[sflag:s21] =	ssyncadd.s32 $0xFFFFC000  }
0x38: {  	[spmem:s14] =	stream.linear.scatter [tilespmem:s20], [sflag:$0x3], $0x4000, $0x38;
	[tilespmem:$0x1E800] =	vst v63  }
0x39: {  	_ =	swait.ge [sflag:s21], $0x4000  }
0x3a: {  	[sflag:s21] =	ssyncset.done $0x0  }
0x3b: {  	[sflag:s21] =	ssyncadd.s32 $0xFFFFC000  }
0x3c: {  	[spmem:s15] =	stream.linear.scatter [tilespmem:s20], [sflag:$0x3], $0x4000, $0x38;
	[tilespmem:$0x1E800] =	vst v63  }
0x3d: {  	_ =	swait.ge [sflag:s21], $0x4000  }
0x3e: {  	[sflag:s21] =	ssyncset.done $0x0  }
0x3f: {  	[sflag:s21] =	ssyncadd.s32 $0xFFFFC000  }
0x40: {  	[bflag:$0x0] =	sbarrier.arrive $0xFFFF  }
0x41: {  	s6 =	simm.s32 $0x0;
	s7 =	rddreg [dreg:$0x4]  }
0x42: {  	[tilespmem:s6], [sflag:$0x3] =	stream.linear.gather [hbm4b:s7+s6], $0x1400, $0x38;
	[tilespmem:$0x1E800] =	vst v63  }
0x43: {  	_ =	swait.ge [sflag:s21], $0x1400  }
0x44: {  	[sflag:s21] =	ssyncset.done $0x0  }
0x45: {  	s8 =	rddreg [dreg:$0x5];
	[sflag:s21] =	ssyncadd.s32 $0xFFFFEC00  }
0x46: {  	[tilespmem:s26], [sflag:$0x3] =	stream.linear.gather [hbm4b:s8+s6], $0x1400, $0x38;
	[tilespmem:$0x1E800] =	vst v63  }
0x47: {  	_ =	swait.ge [sflag:s21], $0x1400  }
0x48: {  	[sflag:s21] =	ssyncset.done $0x0  }
0x49: {  	[sflag:s21] =	ssyncadd.s32 $0xFFFFEC00  }
0x4a: {  	[tilespmem:s20], [sflag:$0x1] =	stream.indirect.gather [hbm4b:s4+s28], $0x80, s6, s28, $0xb8;
	[tilespmem:$0x1E800] =	vst v63  }
0x4b: {  	_ = 	snop  }
0x4c: {  	[tilespmem:s29], [sflag:$0x2] =	stream.indirect.gather [hbm4b:s4+s28], $0x80, s28, s28, $0xb8;
	[tilespmem:$0x1E800] =	vst v63  }
0x4d: {  	_ =	swait.ge [sflag:s30], $0x4000  }
0x4e: {  	[sflag:s30] =	ssyncset.done $0x0  }
0x4f: {  	s8 =	simm.s32 $0x1400;
	[sflag:s30] =	ssyncadd.s32 $0xFFFFC000  }
0x50: {  	[spmem:s1] =	stream.indirect.scatter.add.f32 [tilespmem:s20], [sflag:$0x3], $0x80, s8, s28, $0xb8;
	[tilespmem:$0x1E800] =	vst v63  }
0x51: {  	_ =	swait.ge [sflag:s21], $0x4000  }
0x52: {  	[sflag:s21] =	ssyncset.done $0x0  }
0x53: {  	s7 =	simm.s32 $0x100;
	[sflag:s21] =	ssyncadd.s32 $0xFFFFC000  }
0x54: {  	[tilespmem:s20], [sflag:$0x1] =	stream.indirect.gather [hbm4b:s4+s28], $0x80, s7, s28, $0xb8;
	[tilespmem:$0x1E800] =	vst v63  }
0x55: {  	_ =	swait.ge [sflag:s31], $0x4000  }
0x56: {  	[sflag:s31] =	ssyncset.done $0x0  }
0x57: {  	s8 =	simm.s32 $0x1480;
	[sflag:s31] =	ssyncadd.s32 $0xFFFFC000  }
0x58: {  	[spmem:s1] =	stream.indirect.scatter.add.f32 [tilespmem:s29], [sflag:$0x3], $0x80, s8, s28, $0xb8;
	[tilespmem:$0x1E800] =	vst v63  }
0x59: {  	_ =	swait.ge [sflag:s21], $0x4000  }
0x5a: {  	[sflag:s21] =	ssyncset.done $0x0  }
0x5b: {  	s6 =	simm.s32 $0x400;
	s7 =	simm.s32 $0x180;
	[sflag:s21] =	ssyncadd.s32 $0xFFFFC000  }
.LBB2_4:
0x5c: {  	[tilespmem:s29], [sflag:$0x2] =	stream.indirect.gather [hbm4b:s4+s28], $0x80, s7, s28, $0xb8;
	[tilespmem:$0x1E800] =	vst v63  }
0x5d: {  	s7 =	smov.u32 s6  }
0x5e: {  	p0 =	sne.s32 s6, $0x4800;
	s6 =	sadd.s32 $0x400, s6;
	_ =	swait.ge [sflag:s30], $0x4000  }
0x5f: {  	s7 =	sshra.s32 s7, $0x2;
	[sflag:s30] =	ssyncset.done $0x0  }
0x60: {  	s8 =	sadd.s32 $0x1400, s7;
	[sflag:s30] =	ssyncadd.s32 $0xFFFFC000  }
0x61: {  	[spmem:s1] =	stream.indirect.scatter.add.f32 [tilespmem:s20], [sflag:$0x3], $0x80, s8, s28, $0xb8;
	[tilespmem:$0x1E800] =	vst v63  }
0x62: {  	_ =	swait.ge [sflag:s21], $0x4000  }
0x63: {  	[sflag:s21] =	ssyncset.done $0x0  }
0x64: {  	s8 =	sadd.s32 $0x100, s7;
	[sflag:s21] =	ssyncadd.s32 $0xFFFFC000  }
0x65: {  	[tilespmem:s20], [sflag:$0x1] =	stream.indirect.gather [hbm4b:s4+s28], $0x80, s8, s28, $0xb8;
	[tilespmem:$0x1E800] =	vst v63  }
0x66: {  	_ =	swait.ge [sflag:s31], $0x4000  }
0x67: {  	[sflag:s31] =	ssyncset.done $0x0  }
.Ltmp1:
0x68: {  	s8 =	sadd.s32 $0x1480, s7;
	[sflag:s31] =	ssyncadd.s32 $0xFFFFC000;
	(pc) =	sbr.rel @p0 .LBB2_4-.Ltmp1, $4  }
0x69: {  	[spmem:s1] =	stream.indirect.scatter.add.f32 [tilespmem:s29], [sflag:$0x3], $0x80, s8, s28, $0xb8;
	[tilespmem:$0x1E800] =	vst v63  }
0x6a: {  	_ =	swait.ge [sflag:s21], $0x4000  }
0x6b: {  	[sflag:s21] =	ssyncset.done $0x0  }
0x6c: {  	s7 =	sadd.s32 $0x180, s7;
	[sflag:s21] =	ssyncadd.s32 $0xFFFFC000  }
0x6d: {  	[tilespmem:s29], [sflag:$0x2] =	stream.indirect.gather [hbm4b:s4+s28], $0x80, s7, s28, $0xb8;
	[tilespmem:$0x1E800] =	vst v63  }
0x6e: {  	_ =	swait.ge [sflag:s30], $0x4000  }
0x6f: {  	[sflag:s30] =	ssyncset.done $0x0  }
0x70: {  	[sflag:s30] =	ssyncadd.s32 $0xFFFFC000  }
0x71: {  	[spmem:s1] =	stream.indirect.scatter.add.f32 [tilespmem:s20], [sflag:$0x3], $0x80, s0, s28, $0xb8;
	[tilespmem:$0x1E800] =	vst v63  }
0x72: {  	_ =	swait.ge [sflag:s21], $0x4000  }
0x73: {  	[sflag:s21] =	ssyncset.done $0x0  }
0x74: {  	[sflag:s21] =	ssyncadd.s32 $0xFFFFC000  }
0x75: {  	_ =	swait.ge [sflag:s31], $0x4000  }
0x76: {  	[sflag:s31] =	ssyncset.done $0x0  }
0x77: {  	[sflag:s31] =	ssyncadd.s32 $0xFFFFC000  }
0x78: {  	[spmem:s1] =	stream.indirect.scatter.add.f32 [tilespmem:s29], [sflag:$0x3], $0x80, s3, s28, $0xb8;
	[tilespmem:$0x1E800] =	vst v63  }
0x79: {  	_ =	swait.ge [sflag:s21], $0x4000  }
0x7a: {  	[sflag:s21] =	ssyncset.done $0x0  }
0x7b: {  	s6 =	simm.s32 $0x0;
	s8 =	rddreg [dreg:$0x6];
	[sflag:s21] =	ssyncadd.s32 $0xFFFFC000  }
0x7c: {  	[tilespmem:s6], [sflag:$0x3] =	stream.linear.gather [hbm4b:s8+s6], $0x1400, $0x38;
	[tilespmem:$0x1E800] =	vst v63  }
0x7d: {  	_ =	swait.ge [sflag:s21], $0x1400  }
0x7e: {  	[sflag:s21] =	ssyncset.done $0x0  }
0x7f: {  	[sflag:s21] =	ssyncadd.s32 $0xFFFFEC00  }
0x80: {  	[tilespmem:s26], [sflag:$0x3] =	stream.linear.gather [hbm4b:s9+s6], $0x1400, $0x38;
	[tilespmem:$0x1E800] =	vst v63  }
0x81: {  	_ =	swait.ge [sflag:s21], $0x1400  }
0x82: {  	[sflag:s21] =	ssyncset.done $0x0  }
0x83: {  	[sflag:s21] =	ssyncadd.s32 $0xFFFFEC00  }
0x84: {  	[tilespmem:s20], [sflag:$0x1] =	stream.indirect.gather [hbm4b:s4+s28], $0x80, s6, s28, $0xb8;
	[tilespmem:$0x1E800] =	vst v63  }
0x85: {  	_ = 	snop  }
0x86: {  	[tilespmem:s29], [sflag:$0x2] =	stream.indirect.gather [hbm4b:s4+s28], $0x80, s28, s28, $0xb8;
	[tilespmem:$0x1E800] =	vst v63  }
0x87: {  	_ =	swait.ge [sflag:s30], $0x4000  }
0x88: {  	[sflag:s30] =	ssyncset.done $0x0  }
0x89: {  	s8 =	simm.s32 $0x1400;
	[sflag:s30] =	ssyncadd.s32 $0xFFFFC000  }
0x8a: {  	[spmem:s1] =	stream.indirect.scatter.add.f32 [tilespmem:s20], [sflag:$0x3], $0x80, s8, s28, $0xb8;
	[tilespmem:$0x1E800] =	vst v63  }
0x8b: {  	_ =	swait.ge [sflag:s21], $0x4000  }
0x8c: {  	[sflag:s21] =	ssyncset.done $0x0  }
0x8d: {  	s7 =	simm.s32 $0x100;
	[sflag:s21] =	ssyncadd.s32 $0xFFFFC000  }
0x8e: {  	[tilespmem:s20], [sflag:$0x1] =	stream.indirect.gather [hbm4b:s4+s28], $0x80, s7, s28, $0xb8;
	[tilespmem:$0x1E800] =	vst v63  }
0x8f: {  	_ =	swait.ge [sflag:s31], $0x4000  }
0x90: {  	[sflag:s31] =	ssyncset.done $0x0  }
0x91: {  	s8 =	simm.s32 $0x1480;
	[sflag:s31] =	ssyncadd.s32 $0xFFFFC000  }
0x92: {  	[spmem:s1] =	stream.indirect.scatter.add.f32 [tilespmem:s29], [sflag:$0x3], $0x80, s8, s28, $0xb8;
	[tilespmem:$0x1E800] =	vst v63  }
0x93: {  	_ =	swait.ge [sflag:s21], $0x4000  }
0x94: {  	[sflag:s21] =	ssyncset.done $0x0  }
0x95: {  	s6 =	simm.s32 $0x400;
	s7 =	simm.s32 $0x180;
	[sflag:s21] =	ssyncadd.s32 $0xFFFFC000  }
.LBB2_6:
0x96: {  	[tilespmem:s29], [sflag:$0x2] =	stream.indirect.gather [hbm4b:s4+s28], $0x80, s7, s28, $0xb8;
	[tilespmem:$0x1E800] =	vst v63  }
0x97: {  	s7 =	smov.u32 s6  }
0x98: {  	p0 =	sne.s32 s6, $0x4800;
	s6 =	sadd.s32 $0x400, s6;
	_ =	swait.ge [sflag:s30], $0x4000  }
0x99: {  	s7 =	sshra.s32 s7, $0x2;
	[sflag:s30] =	ssyncset.done $0x0  }
0x9a: {  	s8 =	sadd.s32 $0x1400, s7;
	[sflag:s30] =	ssyncadd.s32 $0xFFFFC000  }
0x9b: {  	[spmem:s1] =	stream.indirect.scatter.add.f32 [tilespmem:s20], [sflag:$0x3], $0x80, s8, s28, $0xb8;
	[tilespmem:$0x1E800] =	vst v63  }
0x9c: {  	_ =	swait.ge [sflag:s21], $0x4000  }
0x9d: {  	[sflag:s21] =	ssyncset.done $0x0  }
0x9e: {  	s8 =	sadd.s32 $0x100, s7;
	[sflag:s21] =	ssyncadd.s32 $0xFFFFC000  }
0x9f: {  	[tilespmem:s20], [sflag:$0x1] =	stream.indirect.gather [hbm4b:s4+s28], $0x80, s8, s28, $0xb8;
	[tilespmem:$0x1E800] =	vst v63  }
0xa0: {  	_ =	swait.ge [sflag:s31], $0x4000  }
0xa1: {  	[sflag:s31] =	ssyncset.done $0x0  }
.Ltmp2:
0xa2: {  	s8 =	sadd.s32 $0x1480, s7;
	[sflag:s31] =	ssyncadd.s32 $0xFFFFC000;
	(pc) =	sbr.rel @p0 .LBB2_6-.Ltmp2, $4  }
0xa3: {  	[spmem:s1] =	stream.indirect.scatter.add.f32 [tilespmem:s29], [sflag:$0x3], $0x80, s8, s28, $0xb8;
	[tilespmem:$0x1E800] =	vst v63  }
0xa4: {  	_ =	swait.ge [sflag:s21], $0x4000  }
0xa5: {  	[sflag:s21] =	ssyncset.done $0x0  }
0xa6: {  	s7 =	sadd.s32 $0x180, s7;
	[sflag:s21] =	ssyncadd.s32 $0xFFFFC000  }
0xa7: {  	[tilespmem:s29], [sflag:$0x2] =	stream.indirect.gather [hbm4b:s4+s28], $0x80, s7, s28, $0xb8;
	[tilespmem:$0x1E800] =	vst v63  }
0xa8: {  	_ =	swait.ge [sflag:s30], $0x4000  }
0xa9: {  	[sflag:s30] =	ssyncset.done $0x0  }
0xaa: {  	[sflag:s30] =	ssyncadd.s32 $0xFFFFC000  }
0xab: {  	[spmem:s1] =	stream.indirect.scatter.add.f32 [tilespmem:s20], [sflag:$0x3], $0x80, s0, s28, $0xb8;
	[tilespmem:$0x1E800] =	vst v63  }
0xac: {  	_ =	swait.ge [sflag:s21], $0x4000  }
0xad: {  	[sflag:s21] =	ssyncset.done $0x0  }
0xae: {  	[sflag:s21] =	ssyncadd.s32 $0xFFFFC000  }
0xaf: {  	_ =	swait.ge [sflag:s31], $0x4000  }
0xb0: {  	[sflag:s31] =	ssyncset.done $0x0  }
0xb1: {  	[sflag:s31] =	ssyncadd.s32 $0xFFFFC000  }
0xb2: {  	[spmem:s1] =	stream.indirect.scatter.add.f32 [tilespmem:s29], [sflag:$0x3], $0x80, s3, s28, $0xb8;
	[tilespmem:$0x1E800] =	vst v63  }
0xb3: {  	_ =	swait.ge [sflag:s21], $0x4000  }
0xb4: {  	s6 =	stileid.u32;
	[sflag:s21] =	ssyncset.done $0x0  }
0xb5: {  	s6 =	sshll.u32 s6, $0x6;
	[sflag:s21] =	ssyncadd.s32 $0xFFFFC000  }
0xb6: {  	s8 =	sshrl.u32 s5, $0x3;
	s6 =	sor.u32 $0x1C03, s6;
	[bflag:$0x0] =	sbarrier.arrive $0xFFFF  }
0xb7: {  	[hbm:s10], [sflag:s6] =	dma.local [spmem:s8], $0x800  }
0xb8: {  	_ =	swait.ge [sflag:s21], $0x800  }
0xb9: {  	[sflag:s21] =	ssyncset.done $0x0  }
0xba: {  	[sflag:s21] =	ssyncadd.s32 $0xFFFFF800  }
0xbb: {  	[hbm:s16], [sflag:s6] =	dma.local [spmem:s22], $0x800  }
0xbc: {  	_ =	swait.ge [sflag:s21], $0x800  }
0xbd: {  	[sflag:s21] =	ssyncset.done $0x0  }
0xbe: {  	[sflag:s21] =	ssyncadd.s32 $0xFFFFF800  }
0xbf: {  	[hbm:s17], [sflag:s6] =	dma.local [spmem:s23], $0x800  }
0xc0: {  	_ =	swait.ge [sflag:s21], $0x800  }
0xc1: {  	[sflag:s21] =	ssyncset.done $0x0  }
0xc2: {  	[sflag:s21] =	ssyncadd.s32 $0xFFFFF800  }
0xc3: {  	[hbm:s18], [sflag:s6] =	dma.local [spmem:s24], $0x800  }
0xc4: {  	s2 =	sadd.s32 $0x1, s2;
	_ =	swait.ge [sflag:s21], $0x800  }
0xc5: {  	p0 =	sne.s32 s2, s11;
	[sflag:s21] =	ssyncset.done $0x0  }
.Ltmp3:
0xc6: {  	[sflag:s21] =	ssyncadd.s32 $0xFFFFF800;
	(pc) =	sbr.rel @p0 .LBB2_1-.Ltmp3, $4  }
0xc7: {  	[hbm:s19], [sflag:s6] =	dma.local [spmem:s25], $0x800  }
0xc8: {  	_ =	swait.ge [sflag:s21], $0x800  }
0xc9: {  	[sflag:s21] =	ssyncset.done $0x0  }
0xca: {  	[sflag:s21] =	ssyncadd.s32 $0xFFFFF800  }
0xcb: {  	_ =	sfence.sel $0x180000  }
0xcc: {  	[bflag:$0x0] =	sbarrier.arrive $0xFFFF  }
0xcd: {  	_ =	strace $0x9000004D  }
0xce: {  	s0 =	stileid.u32;
	[bflag:$0x2] =	sbarrier.arrive $0xFFFF  }
0xcf: {  	p0 =	sne.s32 s0, $0x0;
	s0 =	rddreg [dreg:$0x3]  }
0xd0: {  	s0 =	sadd.s32 @!p0 $0x100000, s0  }
0xd1: {  	[sflag:s0] =	ssyncadd.tile.s32 @!p0 $0x1;
	_ =	shalt  }
.Lfunc_end2:
_tile_overlayer_lowered:
.L_overlay_start_2:
0xd2: {  	(tag) =	ssettag $0x2  }
0xd3: {  	s0 =	rddreg [dreg:$0x0];
	s2 =	stileid.u32  }
0xd4: {  	s1 =	rddreg [dreg:$0x1];
	p0 =	sne.s32 s2, $0x0  }
0xd5: {  	s3 =	rddreg [dreg:$0x2];
	[bflag:$0x3] =	sbarrier.arrive $0xFFFF;
	s2 =	simm.s32 @!p0 $0x1C03  }
0xd6: {  	[timem:s3], [sflag:s2] =	dma.local @!p0 [hbm:s0], s1  }
0xd7: {  	s0 =	simm.s32 @!p0 $0x3  }
0xd8: {  	_ =	swait.ge @!p0 [sflag:s0], s1  }
0xd9: {  	s1 =	ssub.s32 @!p0 $0x0, s1;
	[sflag:s0] =	ssyncset.done @!p0 $0x0  }
0xda: {  	[sflag:s0] =	ssyncadd.s32 @!p0 s1  }
0xdb: {  	[bflag:$0x3] =	sbarrier.arrive $0xFFFF  }
0xdc: {  	_ =	shalt  }

// kernel: kernel.8.cloned.1.call-start
scs
__scs_entry_jumppad:
0x0: {  	(pc) =	sbr.rel $0x88, $3  }
0x1: {  	(tag) =	ssettag $0x0;
	lr =	simm.s32 $0x1  }
0x2: {  	[smem:$0x3F9B] =	sst lr;
	_ =	strace $0xD0000000  }
0x3: {  	_ = 	snop  }
0x4: {  	_ = 	snop  }
0x5: {  	_ = 	snop  }
0x6: {  	_ = 	snop  }
0x7: {  	_ = 	snop  }
__scs_overlays_trampoline_lowered:
0x8: {  	[smem:$0x3FAA] =	sst s0  }
0x9: {  	[smem:$0x3FAB] =	sst s1  }
0xa: {  	[smem:$0x3FAC] =	sst s2  }
0xb: {  	[smem:$0x3FAD] =	sst s3  }
0xc: {  	[smem:$0x3FAE] =	sst s4  }
0xd: {  	[smem:$0x3FAF] =	sst s5  }
0xe: {  	[smem:$0x3FB0] =	sst s6  }
0xf: {  	[smem:$0x3FB1] =	sst s7  }
0x10: {  	[smem:$0x3FB2] =	sst s8  }
0x11: {  	[smem:$0x3FB3] =	sst s9;
	s0 =	simm.s32 @!p0 $0x0  }
0x12: {  	s1 =	sld [smem:$0x3F99];
	s0 =	simm.s32 @p0 $0x1  }
0x13: {  	[smem:$0x3FB4] =	sst s0;
	s0 =	simm.s32 @!p1 $0x0  }
0x14: {  	s2 =	sld [smem:$0x3F98];
	s0 =	simm.s32 @p1 $0x1  }
0x15: {  	[smem:$0x3FB5] =	sst s0;
	s0 =	simm.s32 @!p2 $0x0  }
0x16: {  	s3 =	sld [smem:$0x3FDB];
	s0 =	simm.s32 @p2 $0x1  }
0x17: {  	s4 =	simm.s32 $0x1BF5;
	[smem:$0x3FB7] =	sst s0  }
0x18: {  	s0 =	sld [smem:$0x3F9A];
	_ =	swait.ge [sflag:s4], $0x0  }
0x19: {  	s7 =	sld [smem:$0x3F9B]  }
0x1a: {  	s8 =	sadd.s32 $0xFFFFE003, lr  }
0x1b: {  	s9 =	sadd.s32 $0xFFFFFEF7, lr;
	s5 =	simm.s32 $0xFFFFFFFF;
	p2 =	slt.u32 s8, $0xFFFFF086  }
0x1c: {  	p1 =	slt.u32 s9, $0xF7A;
	s5 =	simm.s32 @!p2 $0x0  }
0x1d: {  	s5 =	simm.s32 @p1 $0x1;
	p0 =	seq.s32 s7, s2  }
0x1e: {  	s7 =	smul.u32 @!p0 $0xF7A, s2;
	p2 =	seq.s32 @!p0 s5, $0x0  }
0x1f: {  	s9 =	smul.u32 $0xF7A, s1;
	s8 =	simm.s32 @!p0 $0x1BF5;
	p2 =	por !p2, p0  }
0x20: {  	[sflag:s8] =	ssyncset.s32 @!p0 $0xFFFFF086;
	s6 =	sadd.s32 @!p0 s3, s7;
	s7 =	simm.s32 @!p0 $0x108  }
0x21: {  	s3 =	sadd.s32 s3, s9;
	s6 =	sadd.s32 @!p0 $0x88, s6;
	s7 =	simm.s32 @p2 $0x1082  }
0x22: {  	[simem:s7], [sflag:s8] =	dma.local @!p0 [hbm:s6], $0xF7A  }
0x23: {  	s9 =	sor.u32 $0xD0000000, s2;
	s6 =	simm.s32 $0x108;
	_ =	swait.ge @!p0 [sflag:s8], $0x0  }
0x24: {  	s3 =	sadd.s32 $0x88, s3;
	s6 =	simm.s32 @!p1 $0x1082;
	[sflag:s4] =	ssyncset.s32 $0xFFFFF086  }
0x25: {  	[simem:s6], [sflag:s4] =	dma.local [hbm:s3], $0xF7A  }
0x26: {  	[smem:$0x3F9B] =	sst s1;
	(tag) =	ssettag s2;
	_ =	strace s9  }
0x27: {  	s1 =	sld [smem:$0x3FAB]  }
0x28: {  	s2 =	sld [smem:$0x3FAC]  }
0x29: {  	s4 =	sld [smem:$0x3FAE]  }
0x2a: {  	p0 =	seq.s32 s5, $0x0;
	s5 =	sld [smem:$0x3FAF]  }
0x2b: {  	s6 =	sld [smem:$0x3FB0]  }
0x2c: {  	s7 =	sld [smem:$0x3FB1]  }
0x2d: {  	s3 =	simm.s32 $0x108;
	s8 =	sld [smem:$0x3FB2]  }
0x2e: {  	s3 =	simm.s32 @!p0 $0x1082;
	s9 =	sld [smem:$0x3FB3]  }
0x2f: {  	lr =	sadd.s32 s0, s3;
	s0 =	sld [smem:$0x3FAA]  }
0x30: {  	s3 =	sld [smem:$0x3FAD]  }
0x31: {  	[smem:$0x3FB6] =	sst s10  }
0x32: {  	s10 =	sld [smem:$0x3FB4];
	_ =	sdelay $0x3  }
0x33: {  	p0 =	seq.s32 s10, $0x1;
	s10 =	sld [smem:$0x3FB6];
	_ =	sdelay $0x3  }
0x34: {  	[smem:$0x3FB6] =	sst s10  }
0x35: {  	s10 =	sld [smem:$0x3FB5];
	_ =	sdelay $0x3  }
0x36: {  	p1 =	seq.s32 s10, $0x1;
	s10 =	sld [smem:$0x3FB6];
	_ =	sdelay $0x3  }
0x37: {  	[smem:$0x3FB6] =	sst s10  }
0x38: {  	s10 =	sld [smem:$0x3FB7]  }
0x39: {  	_ = 	snop;
	(pc) =	sbr.ind lr, $3  }
0x3a: {  	_ = 	snop  }
0x3b: {  	_ = 	snop  }
0x3c: {  	p2 =	seq.s32 s10, $0x1;
	s10 =	sld [smem:$0x3FB6]  }
0x3d: {  	_ =	shalt  }
0x3e: {  	_ =	shalt  }
0x3f: {  	_ =	shalt  }
0x40: {  	_ =	shalt  }
0x41: {  	_ =	shalt  }
0x42: {  	_ =	shalt  }
0x43: {  	_ =	shalt  }
0x44: {  	_ =	shalt  }
0x45: {  	_ =	shalt  }
0x46: {  	_ =	shalt  }
0x47: {  	_ =	shalt  }
0x48: {  	_ =	shalt  }
0x49: {  	_ =	shalt  }
0x4a: {  	_ =	shalt  }
0x4b: {  	_ =	shalt  }
0x4c: {  	_ =	shalt  }
0x4d: {  	_ =	shalt  }
0x4e: {  	_ =	shalt  }
0x4f: {  	_ =	shalt  }
0x50: {  	_ =	shalt  }
0x51: {  	_ =	shalt  }
0x52: {  	_ =	shalt  }
0x53: {  	_ =	shalt  }
0x54: {  	_ =	shalt  }
0x55: {  	_ =	shalt  }
0x56: {  	_ =	shalt  }
0x57: {  	_ =	shalt  }
0x58: {  	_ =	shalt  }
0x59: {  	_ =	shalt  }
0x5a: {  	_ =	shalt  }
0x5b: {  	_ =	shalt  }
0x5c: {  	_ =	shalt  }
0x5d: {  	_ =	shalt  }
0x5e: {  	_ =	shalt  }
0x5f: {  	_ =	shalt  }
0x60: {  	_ =	shalt  }
0x61: {  	_ =	shalt  }
0x62: {  	_ =	shalt  }
0x63: {  	_ =	shalt  }
0x64: {  	_ =	shalt  }
0x65: {  	_ =	shalt  }
0x66: {  	_ =	shalt  }
0x67: {  	_ =	shalt  }
0x68: {  	_ =	shalt  }
0x69: {  	_ =	shalt  }
0x6a: {  	_ =	shalt  }
0x6b: {  	_ =	shalt  }
0x6c: {  	_ =	shalt  }
0x6d: {  	_ =	shalt  }
0x6e: {  	_ =	shalt  }
0x6f: {  	_ =	shalt  }
0x70: {  	_ =	shalt  }
0x71: {  	_ =	shalt  }
0x72: {  	_ =	shalt  }
0x73: {  	_ =	shalt  }
0x74: {  	_ =	shalt  }
0x75: {  	_ =	shalt  }
0x76: {  	_ =	shalt  }
0x77: {  	_ =	shalt  }
0x78: {  	_ =	shalt  }
0x79: {  	_ =	shalt  }
0x7a: {  	_ =	shalt  }
0x7b: {  	_ =	shalt  }
0x7c: {  	_ =	shalt  }
0x7d: {  	_ =	shalt  }
0x7e: {  	_ =	shalt  }
0x7f: {  	_ =	shalt  }
0x80: {  	_ =	shalt  }
0x81: {  	_ =	shalt  }
0x82: {  	_ =	shalt  }
0x83: {  	_ =	shalt  }
0x84: {  	_ =	shalt  }
0x85: {  	_ =	shalt  }
0x86: {  	_ =	shalt  }
0x87: {  	_ =	shalt  }
.Lfunc_end0:
.L_simem_size_0:
called_computation_lowered:
.L_overlay_start_0:
0x88: {  	s2 =	sld [smem:$0x3FD9]  }
0x89: {  	s3 =	sld [smem:$0x3FFE];
	_ =	sdelay $0x1  }
0x8a: {  	s1 =	srdreg.scid  }
0x8b: {  	s0 =	sand.u32 $0x1, s1  }
0x8c: {  	s17 =	sshll.u32 s0, $0xA;
	s2 =	sadd.s32 s3, s2  }
0x8d: {  	s2 =	sadd.s32 s2, s17  }
0x8e: {  	[smem:$0x3FC2] =	sst s2  }
0x8f: {  	_ = 	snop  }
0x90: {  	s2 =	sld [smem:$0x3FD0];
	(tm) =	ssettm $0x1  }
0x91: {  	s18 =	sld [smem:$0x3FFB];
	_ =	sdelay $0x3  }
0x92: {  	_ =	strace s18  }
0x93: {  	s3 =	sld [smem:$0x3FFC];
	_ =	sdelay $0x3  }
0x94: {  	_ =	strace s3  }
0x95: {  	s3 =	sld [smem:$0x3FFD];
	_ =	sdelay $0x3  }
0x96: {  	_ =	strace s3  }
0x97: {  	_ =	strace $0x8FFFFFFF  }
0x98: {  	s19 =	sld [smem:$0x3FDB];
	_ =	sdelay $0x1  }
0x99: {  	s4 =	simm.s32 $_scs_section_size  }
0x9a: {  	s5 =	simm.s32 $_size__tile_overlayer_lowered;
	s6 =	simm.s32 $_tile_overlayer_lowered  }
0x9b: {  	s22 =	simm.s32 $0x1BFF;
	s21 =	sshll.u32 s6, $0x1;
	s3 =	sadd.s32 s4, s19  }
0x9c: {  	s7 =	simm.s32 $0x0;
	s20 =	sshll.u32 s5, $0x1;
	s5 =	sadd.s32 s21, s3  }
0x9d: {  	[timem:s7], [sflag:s22] =	dma.local [hbm:s5], s20  }
0x9e: {  	_ =	swait.ge [sflag:s22], s20  }
0x9f: {  	s4 =	ssub.s32 $0x0, s20;
	[sflag:s22] =	ssyncset.done $0x0  }
0xa0: {  	[sflag:s22] =	ssyncadd.s32 s4;
	_ =	sdelay $0x1  }
0xa1: {  	s23 =	simm.s32 $0x1B8B  }
0xa2: {  	_ =	swait.ge [sflag:s23], $0x1  }
0xa3: {  	[sflag:s23] =	ssyncset.done $0x0  }
0xa4: {  	s25 =	simm.s32 $0x1B8E;
	s24 =	sld [smem:$0x3FFE];
	[sflag:s23] =	ssyncadd.s32 $0xFFFFFFFF  }
0xa5: {  	s26 =	simm.s32 $execute0_lowered;
	[smem:$0x3FD2] =	sst s25  }
0xa6: {  	s5 =	sshll.u32 s26, $0x1;
	_ =	strace $0x80000046;
	[dreg:$0x1] =	wrdreg $0xFFFFFFFF  }
0xa7: {  	s28 =	simm.s32 $_size_execute0_lowered;
	s3 =	sadd.s32 s3, s5;
	[dreg:$0x0] =	wrdreg $0x0  }
0xa8: {  	s5 =	sshll.u32 s28, $0x1;
	[dreg:$0x2] =	wrdreg s3  }
0xa9: {  	[dreg:$0x3] =	wrdreg s5  }
0xaa: {  	[dreg:$0x4] =	wrdreg $0xC0  }
0xab: {  	_ =	task [dreg:s7], $0x5FFFF  }
0xac: {  	[dreg:$0x1] =	wrdreg $0xFFFFFFFF  }
0xad: {  	[dreg:$0x0] =	wrdreg $0x60  }
0xae: {  	[dreg:$0x2] =	wrdreg s2  }
0xaf: {  	[dreg:$0x3] =	wrdreg s24  }
0xb0: {  	[dreg:$0x4] =	wrdreg $0xA8000  }
0xb1: {  	[dreg:$0x5] =	wrdreg $0x9  }
0xb2: {  	_ =	task.clear_ibuf [dreg:s7], $0x6FFFF;
	_ =	strace $0x90000046  }
0xb3: {  	s29 =	simm.s32 $0x9;
	_ =	strace $0x80000048  }
0xb4: {  	_ =	swait.ge [sflag:s29], $0x1  }
0xb5: {  	[sflag:s29] =	ssyncadd.s32 $0xFFFFFFFF  }
0xb6: {  	_ =	strace $0x90000048  }
0xb7: {  	_ =	sfence  }
0xb8: {  	s30 =	sld [smem:$0x0];
	_ =	sdelay $0x2  }
0xb9: {  	s31 =	sshll.u32 s1, $0xD;
	s1 =	sshrl.u32 s1, $0x2  }
0xba: {  	s3 =	sand.u32 $0x4000, s31;
	s1 =	sadd.s32 s1, s30  }
0xbb: {  	s0 =	sor.u32 s3, s0;
	s1 =	sshll.u32 s1, $0x11  }
0xbc: {  	s0 =	sor.u32 s1, s0  }
0xbd: {  	s0 =	sadd.s32 $0x8F2B, s0  }
0xbe: {  	[sflag:s0] =	ssyncadd.remote.s32 $0x1  }
0xbf: {  	_ =	sfence.sel $0xFFFF  }
0xc0: {  	[dreg:$0x0] =	wrdreg $0xFFFFFFFF;
	(pc) =	sbr.abs _section_cstart, $3  }
0xc1: {  	[dreg:$0x1] =	wrdreg $0xFFFFFFFF  }
0xc2: {  	_ =	task.clear_ibuf [dreg:s7], $0x2FFFF;
	_ =	strace $0x9FFFFFFF  }
0xc3: {  	(tm) =	ssettm $0x7FFFFFFF  }
tec
execute0_lowered:
.L_overlay_start_1:
0x0: {  	(tag) =	ssettag $0x1  }
0x1: {  	s5 =	rddreg [dreg:$0x0]  }
0x2: {  	s4 =	rddreg [dreg:$0x1]  }
0x3: {  	s1 =	rddreg [dreg:$0x2]  }
0x4: {  	s0 =	rddreg [dreg:$0x3];
	s2 =	simm.s32 $0x0;
	s3 =	srdreg.scid  }
0x5: {  	[smem:$0x7FF] =	sst s2;
	s6 =	sand.u32 $0x1, s3  }
0x6: {  	s3 =	stileid.u32;
	s15 =	sadd.s32 $0x1E00, s4;
	s14 =	smul.u32 $0x140000, s6  }
0x7: {  	_ =	strace $0x80000047;
	s24 =	sshll.u32 s6, $0x4;
	s13 =	smul.u32 $0x14000, s3  }
0x8: {  	s6 =	ssub.s32 $0x2, s6;
	s7 =	smul.u32 $0x50000, s3;
	s4 =	sor.u32 s3, s24  }
0x9: {  	s8 =	sshrl.u32 s6, $0x1;
	s9 =	smul.u32 $0x500, s4;
	s25 =	sadd.s32 s14, s13  }
0xa: {  	s8 =	ssub.s32 s6, s8;
	s26 =	sshrl.u32 s7, $0x2;
	s16 =	sadd.s32 $0x4000, s13  }
0xb: {  	s17 =	sadd.s32 $0x8000, s13;
	s18 =	sadd.s32 $0xC000, s13;
	s19 =	sadd.s32 $0x10000, s13  }
0xc: {  	s28 =	sshrl.u32 s25, $0x3;
	s4 =	sadd.s32 s26, s1;
	s7 =	smax.u32 s8, $0x1  }
0xd: {  	s12 =	sadd.s32 s14, s16;
	s20 =	sadd.s32 s16, s1;
	s29 =	sadd.s32 s14, s17  }
0xe: {  	s30 =	sadd.s32 s14, s18;
	s14 =	sadd.s32 s14, s19;
	s21 =	sadd.s32 s17, s1  }
0xf: {  	s22 =	sadd.s32 s18, s1;
	s23 =	sadd.s32 s19, s1;
	s17 =	simm.s32 $0x1  }
0x10: {  	s18 =	simm.s32 $0x80;
	s19 =	simm.s32 $0x2800;
	s5 =	sadd.s32 s5, s9  }
0x11: {  	s6 =	sadd.s32 s15, s28;
	s8 =	sadd.s32 $0x4000, s4;
	s9 =	sadd.s32 $0x8000, s4  }
0x12: {  	s10 =	sadd.s32 $0xC000, s4;
	s11 =	sadd.s32 $0x10000, s4;
	s12 =	sshrl.u32 s12, $0x3  }
0x13: {  	s16 =	sshrl.u32 s29, $0x3;
	s31 =	sshrl.u32 s14, $0x3;
	s20 =	sshrl.u32 s20, $0x3  }
0x14: {  	s21 =	sshrl.u32 s21, $0x3;
	s22 =	sshrl.u32 s22, $0x3;
	s23 =	sshrl.u32 s23, $0x3  }
0x15: {  	s12 =	sadd.s32 s15, s12;
	s13 =	sadd.s32 s15, s16;
	s16 =	sshrl.u32 s30, $0x3  }
0x16: {  	v0 =	vimm.f32 $1.000000000e+00;
	v1 =	vimm.f32 $0.0e+00;
	s14 =	sadd.s32 s15, s16;
	s15 =	sadd.s32 s15, s31;
	s16 =	simm.s32 $0x6800  }
.LBB2_1:
0x17: {  	s24 =	simm.s32 $0x0;
	s25 =	simm.s32 $0x200  }
.LBB2_2:
0x18: {  	p0 =	sne.s32 s25, $0xFE00;
	[tilespmem:s24+$0x2870] =	vst v0  }
0x19: {  	[tilespmem:s24+$0x2800] =	vst v0  }
0x1a: {  	[tilespmem:s24+$0x2810] =	vst v0  }
.Ltmp0:
0x1b: {  	[tilespmem:s24+$0x2820] =	vst v0;
	(pc) =	sbr.rel @p0 .LBB2_2-.Ltmp0, $4  }
0x1c: {  	[tilespmem:s24+$0x2830] =	vst v0  }
0x1d: {  	[tilespmem:s24+$0x2840] =	vst v0  }
0x1e: {  	[tilespmem:s24+$0x2850] =	vst v0  }
0x1f: {  	[tilespmem:s24+$0x2860] =	vst v0;
	s24 =	sshra.s32 s25, $0x2;
	s25 =	sadd.s32 $0x200, s25  }
0x20: {  	[tilespmem:s24+$0x2870] =	vst v0  }
0x21: {  	[tilespmem:s24+$0x2800] =	vst v0  }
0x22: {  	[tilespmem:s24+$0x2810] =	vst v0  }
0x23: {  	[tilespmem:s24+$0x2820] =	vst v0  }
0x24: {  	[tilespmem:s24+$0x2830] =	vst v0  }
0x25: {  	[tilespmem:s24+$0x2840] =	vst v0  }
0x26: {  	[tilespmem:s24+$0x2850] =	vst v0  }
0x27: {  	[tilespmem:s24+$0x2860] =	vst v0;
	s24 =	simm.s32 $0x0;
	s25 =	simm.s32 $0x200  }
.LBB2_4:
0x28: {  	p0 =	sne.s32 s25, $0xFE00;
	[tilespmem:s24+$0x6870] =	vst v1  }
0x29: {  	[tilespmem:s24+$0x6800] =	vst v1  }
0x2a: {  	[tilespmem:s24+$0x6810] =	vst v1  }
.Ltmp1:
0x2b: {  	[tilespmem:s24+$0x6820] =	vst v1;
	(pc) =	sbr.rel @p0 .LBB2_4-.Ltmp1, $4  }
0x2c: {  	[tilespmem:s24+$0x6830] =	vst v1  }
0x2d: {  	[tilespmem:s24+$0x6840] =	vst v1  }
0x2e: {  	[tilespmem:s24+$0x6850] =	vst v1  }
0x2f: {  	[tilespmem:s24+$0x6860] =	vst v1;
	s24 =	sshra.s32 s25, $0x2;
	s25 =	sadd.s32 $0x200, s25  }
0x30: {  	[tilespmem:s24+$0x6870] =	vst v1  }
0x31: {  	[tilespmem:s24+$0x6800] =	vst v1  }
0x32: {  	[tilespmem:s24+$0x6810] =	vst v1  }
0x33: {  	[tilespmem:s24+$0x6820] =	vst v1  }
0x34: {  	[tilespmem:s24+$0x6830] =	vst v1  }
0x35: {  	[tilespmem:s24+$0x6840] =	vst v1  }
0x36: {  	[tilespmem:s24+$0x6850] =	vst v1  }
0x37: {  	[tilespmem:s24+$0x6860] =	vst v1  }
0x38: {  	[spmem:s4] =	stream.linear.scatter [tilespmem:s16], [sflag:$0x1], $0x4000, $0x38;
	[tilespmem:$0x1E800] =	vst v63  }
0x39: {  	_ =	swait.ge [sflag:s17], $0x4000  }
0x3a: {  	[sflag:s17] =	ssyncset.done $0x0  }
0x3b: {  	[sflag:s17] =	ssyncadd.s32 $0xFFFFC000  }
0x3c: {  	[spmem:s8] =	stream.linear.scatter [tilespmem:s16], [sflag:$0x1], $0x4000, $0x38;
	[tilespmem:$0x1E800] =	vst v63  }
0x3d: {  	_ =	swait.ge [sflag:s17], $0x4000  }
0x3e: {  	[sflag:s17] =	ssyncset.done $0x0  }
0x3f: {  	[sflag:s17] =	ssyncadd.s32 $0xFFFFC000  }
0x40: {  	[spmem:s9] =	stream.linear.scatter [tilespmem:s16], [sflag:$0x1], $0x4000, $0x38;
	[tilespmem:$0x1E800] =	vst v63  }
0x41: {  	_ =	swait.ge [sflag:s17], $0x4000  }
0x42: {  	[sflag:s17] =	ssyncset.done $0x0  }
0x43: {  	[sflag:s17] =	ssyncadd.s32 $0xFFFFC000  }
0x44: {  	[spmem:s10] =	stream.linear.scatter [tilespmem:s16], [sflag:$0x1], $0x4000, $0x38;
	[tilespmem:$0x1E800] =	vst v63  }
0x45: {  	_ =	swait.ge [sflag:s17], $0x4000  }
0x46: {  	[sflag:s17] =	ssyncset.done $0x0  }
0x47: {  	[sflag:s17] =	ssyncadd.s32 $0xFFFFC000  }
0x48: {  	[spmem:s11] =	stream.linear.scatter [tilespmem:s16], [sflag:$0x1], $0x4000, $0x38;
	[tilespmem:$0x1E800] =	vst v63  }
0x49: {  	_ =	swait.ge [sflag:s17], $0x4000  }
0x4a: {  	[sflag:s17] =	ssyncset.done $0x0  }
0x4b: {  	s30 =	simm.s32 $0x0;
	[sflag:s17] =	ssyncadd.s32 $0xFFFFC000  }
0x4c: {  	[tilespmem:s30], [sflag:$0x1] =	stream.linear.gather [hbm4b:s5+s30], $0x2800, $0x38;
	[tilespmem:$0x1E800] =	vst v63  }
0x4d: {  	_ =	swait.ge [sflag:s17], $0x2800  }
0x4e: {  	[sflag:s17] =	ssyncset.done $0x0  }
0x4f: {  	[sflag:s17] =	ssyncadd.s32 $0xFFFFD800  }
0x50: {  	s31 =	simm.s32 $0x0;
	[bflag:$0x0] =	sbarrier.arrive $0xFFFF  }
0x51: {  	[spmem:s1] =	stream.indirect.scatter.add.f32 [tilespmem:s19], [sflag:$0x1], $0x80, s31, s18, $0xb8;
	[tilespmem:$0x1E800] =	vst v63  }
0x52: {  	_ =	swait.ge [sflag:s17], $0x4000  }
0x53: {  	s24 =	simm.s32 $0x200;
	[sflag:s17] =	ssyncset.done $0x0  }
.LBB2_6:
0x54: {  	s25 =	sshra.s32 s24, $0x2;
	[sflag:s17] =	ssyncadd.s32 $0xFFFFC000;
	p0 =	sne.s32 s24, $0x9E00  }
0x55: {  	[spmem:s1] =	stream.indirect.scatter.add.f32 [tilespmem:s19], [sflag:$0x1], $0x80, s25, s18, $0xb8;
	[tilespmem:$0x1E800] =	vst v63  }
.Ltmp2:
0x56: {  	_ = 	snop;
	(pc) =	sbr.rel @p0 .LBB2_6-.Ltmp2, $4  }
0x57: {  	_ = 	snop  }
0x58: {  	s24 =	sadd.s32 $0x200, s24  }
0x59: {  	_ =	swait.ge [sflag:s17], $0x4000  }
0x5a: {  	[sflag:s17] =	ssyncset.done $0x0  }
0x5b: {  	[sflag:s17] =	ssyncadd.s32 $0xFFFFC000;
	s24 =	sshll.u32 s3, $0x6  }
0x5c: {  	s25 =	sshrl.u32 s4, $0x3;
	[bflag:$0x0] =	sbarrier.arrive $0xFFFF;
	s24 =	sor.u32 $0x1C01, s24  }
0x5d: {  	[hbm:s6], [sflag:s24] =	dma.local [spmem:s25], $0x800  }
0x5e: {  	_ =	swait.ge [sflag:s17], $0x800  }
0x5f: {  	[sflag:s17] =	ssyncset.done $0x0  }
0x60: {  	[sflag:s17] =	ssyncadd.s32 $0xFFFFF800  }
0x61: {  	[hbm:s12], [sflag:s24] =	dma.local [spmem:s20], $0x800  }
0x62: {  	_ =	swait.ge [sflag:s17], $0x800  }
0x63: {  	[sflag:s17] =	ssyncset.done $0x0  }
0x64: {  	[sflag:s17] =	ssyncadd.s32 $0xFFFFF800  }
0x65: {  	[hbm:s13], [sflag:s24] =	dma.local [spmem:s21], $0x800  }
0x66: {  	_ =	swait.ge [sflag:s17], $0x800  }
0x67: {  	[sflag:s17] =	ssyncset.done $0x0  }
0x68: {  	[sflag:s17] =	ssyncadd.s32 $0xFFFFF800  }
0x69: {  	[hbm:s14], [sflag:s24] =	dma.local [spmem:s22], $0x800  }
0x6a: {  	s2 =	sadd.s32 $0x1, s2;
	_ =	swait.ge [sflag:s17], $0x800  }
0x6b: {  	p0 =	sne.s32 s2, s7;
	[sflag:s17] =	ssyncset.done $0x0  }
.Ltmp3:
0x6c: {  	[sflag:s17] =	ssyncadd.s32 $0xFFFFF800;
	(pc) =	sbr.rel @p0 .LBB2_1-.Ltmp3, $4  }
0x6d: {  	[hbm:s15], [sflag:s24] =	dma.local [spmem:s23], $0x800  }
0x6e: {  	_ =	swait.ge [sflag:s17], $0x800  }
0x6f: {  	[sflag:s17] =	ssyncset.done $0x0  }
0x70: {  	[sflag:s17] =	ssyncadd.s32 $0xFFFFF800  }
0x71: {  	_ =	sfence.sel $0x180000  }
0x72: {  	[bflag:$0x0] =	sbarrier.arrive $0xFFFF  }
0x73: {  	p0 =	sne.s32 s3, $0x0;
	_ =	strace $0x90000047  }
0x74: {  	s0 =	sadd.s32 @!p0 $0x100000, s0;
	[bflag:$0x2] =	sbarrier.arrive $0xFFFF  }
0x75: {  	[sflag:s0] =	ssyncadd.tile.s32 @!p0 $0x1;
	_ =	shalt  }
.Lfunc_end2:
_tile_overlayer_lowered:
.L_overlay_start_2:
0x76: {  	(tag) =	ssettag $0x2  }
0x77: {  	s0 =	rddreg [dreg:$0x0];
	s2 =	stileid.u32  }
0x78: {  	s1 =	rddreg [dreg:$0x1];
	p0 =	sne.s32 s2, $0x0  }
0x79: {  	s3 =	rddreg [dreg:$0x2];
	[bflag:$0x3] =	sbarrier.arrive $0xFFFF;
	s2 =	simm.s32 @!p0 $0x1C01  }
0x7a: {  	[timem:s3], [sflag:s2] =	dma.local @!p0 [hbm:s0], s1  }
0x7b: {  	s0 =	simm.s32 @!p0 $0x1  }
0x7c: {  	_ =	swait.ge @!p0 [sflag:s0], s1  }
0x7d: {  	s1 =	ssub.s32 @!p0 $0x0, s1;
	[sflag:s0] =	ssyncset.done @!p0 $0x0  }
0x7e: {  	[sflag:s0] =	ssyncadd.s32 @!p0 s1  }
0x7f: {  	[bflag:$0x3] =	sbarrier.arrive $0xFFFF  }
0x80: {  	_ =	shalt  }

</sc_bundles>
